<compile_context>
chip_gen: v7x
topology: tpu7x:2x2x1
jax: 0.10.2.dev20260603
libtpu: 0.0.44.dev20260713+nightly
codegen_flags: <defaults>
</compile_context>

<pallas_src>
import jax
import jax.numpy as jnp
from jax import lax
from jax.experimental import pallas as pl
from jax.experimental.pallas import tpu as pltpu
from jax.experimental.pallas import tpu_sc as plsc

N_CLASSES = 1000000
D = 128
C1, C2, C3 = 10000, 60000, 190000
T2 = N_CLASSES - C3
T2_ROWS = 14000
X_ROWS = C3 + T2_ROWS
TBLK = 2000
N_TOK = 1024 * 200

NC, NS = 2, 16
NW = NC * NS
TOK_PER_W = N_TOK // NW
CHUNK = 640
SUB = 128
N_CHUNKS = TOK_PER_W // CHUNK

MB = 2048
N_MB = N_TOK // MB


def _table_body(hemb, hw, te0, tl0, te1, tl1, t2p, out):
    pid = pl.program_id(0)

    @pl.when(pid < C1 // TBLK)
    def _():
        out[...] = jnp.dot(hemb[...], hw[...].T,
                           preferred_element_type=jnp.float32)

    @pl.when((pid >= C1 // TBLK) & (pid < C2 // TBLK))
    def _():
        out[...] = jnp.dot(te0[...], tl0[...],
                           preferred_element_type=jnp.float32)

    @pl.when((pid >= C2 // TBLK) & (pid < C3 // TBLK))
    def _():
        out[...] = jnp.dot(te1[...], tl1[...],
                           preferred_element_type=jnp.float32)

    @pl.when(pid >= C3 // TBLK)
    def _():
        out[...] = t2p[...]


def _build_table(hemb, hw, te0, tl0, te1, tl1, t2p):
    b0, b1, b2 = C1 // TBLK, C2 // TBLK, C3 // TBLK
    nblk = X_ROWS // TBLK
    return pl.pallas_call(
        _table_body,
        grid=(nblk,),
        in_specs=[
            pl.BlockSpec((TBLK, D), lambda i: (jnp.minimum(i, b0 - 1), 0)),
            pl.BlockSpec((D, D), lambda i: (0, 0)),
            pl.BlockSpec((TBLK, 32),
                         lambda i: (jnp.clip(i - b0, 0, (C2 - C1) // TBLK - 1), 0)),
            pl.BlockSpec((32, D), lambda i: (0, 0)),
            pl.BlockSpec((TBLK, 8),
                         lambda i: (jnp.clip(i - b1, 0, (C3 - C2) // TBLK - 1), 0)),
            pl.BlockSpec((8, D), lambda i: (0, 0)),
            pl.BlockSpec((TBLK, D),
                         lambda i: (jnp.clip(i - b2, 0, T2_ROWS // TBLK - 1), 0)),
        ],
        out_specs=pl.BlockSpec((TBLK, D), lambda i: (i, 0)),
        out_shape=jax.ShapeDtypeStruct((X_ROWS, D), jnp.float32),
    )(hemb, hw, te0, tl0, te1, tl1, t2p)


def _gather_body(idx_hbm, x_hbm, g_out, e2lo_out, e2hi_out,
                 idx_v, tidx_v, lane_v, rows_v, e2lo_v, e2hi_v, sem1, sem2):
    wid = lax.axis_index("s") * NC + lax.axis_index("c")
    base = wid * TOK_PER_W

    def body(c, carry):
        off = base + c * CHUNK
        pltpu.sync_copy(idx_hbm.at[pl.ds(off, CHUNK)], idx_v)
        for j in range(CHUNK // 16):
            sl = pl.ds(j * 16, 16)
            v = idx_v[sl]
            u = jnp.minimum(jnp.maximum(v - C3, 0), T2 - 1)
            tidx_v[sl] = jnp.where(v < C3, v, C3 + (u >> 6))
            lane_v[sl] = u & 63
        cps = [pltpu.async_copy(x_hbm.at[tidx_v.at[pl.ds(k * SUB, SUB)]],
                                rows_v.at[pl.ds(k * SUB, SUB), :], sem1)
               for k in range(CHUNK // SUB)]
        for cp in cps:
            cp.wait()
        wbg = pltpu.async_copy(rows_v, g_out.at[pl.ds(off, CHUNK)], sem2)
        for j in range(CHUNK // 16):
            sl = pl.ds(j * 16, 16)
            toks = lax.iota(jnp.int32, 16) + (j * 16)
            c0 = lane_v[sl]
            e2lo_v[sl] = plsc.load_gather(rows_v, [toks, c0])
            e2hi_v[sl] = plsc.load_gather(rows_v, [toks, c0 + 64])
        pltpu.sync_copy(e2lo_v, e2lo_out.at[pl.ds(off, CHUNK)])
        pltpu.sync_copy(e2hi_v, e2hi_out.at[pl.ds(off, CHUNK)])
        wbg.wait()
        return carry

    lax.fori_loop(0, N_CHUNKS, body, 0)


def _gather_call():
    return pl.kernel(
        _gather_body,
        out_type=(jax.ShapeDtypeStruct((N_TOK, D), jnp.float32),
                  jax.ShapeDtypeStruct((N_TOK,), jnp.float32),
                  jax.ShapeDtypeStruct((N_TOK,), jnp.float32)),
        mesh=plsc.VectorSubcoreMesh(core_axis_name="c", subcore_axis_name="s"),
        compiler_params=pltpu.CompilerParams(needs_layout_passes=False),
        scratch_types=[
            pltpu.VMEM((CHUNK,), jnp.int32),
            pltpu.VMEM((CHUNK,), jnp.int32),
            pltpu.VMEM((CHUNK,), jnp.int32),
            pltpu.VMEM((CHUNK, D), jnp.float32),
            pltpu.VMEM((CHUNK,), jnp.float32),
            pltpu.VMEM((CHUNK,), jnp.float32),
            pltpu.SemaphoreType.DMA,
            pltpu.SemaphoreType.DMA,
        ],
    )


def _merge_body(idx_ref, g_ref, e2lo_ref, e2hi_ref, tl2_ref, out_ref):
    mask = idx_ref[...] < C3
    dense = (e2lo_ref[...] * tl2_ref[0:1, :]
             + e2hi_ref[...] * tl2_ref[1:2, :])
    out_ref[...] = jnp.where(mask, g_ref[...], dense)


def _merge(idx_col, g, e2lo, e2hi, tl2):
    return pl.pallas_call(
        _merge_body,
        grid=(N_MB,),
        in_specs=[
            pl.BlockSpec((MB, 1), lambda i: (i, 0)),
            pl.BlockSpec((MB, D), lambda i: (i, 0)),
            pl.BlockSpec((MB, 1), lambda i: (i, 0)),
            pl.BlockSpec((MB, 1), lambda i: (i, 0)),
            pl.BlockSpec((2, D), lambda i: (0, 0)),
        ],
        out_specs=pl.BlockSpec((MB, D), lambda i: (i, 0)),
        out_shape=jax.ShapeDtypeStruct((N_TOK, D), jnp.float32),
    )(idx_col, g, e2lo, e2hi, tl2)


def kernel(input, head_emb, head_w, tail_emb_0, tail_lin_0,
           tail_emb_1, tail_lin_1, tail_emb_2, tail_lin_2):
    orig_shape = input.shape
    flat = input.reshape(-1)

    pad = T2_ROWS * 64 - T2
    lo2 = jnp.pad(tail_emb_2[:, 0], (0, pad)).reshape(T2_ROWS, 64)
    hi2 = jnp.pad(tail_emb_2[:, 1], (0, pad)).reshape(T2_ROWS, 64)
    t2p = jnp.concatenate([lo2, hi2], axis=1)

    table = _build_table(head_emb, head_w, tail_emb_0, tail_lin_0,
                         tail_emb_1, tail_lin_1, t2p)

    gathered, e2lo, e2hi = _gather_call()(flat, table)

    idx_col = flat.reshape(N_TOK, 1)
    out = _merge(idx_col, gathered, e2lo.reshape(N_TOK, 1),
                 e2hi.reshape(N_TOK, 1), tail_lin_2)
    return out.reshape(orig_shape + (D,))

# --- scband reference (transcript-rebuilt; emitter-appended) ---
"""Pipeline reference for scband-adaptive-input-43550968381892 (READ-ONLY COPY).

The authoritative reference and input builder live on the scoring server;
editing this copy changes nothing except your own understanding.
"""

import jax, jax.numpy as jnp
import numpy as np

N_CLASSES = 1000000
IN_FEATURES = 128
CUTOFFS = [10000, 60000, 190000, N_CLASSES]
HEAD_SIZE = CUTOFFS[0]
# tail cluster sizes: hsz_i = in_features // div_value**(i+1), osz_i = cutoffs[i+1]-cutoffs[i]
TAIL_SPECS = [(50000, 32), (130000, 8), (810000, 2)]  # (osz, hsz)


def setup_inputs(seed: int = 0) -> dict:
    key = jax.random.key(seed)
    ks = jax.random.split(key, 10)
    indices = jax.random.randint(ks[0], (1024, 200), 0, N_CLASSES, dtype=jnp.int32)
    head_emb = jax.random.normal(ks[1], (HEAD_SIZE, IN_FEATURES), dtype=jnp.float32) * 0.02
    head_w = jax.random.normal(ks[2], (IN_FEATURES, IN_FEATURES), dtype=jnp.float32) * 0.02  # nn.Linear weight [out, in]
    out = {"input": indices, "head_emb": head_emb, "head_w": head_w}
    for i, (osz, hsz) in enumerate(TAIL_SPECS):
        out[f"tail_emb_{i}"] = jax.random.normal(ks[3 + 2 * i], (osz, hsz), dtype=jnp.float32) * 0.02
        out[f"tail_lin_{i}"] = jax.random.normal(ks[4 + 2 * i], (hsz, IN_FEATURES), dtype=jnp.float32) * 0.02  # Embedding(hsz, in_features) weight
    return out


def reference(input, head_emb, head_w, tail_emb_0, tail_lin_0, tail_emb_1, tail_lin_1, tail_emb_2, tail_lin_2):
    orig_shape = input.shape
    flat = input.reshape(-1)
    n = flat.shape[0]
    out = jnp.zeros((n, IN_FEATURES), dtype=jnp.float32)
    cutoff_values = [0] + CUTOFFS
    tail_embs = [tail_emb_0, tail_emb_1, tail_emb_2]
    tail_lins = [tail_lin_0, tail_lin_1, tail_lin_2]
    for i in range(len(cutoff_values) - 1):
        low, high = cutoff_values[i], cutoff_values[i + 1]
        mask = (flat >= low) & (flat < high)
        local = jnp.clip(flat - low, 0, high - low - 1)
        if i == 0:
            # head: Embedding -> Linear (y = x @ W.T, no bias)
            e = jnp.take(head_emb, local, axis=0) @ head_w.T
        else:
            # tail: Embedding -> F.linear(x, lin.weight.t()) == x @ lin.weight
            e = jnp.take(tail_embs[i - 1], local, axis=0) @ tail_lins[i - 1]
        out = jnp.where(mask[:, None], e, out)
    return out.reshape(orig_shape + (IN_FEATURES,))

if __name__ == "__main__":
    import jax
    _d = setup_inputs()
    print(jax.jit(kernel)(*tuple(_d.values())))

</pallas_src>

<mosaic_0001>
#map = affine_map<(d0, d1) -> (0)>
#map1 = affine_map<(d0, d1) -> (0, 0)>
module attributes {stable_mosaic.version = 14 : i64} {
  func.func @_gather_body(%arg0: i32, %arg1: i32, %arg2: memref<204800xi32, #tpu.memory_space<hbm>>, %arg3: memref<204000x128xf32, #tpu.memory_space<hbm>>, %arg4: memref<204800x128xf32, #tpu.memory_space<hbm>>, %arg5: memref<204800xf32, #tpu.memory_space<hbm>>, %arg6: memref<204800xf32, #tpu.memory_space<hbm>>, %arg7: memref<640xi32, #tpu.memory_space<vmem>>, %arg8: memref<640xi32, #tpu.memory_space<vmem>>, %arg9: memref<640xi32, #tpu.memory_space<vmem>>, %arg10: memref<640x128xf32, #tpu.memory_space<vmem>>, %arg11: memref<640xf32, #tpu.memory_space<vmem>>, %arg12: memref<640xf32, #tpu.memory_space<vmem>>, %arg13: memref<!tpu.dma_semaphore, #tpu.memory_space<semaphore_mem>>, %arg14: memref<!tpu.dma_semaphore, #tpu.memory_space<semaphore_mem>>) attributes {dimension_semantics = [#tpu.dimension_semantics<core_parallel>, #tpu.dimension_semantics<subcore_parallel>], iteration_bounds = array<i64: 2, 16>, scalar_prefetch = 0 : i64, scratch_operands = 8 : i64, tpu.core_type = #tpu.core_type<sc_vector_subcore>, window_params = [{transform_indices = #map}, {transform_indices = #map1}, {transform_indices = #map1}, {transform_indices = #map}, {transform_indices = #map}]} {
    %mul3A = arith.constant 2 : i32
    %mul3A_0 = arith.muli %arg1, %mul3A : i32
    %add3A = arith.addi %mul3A_0, %arg0 : i32
    %mul3A_1 = arith.constant 6400 : i32
    %mul3A_2 = arith.muli %add3A, %mul3A_1 : i32
    %scan3A = arith.constant 0 : i32
    %scan3A_3 = arith.constant 0 : i32
    %scan3A_4 = arith.constant 10 : i32
    %scan3A_5 = arith.addi %scan3A_3, %scan3A_4 : i32
    %scan3A_6 = arith.constant 1 : i32
    scf.for %scan3A_8 = %scan3A_3 to %scan3A_5 step %scan3A_6  : i32 {
      %mul3A_9 = arith.constant 640 : i32
      %mul3A_10 = arith.muli %scan3A_8, %mul3A_9 : i32
      %add3A_11 = arith.addi %mul3A_2, %mul3A_10 : i32
      "tpu.region"() ({
        %run_scoped3A = tpu.sem_alloc : memref<!tpu.dma_semaphore, #tpu.memory_space<semaphore_mem>>
        %dma_start3A_1807 = tpu.memref_slice %arg2[%add3A_11] : memref<204800xi32, #tpu.memory_space<hbm>> -> memref<640xi32, #tpu.memory_space<hbm>>
        %dma_start3A_1808 = tpu.memref_slice %arg2[%add3A_11] : memref<204800xi32, #tpu.memory_space<hbm>> -> memref<640xi32, #tpu.memory_space<hbm>>
        tpu.enqueue_dma source(%dma_start3A_1808 : memref<640xi32, #tpu.memory_space<hbm>>) target(%arg7 : memref<640xi32, #tpu.memory_space<vmem>>) target_semaphore(%run_scoped3A : memref<!tpu.dma_semaphore, #tpu.memory_space<semaphore_mem>>)
        %dma_wait3A_1809 = tpu.memref_slice %arg2[%add3A_11] : memref<204800xi32, #tpu.memory_space<hbm>> -> memref<640xi32, #tpu.memory_space<hbm>>
        %dma_wait3A_1810 = tpu.memref_slice %arg2[%add3A_11] : memref<204800xi32, #tpu.memory_space<hbm>> -> memref<640xi32, #tpu.memory_space<hbm>>
        tpu.wait_dma2 semaphore(%run_scoped3A : memref<!tpu.dma_semaphore, #tpu.memory_space<semaphore_mem>>) src(%dma_wait3A_1810 : memref<640xi32, #tpu.memory_space<hbm>>) dst(%arg7 : memref<640xi32, #tpu.memory_space<vmem>>)
        tpu.yield
      }) : () -> ()
      %get3A = arith.constant 0 : index
      %get3A_12 = tpu.vector_load %arg7[%get3A] {strides = array<i32>} : memref<640xi32, #tpu.memory_space<vmem>>, vector<16xi32>,
      %sub3A = arith.constant 190000 : i32
      %sub3A_13 = vector.broadcast %sub3A : i32 to vector<16xi32>
      %sub3A_14 = arith.subi %get3A_12, %sub3A_13 : vector<16xi32>
      %max3A = arith.constant 0 : i32
      %max3A_15 = vector.broadcast %max3A : i32 to vector<16xi32>
      %max3A_16 = arith.maxsi %sub3A_14, %max3A_15 : vector<16xi32>
      %min3A = arith.constant 809999 : i32
      %min3A_17 = vector.broadcast %min3A : i32 to vector<16xi32>
      %min3A_18 = arith.minsi %max3A_16, %min3A_17 : vector<16xi32>
      %lt3A = arith.constant 190000 : i32
      %lt3A_19 = vector.broadcast %lt3A : i32 to vector<16xi32>
      %lt3A_20 = arith.cmpi slt, %get3A_12, %lt3A_19 : vector<16xi32>
      %shift_right_arithmetic3A = arith.constant 6 : i32
      %shift_right_arithmetic3A_21 = vector.broadcast %shift_right_arithmetic3A : i32 to vector<16xi32>
      %shift_right_arithmetic3A_22 = arith.shrsi %min3A_18, %shift_right_arithmetic3A_21 : vector<16xi32>
      %add3A_23 = arith.constant 190000 : i32
      %add3A_24 = vector.broadcast %add3A_23 : i32 to vector<16xi32>
      %add3A_25 = arith.addi %add3A_24, %shift_right_arithmetic3A_22 : vector<16xi32>
      %select_n3A = arith.select %lt3A_20, %get3A_12, %add3A_25 : vector<16xi1>, vector<16xi32>
      %swap3A = arith.constant 0 : index
      %swap3A_26 = tpu.vector_load %arg8[%swap3A] {strides = array<i32>} : memref<640xi32, #tpu.memory_space<vmem>>, vector<16xi32>,
      tpu.vector_store %arg8[%swap3A], %select_n3A {strides = array<i32>} : memref<640xi32, #tpu.memory_space<vmem>>, vector<16xi32>,
      %and3A = arith.constant 63 : i32
      %and3A_27 = vector.broadcast %and3A : i32 to vector<16xi32>
      %and3A_28 = arith.andi %min3A_18, %and3A_27 : vector<16xi32>
      %swap3A_29 = arith.constant 0 : index
      %swap3A_30 = tpu.vector_load %arg9[%swap3A_29] {strides = array<i32>} : memref<640xi32, #tpu.memory_space<vmem>>, vector<16xi32>,
      tpu.vector_store %arg9[%swap3A_29], %and3A_28 {strides = array<i32>} : memref<640xi32, #tpu.memory_space<vmem>>, vector<16xi32>,
      %get3A_31 = arith.constant 16 : index
      %get3A_32 = tpu.vector_load %arg7[%get3A_31] {strides = array<i32>} : memref<640xi32, #tpu.memory_space<vmem>>, vector<16xi32>,
      %sub3A_33 = arith.constant 190000 : i32
      %sub3A_34 = vector.broadcast %sub3A_33 : i32 to vector<16xi32>
      %sub3A_35 = arith.subi %get3A_32, %sub3A_34 : vector<16xi32>
      %max3A_36 = arith.constant 0 : i32
      %max3A_37 = vector.broadcast %max3A_36 : i32 to vector<16xi32>
      %max3A_38 = arith.maxsi %sub3A_35, %max3A_37 : vector<16xi32>
      %min3A_39 = arith.constant 809999 : i32
      %min3A_40 = vector.broadcast %min3A_39 : i32 to vector<16xi32>
      %min3A_41 = arith.minsi %max3A_38, %min3A_40 : vector<16xi32>
      %lt3A_42 = arith.constant 190000 : i32
      %lt3A_43 = vector.broadcast %lt3A_42 : i32 to vector<16xi32>
      %lt3A_44 = arith.cmpi slt, %get3A_32, %lt3A_43 : vector<16xi32>
      %shift_right_arithmetic3A_45 = arith.constant 6 : i32
      %shift_right_arithmetic3A_46 = vector.broadcast %shift_right_arithmetic3A_45 : i32 to vector<16xi32>
      %shift_right_arithmetic3A_47 = arith.shrsi %min3A_41, %shift_right_arithmetic3A_46 : vector<16xi32>
      %add3A_48 = arith.constant 190000 : i32
      %add3A_49 = vector.broadcast %add3A_48 : i32 to vector<16xi32>
      %add3A_50 = arith.addi %add3A_49, %shift_right_arithmetic3A_47 : vector<16xi32>
      %select_n3A_51 = arith.select %lt3A_44, %get3A_32, %add3A_50 : vector<16xi1>, vector<16xi32>
      %swap3A_52 = arith.constant 16 : index
      %swap3A_53 = tpu.vector_load %arg8[%swap3A_52] {strides = array<i32>} : memref<640xi32, #tpu.memory_space<vmem>>, vector<16xi32>,
      tpu.vector_store %arg8[%swap3A_52], %select_n3A_51 {strides = array<i32>} : memref<640xi32, #tpu.memory_space<vmem>>, vector<16xi32>,
      %and3A_54 = arith.constant 63 : i32
      %and3A_55 = vector.broadcast %and3A_54 : i32 to vector<16xi32>
      %and3A_56 = arith.andi %min3A_41, %and3A_55 : vector<16xi32>
      %swap3A_57 = arith.constant 16 : index
      %swap3A_58 = tpu.vector_load %arg9[%swap3A_57] {strides = array<i32>} : memref<640xi32, #tpu.memory_space<vmem>>, vector<16xi32>,
      tpu.vector_store %arg9[%swap3A_57], %and3A_56 {strides = array<i32>} : memref<640xi32, #tpu.memory_space<vmem>>, vector<16xi32>,
      %get3A_59 = arith.constant 32 : index
      %get3A_60 = tpu.vector_load %arg7[%get3A_59] {strides = array<i32>} : memref<640xi32, #tpu.memory_space<vmem>>, vector<16xi32>,
      %sub3A_61 = arith.constant 190000 : i32
      %sub3A_62 = vector.broadcast %sub3A_61 : i32 to vector<16xi32>
      %sub3A_63 = arith.subi %get3A_60, %sub3A_62 : vector<16xi32>
      %max3A_64 = arith.constant 0 : i32
      %max3A_65 = vector.broadcast %max3A_64 : i32 to vector<16xi32>
      %max3A_66 = arith.maxsi %sub3A_63, %max3A_65 : vector<16xi32>
      %min3A_67 = arith.constant 809999 : i32
      %min3A_68 = vector.broadcast %min3A_67 : i32 to vector<16xi32>
      %min3A_69 = arith.minsi %max3A_66, %min3A_68 : vector<16xi32>
      %lt3A_70 = arith.constant 190000 : i32
      %lt3A_71 = vector.broadcast %lt3A_70 : i32 to vector<16xi32>
      %lt3A_72 = arith.cmpi slt, %get3A_60, %lt3A_71 : vector<16xi32>
      %shift_right_arithmetic3A_73 = arith.constant 6 : i32
      %shift_right_arithmetic3A_74 = vector.broadcast %shift_right_arithmetic3A_73 : i32 to vector<16xi32>
      %shift_right_arithmetic3A_75 = arith.shrsi %min3A_69, %shift_right_arithmetic3A_74 : vector<16xi32>
      %add3A_76 = arith.constant 190000 : i32
      %add3A_77 = vector.broadcast %add3A_76 : i32 to vector<16xi32>
      %add3A_78 = arith.addi %add3A_77, %shift_right_arithmetic3A_75 : vector<16xi32>
      %select_n3A_79 = arith.select %lt3A_72, %get3A_60, %add3A_78 : vector<16xi1>, vector<16xi32>
      %swap3A_80 = arith.constant 32 : index
      %swap3A_81 = tpu.vector_load %arg8[%swap3A_80] {strides = array<i32>} : memref<640xi32, #tpu.memory_space<vmem>>, vector<16xi32>,
      tpu.vector_store %arg8[%swap3A_80], %select_n3A_79 {strides = array<i32>} : memref<640xi32, #tpu.memory_space<vmem>>, vector<16xi32>,
      %and3A_82 = arith.constant 63 : i32
      %and3A_83 = vector.broadcast %and3A_82 : i32 to vector<16xi32>
      %and3A_84 = arith.andi %min3A_69, %and3A_83 : vector<16xi32>
      %swap3A_85 = arith.constant 32 : index
      %swap3A_86 = tpu.vector_load %arg9[%swap3A_85] {strides = array<i32>} : memref<640xi32, #tpu.memory_space<vmem>>, vector<16xi32>,
      tpu.vector_store %arg9[%swap3A_85], %and3A_84 {strides = array<i32>} : memref<640xi32, #tpu.memory_space<vmem>>, vector<16xi32>,
      %get3A_87 = arith.constant 48 : index
      %get3A_88 = tpu.vector_load %arg7[%get3A_87] {strides = array<i32>} : memref<640xi32, #tpu.memory_space<vmem>>, vector<16xi32>,
      %sub3A_89 = arith.constant 190000 : i32
      %sub3A_90 = vector.broadcast %sub3A_89 : i32 to vector<16xi32>
      %sub3A_91 = arith.subi %get3A_88, %sub3A_90 : vector<16xi32>
      %max3A_92 = arith.constant 0 : i32
      %max3A_93 = vector.broadcast %max3A_92 : i32 to vector<16xi32>
      %max3A_94 = arith.maxsi %sub3A_91, %max3A_93 : vector<16xi32>
      %min3A_95 = arith.constant 809999 : i32
      %min3A_96 = vector.broadcast %min3A_95 : i32 to vector<16xi32>
      %min3A_97 = arith.minsi %max3A_94, %min3A_96 : vector<16xi32>
      %lt3A_98 = arith.constant 190000 : i32
      %lt3A_99 = vector.broadcast %lt3A_98 : i32 to vector<16xi32>
      %lt3A_100 = arith.cmpi slt, %get3A_88, %lt3A_99 : vector<16xi32>
      %shift_right_arithmetic3A_101 = arith.constant 6 : i32
      %shift_right_arithmetic3A_102 = vector.broadcast %shift_right_arithmetic3A_101 : i32 to vector<16xi32>
      %shift_right_arithmetic3A_103 = arith.shrsi %min3A_97, %shift_right_arithmetic3A_102 : vector<16xi32>
      %add3A_104 = arith.constant 190000 : i32
      %add3A_105 = vector.broadcast %add3A_104 : i32 to vector<16xi32>
      %add3A_106 = arith.addi %add3A_105, %shift_right_arithmetic3A_103 : vector<16xi32>
      %select_n3A_107 = arith.select %lt3A_100, %get3A_88, %add3A_106 : vector<16xi1>, vector<16xi32>
      %swap3A_108 = arith.constant 48 : index
      %swap3A_109 = tpu.vector_load %arg8[%swap3A_108] {strides = array<i32>} : memref<640xi32, #tpu.memory_space<vmem>>, vector<16xi32>,
      tpu.vector_store %arg8[%swap3A_108], %select_n3A_107 {strides = array<i32>} : memref<640xi32, #tpu.memory_space<vmem>>, vector<16xi32>,
      %and3A_110 = arith.constant 63 : i32
      %and3A_111 = vector.broadcast %and3A_110 : i32 to vector<16xi32>
      %and3A_112 = arith.andi %min3A_97, %and3A_111 : vector<16xi32>
      %swap3A_113 = arith.constant 48 : index
      %swap3A_114 = tpu.vector_load %arg9[%swap3A_113] {strides = array<i32>} : memref<640xi32, #tpu.memory_space<vmem>>, vector<16xi32>,
      tpu.vector_store %arg9[%swap3A_113], %and3A_112 {strides = array<i32>} : memref<640xi32, #tpu.memory_space<vmem>>, vector<16xi32>,
      %get3A_115 = arith.constant 64 : index
      %get3A_116 = tpu.vector_load %arg7[%get3A_115] {strides = array<i32>} : memref<640xi32, #tpu.memory_space<vmem>>, vector<16xi32>,
      %sub3A_117 = arith.constant 190000 : i32
      %sub3A_118 = vector.broadcast %sub3A_117 : i32 to vector<16xi32>
      %sub3A_119 = arith.subi %get3A_116, %sub3A_118 : vector<16xi32>
      %max3A_120 = arith.constant 0 : i32
      %max3A_121 = vector.broadcast %max3A_120 : i32 to vector<16xi32>
      %max3A_122 = arith.maxsi %sub3A_119, %max3A_121 : vector<16xi32>
      %min3A_123 = arith.constant 809999 : i32
      %min3A_124 = vector.broadcast %min3A_123 : i32 to vector<16xi32>
      %min3A_125 = arith.minsi %max3A_122, %min3A_124 : vector<16xi32>
      %lt3A_126 = arith.constant 190000 : i32
      %lt3A_127 = vector.broadcast %lt3A_126 : i32 to vector<16xi32>
      %lt3A_128 = arith.cmpi slt, %get3A_116, %lt3A_127 : vector<16xi32>
      %shift_right_arithmetic3A_129 = arith.constant 6 : i32
      %shift_right_arithmetic3A_130 = vector.broadcast %shift_right_arithmetic3A_129 : i32 to vector<16xi32>
      %shift_right_arithmetic3A_131 = arith.shrsi %min3A_125, %shift_right_arithmetic3A_130 : vector<16xi32>
      %add3A_132 = arith.constant 190000 : i32
      %add3A_133 = vector.broadcast %add3A_132 : i32 to vector<16xi32>
      %add3A_134 = arith.addi %add3A_133, %shift_right_arithmetic3A_131 : vector<16xi32>
      %select_n3A_135 = arith.select %lt3A_128, %get3A_116, %add3A_134 : vector<16xi1>, vector<16xi32>
      %swap3A_136 = arith.constant 64 : index
      %swap3A_137 = tpu.vector_load %arg8[%swap3A_136] {strides = array<i32>} : memref<640xi32, #tpu.memory_space<vmem>>, vector<16xi32>,
      tpu.vector_store %arg8[%swap3A_136], %select_n3A_135 {strides = array<i32>} : memref<640xi32, #tpu.memory_space<vmem>>, vector<16xi32>,
      %and3A_138 = arith.constant 63 : i32
      %and3A_139 = vector.broadcast %and3A_138 : i32 to vector<16xi32>
      %and3A_140 = arith.andi %min3A_125, %and3A_139 : vector<16xi32>
      %swap3A_141 = arith.constant 64 : index
      %swap3A_142 = tpu.vector_load %arg9[%swap3A_141] {strides = array<i32>} : memref<640xi32, #tpu.memory_space<vmem>>, vector<16xi32>,
      tpu.vector_store %arg9[%swap3A_141], %and3A_140 {strides = array<i32>} : memref<640xi32, #tpu.memory_space<vmem>>, vector<16xi32>,
      %get3A_143 = arith.constant 80 : index
      %get3A_144 = tpu.vector_load %arg7[%get3A_143] {strides = array<i32>} : memref<640xi32, #tpu.memory_space<vmem>>, vector<16xi32>,
      %sub3A_145 = arith.constant 190000 : i32
      %sub3A_146 = vector.broadcast %sub3A_145 : i32 to vector<16xi32>
      %sub3A_147 = arith.subi %get3A_144, %sub3A_146 : vector<16xi32>
      %max3A_148 = arith.constant 0 : i32
      %max3A_149 = vector.broadcast %max3A_148 : i32 to vector<16xi32>
      %max3A_150 = arith.maxsi %sub3A_147, %max3A_149 : vector<16xi32>
      %min3A_151 = arith.constant 809999 : i32
      %min3A_152 = vector.broadcast %min3A_151 : i32 to vector<16xi32>
      %min3A_153 = arith.minsi %max3A_150, %min3A_152 : vector<16xi32>
      %lt3A_154 = arith.constant 190000 : i32
      %lt3A_155 = vector.broadcast %lt3A_154 : i32 to vector<16xi32>
      %lt3A_156 = arith.cmpi slt, %get3A_144, %lt3A_155 : vector<16xi32>
      %shift_right_arithmetic3A_157 = arith.constant 6 : i32
      %shift_right_arithmetic3A_158 = vector.broadcast %shift_right_arithmetic3A_157 : i32 to vector<16xi32>
      %shift_right_arithmetic3A_159 = arith.shrsi %min3A_153, %shift_right_arithmetic3A_158 : vector<16xi32>
      %add3A_160 = arith.constant 190000 : i32
      %add3A_161 = vector.broadcast %add3A_160 : i32 to vector<16xi32>
      %add3A_162 = arith.addi %add3A_161, %shift_right_arithmetic3A_159 : vector<16xi32>
      %select_n3A_163 = arith.select %lt3A_156, %get3A_144, %add3A_162 : vector<16xi1>, vector<16xi32>
      %swap3A_164 = arith.constant 80 : index
      %swap3A_165 = tpu.vector_load %arg8[%swap3A_164] {strides = array<i32>} : memref<640xi32, #tpu.memory_space<vmem>>, vector<16xi32>,
      tpu.vector_store %arg8[%swap3A_164], %select_n3A_163 {strides = array<i32>} : memref<640xi32, #tpu.memory_space<vmem>>, vector<16xi32>,
      %and3A_166 = arith.constant 63 : i32
      %and3A_167 = vector.broadcast %and3A_166 : i32 to vector<16xi32>
      %and3A_168 = arith.andi %min3A_153, %and3A_167 : vector<16xi32>
      %swap3A_169 = arith.constant 80 : index
      %swap3A_170 = tpu.vector_load %arg9[%swap3A_169] {strides = array<i32>} : memref<640xi32, #tpu.memory_space<vmem>>, vector<16xi32>,
      tpu.vector_store %arg9[%swap3A_169], %and3A_168 {strides = array<i32>} : memref<640xi32, #tpu.memory_space<vmem>>, vector<16xi32>,
      %get3A_171 = arith.constant 96 : index
      %get3A_172 = tpu.vector_load %arg7[%get3A_171] {strides = array<i32>} : memref<640xi32, #tpu.memory_space<vmem>>, vector<16xi32>,
      %sub3A_173 = arith.constant 190000 : i32
      %sub3A_174 = vector.broadcast %sub3A_173 : i32 to vector<16xi32>
      %sub3A_175 = arith.subi %get3A_172, %sub3A_174 : vector<16xi32>
      %max3A_176 = arith.constant 0 : i32
      %max3A_177 = vector.broadcast %max3A_176 : i32 to vector<16xi32>
      %max3A_178 = arith.maxsi %sub3A_175, %max3A_177 : vector<16xi32>
      %min3A_179 = arith.constant 809999 : i32
      %min3A_180 = vector.broadcast %min3A_179 : i32 to vector<16xi32>
      %min3A_181 = arith.minsi %max3A_178, %min3A_180 : vector<16xi32>
      %lt3A_182 = arith.constant 190000 : i32
      %lt3A_183 = vector.broadcast %lt3A_182 : i32 to vector<16xi32>
      %lt3A_184 = arith.cmpi slt, %get3A_172, %lt3A_183 : vector<16xi32>
      %shift_right_arithmetic3A_185 = arith.constant 6 : i32
      %shift_right_arithmetic3A_186 = vector.broadcast %shift_right_arithmetic3A_185 : i32 to vector<16xi32>
      %shift_right_arithmetic3A_187 = arith.shrsi %min3A_181, %shift_right_arithmetic3A_186 : vector<16xi32>
      %add3A_188 = arith.constant 190000 : i32
      %add3A_189 = vector.broadcast %add3A_188 : i32 to vector<16xi32>
      %add3A_190 = arith.addi %add3A_189, %shift_right_arithmetic3A_187 : vector<16xi32>
      %select_n3A_191 = arith.select %lt3A_184, %get3A_172, %add3A_190 : vector<16xi1>, vector<16xi32>
      %swap3A_192 = arith.constant 96 : index
      %swap3A_193 = tpu.vector_load %arg8[%swap3A_192] {strides = array<i32>} : memref<640xi32, #tpu.memory_space<vmem>>, vector<16xi32>,
      tpu.vector_store %arg8[%swap3A_192], %select_n3A_191 {strides = array<i32>} : memref<640xi32, #tpu.memory_space<vmem>>, vector<16xi32>,
      %and3A_194 = arith.constant 63 : i32
      %and3A_195 = vector.broadcast %and3A_194 : i32 to vector<16xi32>
      %and3A_196 = arith.andi %min3A_181, %and3A_195 : vector<16xi32>
      %swap3A_197 = arith.constant 96 : index
      %swap3A_198 = tpu.vector_load %arg9[%swap3A_197] {strides = array<i32>} : memref<640xi32, #tpu.memory_space<vmem>>, vector<16xi32>,
      tpu.vector_store %arg9[%swap3A_197], %and3A_196 {strides = array<i32>} : memref<640xi32, #tpu.memory_space<vmem>>, vector<16xi32>,
      %get3A_199 = arith.constant 112 : index
      %get3A_200 = tpu.vector_load %arg7[%get3A_199] {strides = array<i32>} : memref<640xi32, #tpu.memory_space<vmem>>, vector<16xi32>,
      %sub3A_201 = arith.constant 190000 : i32
      %sub3A_202 = vector.broadcast %sub3A_201 : i32 to vector<16xi32>
      %sub3A_203 = arith.subi %get3A_200, %sub3A_202 : vector<16xi32>
      %max3A_204 = arith.constant 0 : i32
      %max3A_205 = vector.broadcast %max3A_204 : i32 to vector<16xi32>
      %max3A_206 = arith.maxsi %sub3A_203, %max3A_205 : vector<16xi32>
      %min3A_207 = arith.constant 809999 : i32
      %min3A_208 = vector.broadcast %min3A_207 : i32 to vector<16xi32>
      %min3A_209 = arith.minsi %max3A_206, %min3A_208 : vector<16xi32>
      %lt3A_210 = arith.constant 190000 : i32
      %lt3A_211 = vector.broadcast %lt3A_210 : i32 to vector<16xi32>
      %lt3A_212 = arith.cmpi slt, %get3A_200, %lt3A_211 : vector<16xi32>
      %shift_right_arithmetic3A_213 = arith.constant 6 : i32
      %shift_right_arithmetic3A_214 = vector.broadcast %shift_right_arithmetic3A_213 : i32 to vector<16xi32>
      %shift_right_arithmetic3A_215 = arith.shrsi %min3A_209, %shift_right_arithmetic3A_214 : vector<16xi32>
      %add3A_216 = arith.constant 190000 : i32
      %add3A_217 = vector.broadcast %add3A_216 : i32 to vector<16xi32>
      %add3A_218 = arith.addi %add3A_217, %shift_right_arithmetic3A_215 : vector<16xi32>
      %select_n3A_219 = arith.select %lt3A_212, %get3A_200, %add3A_218 : vector<16xi1>, vector<16xi32>
      %swap3A_220 = arith.constant 112 : index
      %swap3A_221 = tpu.vector_load %arg8[%swap3A_220] {strides = array<i32>} : memref<640xi32, #tpu.memory_space<vmem>>, vector<16xi32>,
      tpu.vector_store %arg8[%swap3A_220], %select_n3A_219 {strides = array<i32>} : memref<640xi32, #tpu.memory_space<vmem>>, vector<16xi32>,
      %and3A_222 = arith.constant 63 : i32
      %and3A_223 = vector.broadcast %and3A_222 : i32 to vector<16xi32>
      %and3A_224 = arith.andi %min3A_209, %and3A_223 : vector<16xi32>
      %swap3A_225 = arith.constant 112 : index
      %swap3A_226 = tpu.vector_load %arg9[%swap3A_225] {strides = array<i32>} : memref<640xi32, #tpu.memory_space<vmem>>, vector<16xi32>,
      tpu.vector_store %arg9[%swap3A_225], %and3A_224 {strides = array<i32>} : memref<640xi32, #tpu.memory_space<vmem>>, vector<16xi32>,
      %get3A_227 = arith.constant 128 : index
      %get3A_228 = tpu.vector_load %arg7[%get3A_227] {strides = array<i32>} : memref<640xi32, #tpu.memory_space<vmem>>, vector<16xi32>,
      %sub3A_229 = arith.constant 190000 : i32
      %sub3A_230 = vector.broadcast %sub3A_229 : i32 to vector<16xi32>
      %sub3A_231 = arith.subi %get3A_228, %sub3A_230 : vector<16xi32>
      %max3A_232 = arith.constant 0 : i32
      %max3A_233 = vector.broadcast %max3A_232 : i32 to vector<16xi32>
      %max3A_234 = arith.maxsi %sub3A_231, %max3A_233 : vector<16xi32>
      %min3A_235 = arith.constant 809999 : i32
      %min3A_236 = vector.broadcast %min3A_235 : i32 to vector<16xi32>
      %min3A_237 = arith.minsi %max3A_234, %min3A_236 : vector<16xi32>
      %lt3A_238 = arith.constant 190000 : i32
      %lt3A_239 = vector.broadcast %lt3A_238 : i32 to vector<16xi32>
      %lt3A_240 = arith.cmpi slt, %get3A_228, %lt3A_239 : vector<16xi32>
      %shift_right_arithmetic3A_241 = arith.constant 6 : i32
      %shift_right_arithmetic3A_242 = vector.broadcast %shift_right_arithmetic3A_241 : i32 to vector<16xi32>
      %shift_right_arithmetic3A_243 = arith.shrsi %min3A_237, %shift_right_arithmetic3A_242 : vector<16xi32>
      %add3A_244 = arith.constant 190000 : i32
      %add3A_245 = vector.broadcast %add3A_244 : i32 to vector<16xi32>
      %add3A_246 = arith.addi %add3A_245, %shift_right_arithmetic3A_243 : vector<16xi32>
      %select_n3A_247 = arith.select %lt3A_240, %get3A_228, %add3A_246 : vector<16xi1>, vector<16xi32>
      %swap3A_248 = arith.constant 128 : index
      %swap3A_249 = tpu.vector_load %arg8[%swap3A_248] {strides = array<i32>} : memref<640xi32, #tpu.memory_space<vmem>>, vector<16xi32>,
      tpu.vector_store %arg8[%swap3A_248], %select_n3A_247 {strides = array<i32>} : memref<640xi32, #tpu.memory_space<vmem>>, vector<16xi32>,
      %and3A_250 = arith.constant 63 : i32
      %and3A_251 = vector.broadcast %and3A_250 : i32 to vector<16xi32>
      %and3A_252 = arith.andi %min3A_237, %and3A_251 : vector<16xi32>
      %swap3A_253 = arith.constant 128 : index
      %swap3A_254 = tpu.vector_load %arg9[%swap3A_253] {strides = array<i32>} : memref<640xi32, #tpu.memory_space<vmem>>, vector<16xi32>,
      tpu.vector_store %arg9[%swap3A_253], %and3A_252 {strides = array<i32>} : memref<640xi32, #tpu.memory_space<vmem>>, vector<16xi32>,
      %get3A_255 = arith.constant 144 : index
      %get3A_256 = tpu.vector_load %arg7[%get3A_255] {strides = array<i32>} : memref<640xi32, #tpu.memory_space<vmem>>, vector<16xi32>,
      %sub3A_257 = arith.constant 190000 : i32
      %sub3A_258 = vector.broadcast %sub3A_257 : i32 to vector<16xi32>
      %sub3A_259 = arith.subi %get3A_256, %sub3A_258 : vector<16xi32>
      %max3A_260 = arith.constant 0 : i32
      %max3A_261 = vector.broadcast %max3A_260 : i32 to vector<16xi32>
      %max3A_262 = arith.maxsi %sub3A_259, %max3A_261 : vector<16xi32>
      %min3A_263 = arith.constant 809999 : i32
      %min3A_264 = vector.broadcast %min3A_263 : i32 to vector<16xi32>
      %min3A_265 = arith.minsi %max3A_262, %min3A_264 : vector<16xi32>
      %lt3A_266 = arith.constant 190000 : i32
      %lt3A_267 = vector.broadcast %lt3A_266 : i32 to vector<16xi32>
      %lt3A_268 = arith.cmpi slt, %get3A_256, %lt3A_267 : vector<16xi32>
      %shift_right_arithmetic3A_269 = arith.constant 6 : i32
      %shift_right_arithmetic3A_270 = vector.broadcast %shift_right_arithmetic3A_269 : i32 to vector<16xi32>
      %shift_right_arithmetic3A_271 = arith.shrsi %min3A_265, %shift_right_arithmetic3A_270 : vector<16xi32>
      %add3A_272 = arith.constant 190000 : i32
      %add3A_273 = vector.broadcast %add3A_272 : i32 to vector<16xi32>
      %add3A_274 = arith.addi %add3A_273, %shift_right_arithmetic3A_271 : vector<16xi32>
      %select_n3A_275 = arith.select %lt3A_268, %get3A_256, %add3A_274 : vector<16xi1>, vector<16xi32>
      %swap3A_276 = arith.constant 144 : index
      %swap3A_277 = tpu.vector_load %arg8[%swap3A_276] {strides = array<i32>} : memref<640xi32, #tpu.memory_space<vmem>>, vector<16xi32>,
      tpu.vector_store %arg8[%swap3A_276], %select_n3A_275 {strides = array<i32>} : memref<640xi32, #tpu.memory_space<vmem>>, vector<16xi32>,
      %and3A_278 = arith.constant 63 : i32
      %and3A_279 = vector.broadcast %and3A_278 : i32 to vector<16xi32>
      %and3A_280 = arith.andi %min3A_265, %and3A_279 : vector<16xi32>
      %swap3A_281 = arith.constant 144 : index
      %swap3A_282 = tpu.vector_load %arg9[%swap3A_281] {strides = array<i32>} : memref<640xi32, #tpu.memory_space<vmem>>, vector<16xi32>,
      tpu.vector_store %arg9[%swap3A_281], %and3A_280 {strides = array<i32>} : memref<640xi32, #tpu.memory_space<vmem>>, vector<16xi32>,
      %get3A_283 = arith.constant 160 : index
      %get3A_284 = tpu.vector_load %arg7[%get3A_283] {strides = array<i32>} : memref<640xi32, #tpu.memory_space<vmem>>, vector<16xi32>,
      %sub3A_285 = arith.constant 190000 : i32
      %sub3A_286 = vector.broadcast %sub3A_285 : i32 to vector<16xi32>
      %sub3A_287 = arith.subi %get3A_284, %sub3A_286 : vector<16xi32>
      %max3A_288 = arith.constant 0 : i32
      %max3A_289 = vector.broadcast %max3A_288 : i32 to vector<16xi32>
      %max3A_290 = arith.maxsi %sub3A_287, %max3A_289 : vector<16xi32>
      %min3A_291 = arith.constant 809999 : i32
      %min3A_292 = vector.broadcast %min3A_291 : i32 to vector<16xi32>
      %min3A_293 = arith.minsi %max3A_290, %min3A_292 : vector<16xi32>
      %lt3A_294 = arith.constant 190000 : i32
      %lt3A_295 = vector.broadcast %lt3A_294 : i32 to vector<16xi32>
      %lt3A_296 = arith.cmpi slt, %get3A_284, %lt3A_295 : vector<16xi32>
      %shift_right_arithmetic3A_297 = arith.constant 6 : i32
      %shift_right_arithmetic3A_298 = vector.broadcast %shift_right_arithmetic3A_297 : i32 to vector<16xi32>
      %shift_right_arithmetic3A_299 = arith.shrsi %min3A_293, %shift_right_arithmetic3A_298 : vector<16xi32>
      %add3A_300 = arith.constant 190000 : i32
      %add3A_301 = vector.broadcast %add3A_300 : i32 to vector<16xi32>
      %add3A_302 = arith.addi %add3A_301, %shift_right_arithmetic3A_299 : vector<16xi32>
      %select_n3A_303 = arith.select %lt3A_296, %get3A_284, %add3A_302 : vector<16xi1>, vector<16xi32>
      %swap3A_304 = arith.constant 160 : index
      %swap3A_305 = tpu.vector_load %arg8[%swap3A_304] {strides = array<i32>} : memref<640xi32, #tpu.memory_space<vmem>>, vector<16xi32>,
      tpu.vector_store %arg8[%swap3A_304], %select_n3A_303 {strides = array<i32>} : memref<640xi32, #tpu.memory_space<vmem>>, vector<16xi32>,
      %and3A_306 = arith.constant 63 : i32
      %and3A_307 = vector.broadcast %and3A_306 : i32 to vector<16xi32>
      %and3A_308 = arith.andi %min3A_293, %and3A_307 : vector<16xi32>
      %swap3A_309 = arith.constant 160 : index
      %swap3A_310 = tpu.vector_load %arg9[%swap3A_309] {strides = array<i32>} : memref<640xi32, #tpu.memory_space<vmem>>, vector<16xi32>,
      tpu.vector_store %arg9[%swap3A_309], %and3A_308 {strides = array<i32>} : memref<640xi32, #tpu.memory_space<vmem>>, vector<16xi32>,
      %get3A_311 = arith.constant 176 : index
      %get3A_312 = tpu.vector_load %arg7[%get3A_311] {strides = array<i32>} : memref<640xi32, #tpu.memory_space<vmem>>, vector<16xi32>,
      %sub3A_313 = arith.constant 190000 : i32
      %sub3A_314 = vector.broadcast %sub3A_313 : i32 to vector<16xi32>
      %sub3A_315 = arith.subi %get3A_312, %sub3A_314 : vector<16xi32>
      %max3A_316 = arith.constant 0 : i32
      %max3A_317 = vector.broadcast %max3A_316 : i32 to vector<16xi32>
      %max3A_318 = arith.maxsi %sub3A_315, %max3A_317 : vector<16xi32>
      %min3A_319 = arith.constant 809999 : i32
      %min3A_320 = vector.broadcast %min3A_319 : i32 to vector<16xi32>
      %min3A_321 = arith.minsi %max3A_318, %min3A_320 : vector<16xi32>
      %lt3A_322 = arith.constant 190000 : i32
      %lt3A_323 = vector.broadcast %lt3A_322 : i32 to vector<16xi32>
      %lt3A_324 = arith.cmpi slt, %get3A_312, %lt3A_323 : vector<16xi32>
      %shift_right_arithmetic3A_325 = arith.constant 6 : i32
      %shift_right_arithmetic3A_326 = vector.broadcast %shift_right_arithmetic3A_325 : i32 to vector<16xi32>
      %shift_right_arithmetic3A_327 = arith.shrsi %min3A_321, %shift_right_arithmetic3A_326 : vector<16xi32>
      %add3A_328 = arith.constant 190000 : i32
      %add3A_329 = vector.broadcast %add3A_328 : i32 to vector<16xi32>
      %add3A_330 = arith.addi %add3A_329, %shift_right_arithmetic3A_327 : vector<16xi32>
      %select_n3A_331 = arith.select %lt3A_324, %get3A_312, %add3A_330 : vector<16xi1>, vector<16xi32>
      %swap3A_332 = arith.constant 176 : index
      %swap3A_333 = tpu.vector_load %arg8[%swap3A_332] {strides = array<i32>} : memref<640xi32, #tpu.memory_space<vmem>>, vector<16xi32>,
      tpu.vector_store %arg8[%swap3A_332], %select_n3A_331 {strides = array<i32>} : memref<640xi32, #tpu.memory_space<vmem>>, vector<16xi32>,
      %and3A_334 = arith.constant 63 : i32
      %and3A_335 = vector.broadcast %and3A_334 : i32 to vector<16xi32>
      %and3A_336 = arith.andi %min3A_321, %and3A_335 : vector<16xi32>
      %swap3A_337 = arith.constant 176 : index
      %swap3A_338 = tpu.vector_load %arg9[%swap3A_337] {strides = array<i32>} : memref<640xi32, #tpu.memory_space<vmem>>, vector<16xi32>,
      tpu.vector_store %arg9[%swap3A_337], %and3A_336 {strides = array<i32>} : memref<640xi32, #tpu.memory_space<vmem>>, vector<16xi32>,
      %get3A_339 = arith.constant 192 : index
      %get3A_340 = tpu.vector_load %arg7[%get3A_339] {strides = array<i32>} : memref<640xi32, #tpu.memory_space<vmem>>, vector<16xi32>,
      %sub3A_341 = arith.constant 190000 : i32
      %sub3A_342 = vector.broadcast %sub3A_341 : i32 to vector<16xi32>
      %sub3A_343 = arith.subi %get3A_340, %sub3A_342 : vector<16xi32>
      %max3A_344 = arith.constant 0 : i32
      %max3A_345 = vector.broadcast %max3A_344 : i32 to vector<16xi32>
      %max3A_346 = arith.maxsi %sub3A_343, %max3A_345 : vector<16xi32>
      %min3A_347 = arith.constant 809999 : i32
      %min3A_348 = vector.broadcast %min3A_347 : i32 to vector<16xi32>
      %min3A_349 = arith.minsi %max3A_346, %min3A_348 : vector<16xi32>
      %lt3A_350 = arith.constant 190000 : i32
      %lt3A_351 = vector.broadcast %lt3A_350 : i32 to vector<16xi32>
      %lt3A_352 = arith.cmpi slt, %get3A_340, %lt3A_351 : vector<16xi32>
      %shift_right_arithmetic3A_353 = arith.constant 6 : i32
      %shift_right_arithmetic3A_354 = vector.broadcast %shift_right_arithmetic3A_353 : i32 to vector<16xi32>
      %shift_right_arithmetic3A_355 = arith.shrsi %min3A_349, %shift_right_arithmetic3A_354 : vector<16xi32>
      %add3A_356 = arith.constant 190000 : i32
      %add3A_357 = vector.broadcast %add3A_356 : i32 to vector<16xi32>
      %add3A_358 = arith.addi %add3A_357, %shift_right_arithmetic3A_355 : vector<16xi32>
      %select_n3A_359 = arith.select %lt3A_352, %get3A_340, %add3A_358 : vector<16xi1>, vector<16xi32>
      %swap3A_360 = arith.constant 192 : index
      %swap3A_361 = tpu.vector_load %arg8[%swap3A_360] {strides = array<i32>} : memref<640xi32, #tpu.memory_space<vmem>>, vector<16xi32>,
      tpu.vector_store %arg8[%swap3A_360], %select_n3A_359 {strides = array<i32>} : memref<640xi32, #tpu.memory_space<vmem>>, vector<16xi32>,
      %and3A_362 = arith.constant 63 : i32
      %and3A_363 = vector.broadcast %and3A_362 : i32 to vector<16xi32>
      %and3A_364 = arith.andi %min3A_349, %and3A_363 : vector<16xi32>
      %swap3A_365 = arith.constant 192 : index
      %swap3A_366 = tpu.vector_load %arg9[%swap3A_365] {strides = array<i32>} : memref<640xi32, #tpu.memory_space<vmem>>, vector<16xi32>,
      tpu.vector_store %arg9[%swap3A_365], %and3A_364 {strides = array<i32>} : memref<640xi32, #tpu.memory_space<vmem>>, vector<16xi32>,
      %get3A_367 = arith.constant 208 : index
      %get3A_368 = tpu.vector_load %arg7[%get3A_367] {strides = array<i32>} : memref<640xi32, #tpu.memory_space<vmem>>, vector<16xi32>,
      %sub3A_369 = arith.constant 190000 : i32
      %sub3A_370 = vector.broadcast %sub3A_369 : i32 to vector<16xi32>
      %sub3A_371 = arith.subi %get3A_368, %sub3A_370 : vector<16xi32>
      %max3A_372 = arith.constant 0 : i32
      %max3A_373 = vector.broadcast %max3A_372 : i32 to vector<16xi32>
      %max3A_374 = arith.maxsi %sub3A_371, %max3A_373 : vector<16xi32>
      %min3A_375 = arith.constant 809999 : i32
      %min3A_376 = vector.broadcast %min3A_375 : i32 to vector<16xi32>
      %min3A_377 = arith.minsi %max3A_374, %min3A_376 : vector<16xi32>
      %lt3A_378 = arith.constant 190000 : i32
      %lt3A_379 = vector.broadcast %lt3A_378 : i32 to vector<16xi32>
      %lt3A_380 = arith.cmpi slt, %get3A_368, %lt3A_379 : vector<16xi32>
      %shift_right_arithmetic3A_381 = arith.constant 6 : i32
      %shift_right_arithmetic3A_382 = vector.broadcast %shift_right_arithmetic3A_381 : i32 to vector<16xi32>
      %shift_right_arithmetic3A_383 = arith.shrsi %min3A_377, %shift_right_arithmetic3A_382 : vector<16xi32>
      %add3A_384 = arith.constant 190000 : i32
      %add3A_385 = vector.broadcast %add3A_384 : i32 to vector<16xi32>
      %add3A_386 = arith.addi %add3A_385, %shift_right_arithmetic3A_383 : vector<16xi32>
      %select_n3A_387 = arith.select %lt3A_380, %get3A_368, %add3A_386 : vector<16xi1>, vector<16xi32>
      %swap3A_388 = arith.constant 208 : index
      %swap3A_389 = tpu.vector_load %arg8[%swap3A_388] {strides = array<i32>} : memref<640xi32, #tpu.memory_space<vmem>>, vector<16xi32>,
      tpu.vector_store %arg8[%swap3A_388], %select_n3A_387 {strides = array<i32>} : memref<640xi32, #tpu.memory_space<vmem>>, vector<16xi32>,
      %and3A_390 = arith.constant 63 : i32
      %and3A_391 = vector.broadcast %and3A_390 : i32 to vector<16xi32>
      %and3A_392 = arith.andi %min3A_377, %and3A_391 : vector<16xi32>
      %swap3A_393 = arith.constant 208 : index
      %swap3A_394 = tpu.vector_load %arg9[%swap3A_393] {strides = array<i32>} : memref<640xi32, #tpu.memory_space<vmem>>, vector<16xi32>,
      tpu.vector_store %arg9[%swap3A_393], %and3A_392 {strides = array<i32>} : memref<640xi32, #tpu.memory_space<vmem>>, vector<16xi32>,
      %get3A_395 = arith.constant 224 : index
      %get3A_396 = tpu.vector_load %arg7[%get3A_395] {strides = array<i32>} : memref<640xi32, #tpu.memory_space<vmem>>, vector<16xi32>,
      %sub3A_397 = arith.constant 190000 : i32
      %sub3A_398 = vector.broadcast %sub3A_397 : i32 to vector<16xi32>
      %sub3A_399 = arith.subi %get3A_396, %sub3A_398 : vector<16xi32>
      %max3A_400 = arith.constant 0 : i32
      %max3A_401 = vector.broadcast %max3A_400 : i32 to vector<16xi32>
      %max3A_402 = arith.maxsi %sub3A_399, %max3A_401 : vector<16xi32>
      %min3A_403 = arith.constant 809999 : i32
      %min3A_404 = vector.broadcast %min3A_403 : i32 to vector<16xi32>
      %min3A_405 = arith.minsi %max3A_402, %min3A_404 : vector<16xi32>
      %lt3A_406 = arith.constant 190000 : i32
      %lt3A_407 = vector.broadcast %lt3A_406 : i32 to vector<16xi32>
      %lt3A_408 = arith.cmpi slt, %get3A_396, %lt3A_407 : vector<16xi32>
      %shift_right_arithmetic3A_409 = arith.constant 6 : i32
      %shift_right_arithmetic3A_410 = vector.broadcast %shift_right_arithmetic3A_409 : i32 to vector<16xi32>
      %shift_right_arithmetic3A_411 = arith.shrsi %min3A_405, %shift_right_arithmetic3A_410 : vector<16xi32>
      %add3A_412 = arith.constant 190000 : i32
      %add3A_413 = vector.broadcast %add3A_412 : i32 to vector<16xi32>
      %add3A_414 = arith.addi %add3A_413, %shift_right_arithmetic3A_411 : vector<16xi32>
      %select_n3A_415 = arith.select %lt3A_408, %get3A_396, %add3A_414 : vector<16xi1>, vector<16xi32>
      %swap3A_416 = arith.constant 224 : index
      %swap3A_417 = tpu.vector_load %arg8[%swap3A_416] {strides = array<i32>} : memref<640xi32, #tpu.memory_space<vmem>>, vector<16xi32>,
      tpu.vector_store %arg8[%swap3A_416], %select_n3A_415 {strides = array<i32>} : memref<640xi32, #tpu.memory_space<vmem>>, vector<16xi32>,
      %and3A_418 = arith.constant 63 : i32
      %and3A_419 = vector.broadcast %and3A_418 : i32 to vector<16xi32>
      %and3A_420 = arith.andi %min3A_405, %and3A_419 : vector<16xi32>
      %swap3A_421 = arith.constant 224 : index
      %swap3A_422 = tpu.vector_load %arg9[%swap3A_421] {strides = array<i32>} : memref<640xi32, #tpu.memory_space<vmem>>, vector<16xi32>,
      tpu.vector_store %arg9[%swap3A_421], %and3A_420 {strides = array<i32>} : memref<640xi32, #tpu.memory_space<vmem>>, vector<16xi32>,
      %get3A_423 = arith.constant 240 : index
      %get3A_424 = tpu.vector_load %arg7[%get3A_423] {strides = array<i32>} : memref<640xi32, #tpu.memory_space<vmem>>, vector<16xi32>,
      %sub3A_425 = arith.constant 190000 : i32
      %sub3A_426 = vector.broadcast %sub3A_425 : i32 to vector<16xi32>
      %sub3A_427 = arith.subi %get3A_424, %sub3A_426 : vector<16xi32>
      %max3A_428 = arith.constant 0 : i32
      %max3A_429 = vector.broadcast %max3A_428 : i32 to vector<16xi32>
      %max3A_430 = arith.maxsi %sub3A_427, %max3A_429 : vector<16xi32>
      %min3A_431 = arith.constant 809999 : i32
      %min3A_432 = vector.broadcast %min3A_431 : i32 to vector<16xi32>
      %min3A_433 = arith.minsi %max3A_430, %min3A_432 : vector<16xi32>
      %lt3A_434 = arith.constant 190000 : i32
      %lt3A_435 = vector.broadcast %lt3A_434 : i32 to vector<16xi32>
      %lt3A_436 = arith.cmpi slt, %get3A_424, %lt3A_435 : vector<16xi32>
      %shift_right_arithmetic3A_437 = arith.constant 6 : i32
      %shift_right_arithmetic3A_438 = vector.broadcast %shift_right_arithmetic3A_437 : i32 to vector<16xi32>
      %shift_right_arithmetic3A_439 = arith.shrsi %min3A_433, %shift_right_arithmetic3A_438 : vector<16xi32>
      %add3A_440 = arith.constant 190000 : i32
      %add3A_441 = vector.broadcast %add3A_440 : i32 to vector<16xi32>
      %add3A_442 = arith.addi %add3A_441, %shift_right_arithmetic3A_439 : vector<16xi32>
      %select_n3A_443 = arith.select %lt3A_436, %get3A_424, %add3A_442 : vector<16xi1>, vector<16xi32>
      %swap3A_444 = arith.constant 240 : index
      %swap3A_445 = tpu.vector_load %arg8[%swap3A_444] {strides = array<i32>} : memref<640xi32, #tpu.memory_space<vmem>>, vector<16xi32>,
      tpu.vector_store %arg8[%swap3A_444], %select_n3A_443 {strides = array<i32>} : memref<640xi32, #tpu.memory_space<vmem>>, vector<16xi32>,
      %and3A_446 = arith.constant 63 : i32
      %and3A_447 = vector.broadcast %and3A_446 : i32 to vector<16xi32>
      %and3A_448 = arith.andi %min3A_433, %and3A_447 : vector<16xi32>
      %swap3A_449 = arith.constant 240 : index
      %swap3A_450 = tpu.vector_load %arg9[%swap3A_449] {strides = array<i32>} : memref<640xi32, #tpu.memory_space<vmem>>, vector<16xi32>,
      tpu.vector_store %arg9[%swap3A_449], %and3A_448 {strides = array<i32>} : memref<640xi32, #tpu.memory_space<vmem>>, vector<16xi32>,
      %get3A_451 = arith.constant 256 : index
      %get3A_452 = tpu.vector_load %arg7[%get3A_451] {strides = array<i32>} : memref<640xi32, #tpu.memory_space<vmem>>, vector<16xi32>,
      %sub3A_453 = arith.constant 190000 : i32
      %sub3A_454 = vector.broadcast %sub3A_453 : i32 to vector<16xi32>
      %sub3A_455 = arith.subi %get3A_452, %sub3A_454 : vector<16xi32>
      %max3A_456 = arith.constant 0 : i32
      %max3A_457 = vector.broadcast %max3A_456 : i32 to vector<16xi32>
      %max3A_458 = arith.maxsi %sub3A_455, %max3A_457 : vector<16xi32>
      %min3A_459 = arith.constant 809999 : i32
      %min3A_460 = vector.broadcast %min3A_459 : i32 to vector<16xi32>
      %min3A_461 = arith.minsi %max3A_458, %min3A_460 : vector<16xi32>
      %lt3A_462 = arith.constant 190000 : i32
      %lt3A_463 = vector.broadcast %lt3A_462 : i32 to vector<16xi32>
      %lt3A_464 = arith.cmpi slt, %get3A_452, %lt3A_463 : vector<16xi32>
      %shift_right_arithmetic3A_465 = arith.constant 6 : i32
      %shift_right_arithmetic3A_466 = vector.broadcast %shift_right_arithmetic3A_465 : i32 to vector<16xi32>
      %shift_right_arithmetic3A_467 = arith.shrsi %min3A_461, %shift_right_arithmetic3A_466 : vector<16xi32>
      %add3A_468 = arith.constant 190000 : i32
      %add3A_469 = vector.broadcast %add3A_468 : i32 to vector<16xi32>
      %add3A_470 = arith.addi %add3A_469, %shift_right_arithmetic3A_467 : vector<16xi32>
      %select_n3A_471 = arith.select %lt3A_464, %get3A_452, %add3A_470 : vector<16xi1>, vector<16xi32>
      %swap3A_472 = arith.constant 256 : index
      %swap3A_473 = tpu.vector_load %arg8[%swap3A_472] {strides = array<i32>} : memref<640xi32, #tpu.memory_space<vmem>>, vector<16xi32>,
      tpu.vector_store %arg8[%swap3A_472], %select_n3A_471 {strides = array<i32>} : memref<640xi32, #tpu.memory_space<vmem>>, vector<16xi32>,
      %and3A_474 = arith.constant 63 : i32
      %and3A_475 = vector.broadcast %and3A_474 : i32 to vector<16xi32>
      %and3A_476 = arith.andi %min3A_461, %and3A_475 : vector<16xi32>
      %swap3A_477 = arith.constant 256 : index
      %swap3A_478 = tpu.vector_load %arg9[%swap3A_477] {strides = array<i32>} : memref<640xi32, #tpu.memory_space<vmem>>, vector<16xi32>,
      tpu.vector_store %arg9[%swap3A_477], %and3A_476 {strides = array<i32>} : memref<640xi32, #tpu.memory_space<vmem>>, vector<16xi32>,
      %get3A_479 = arith.constant 272 : index
      %get3A_480 = tpu.vector_load %arg7[%get3A_479] {strides = array<i32>} : memref<640xi32, #tpu.memory_space<vmem>>, vector<16xi32>,
      %sub3A_481 = arith.constant 190000 : i32
      %sub3A_482 = vector.broadcast %sub3A_481 : i32 to vector<16xi32>
      %sub3A_483 = arith.subi %get3A_480, %sub3A_482 : vector<16xi32>
      %max3A_484 = arith.constant 0 : i32
      %max3A_485 = vector.broadcast %max3A_484 : i32 to vector<16xi32>
      %max3A_486 = arith.maxsi %sub3A_483, %max3A_485 : vector<16xi32>
      %min3A_487 = arith.constant 809999 : i32
      %min3A_488 = vector.broadcast %min3A_487 : i32 to vector<16xi32>
      %min3A_489 = arith.minsi %max3A_486, %min3A_488 : vector<16xi32>
      %lt3A_490 = arith.constant 190000 : i32
      %lt3A_491 = vector.broadcast %lt3A_490 : i32 to vector<16xi32>
      %lt3A_492 = arith.cmpi slt, %get3A_480, %lt3A_491 : vector<16xi32>
      %shift_right_arithmetic3A_493 = arith.constant 6 : i32
      %shift_right_arithmetic3A_494 = vector.broadcast %shift_right_arithmetic3A_493 : i32 to vector<16xi32>
      %shift_right_arithmetic3A_495 = arith.shrsi %min3A_489, %shift_right_arithmetic3A_494 : vector<16xi32>
      %add3A_496 = arith.constant 190000 : i32
      %add3A_497 = vector.broadcast %add3A_496 : i32 to vector<16xi32>
      %add3A_498 = arith.addi %add3A_497, %shift_right_arithmetic3A_495 : vector<16xi32>
      %select_n3A_499 = arith.select %lt3A_492, %get3A_480, %add3A_498 : vector<16xi1>, vector<16xi32>
      %swap3A_500 = arith.constant 272 : index
      %swap3A_501 = tpu.vector_load %arg8[%swap3A_500] {strides = array<i32>} : memref<640xi32, #tpu.memory_space<vmem>>, vector<16xi32>,
      tpu.vector_store %arg8[%swap3A_500], %select_n3A_499 {strides = array<i32>} : memref<640xi32, #tpu.memory_space<vmem>>, vector<16xi32>,
      %and3A_502 = arith.constant 63 : i32
      %and3A_503 = vector.broadcast %and3A_502 : i32 to vector<16xi32>
      %and3A_504 = arith.andi %min3A_489, %and3A_503 : vector<16xi32>
      %swap3A_505 = arith.constant 272 : index
      %swap3A_506 = tpu.vector_load %arg9[%swap3A_505] {strides = array<i32>} : memref<640xi32, #tpu.memory_space<vmem>>, vector<16xi32>,
      tpu.vector_store %arg9[%swap3A_505], %and3A_504 {strides = array<i32>} : memref<640xi32, #tpu.memory_space<vmem>>, vector<16xi32>,
      %get3A_507 = arith.constant 288 : index
      %get3A_508 = tpu.vector_load %arg7[%get3A_507] {strides = array<i32>} : memref<640xi32, #tpu.memory_space<vmem>>, vector<16xi32>,
      %sub3A_509 = arith.constant 190000 : i32
      %sub3A_510 = vector.broadcast %sub3A_509 : i32 to vector<16xi32>
      %sub3A_511 = arith.subi %get3A_508, %sub3A_510 : vector<16xi32>
      %max3A_512 = arith.constant 0 : i32
      %max3A_513 = vector.broadcast %max3A_512 : i32 to vector<16xi32>
      %max3A_514 = arith.maxsi %sub3A_511, %max3A_513 : vector<16xi32>
      %min3A_515 = arith.constant 809999 : i32
      %min3A_516 = vector.broadcast %min3A_515 : i32 to vector<16xi32>
      %min3A_517 = arith.minsi %max3A_514, %min3A_516 : vector<16xi32>
      %lt3A_518 = arith.constant 190000 : i32
      %lt3A_519 = vector.broadcast %lt3A_518 : i32 to vector<16xi32>
      %lt3A_520 = arith.cmpi slt, %get3A_508, %lt3A_519 : vector<16xi32>
      %shift_right_arithmetic3A_521 = arith.constant 6 : i32
      %shift_right_arithmetic3A_522 = vector.broadcast %shift_right_arithmetic3A_521 : i32 to vector<16xi32>
      %shift_right_arithmetic3A_523 = arith.shrsi %min3A_517, %shift_right_arithmetic3A_522 : vector<16xi32>
      %add3A_524 = arith.constant 190000 : i32
      %add3A_525 = vector.broadcast %add3A_524 : i32 to vector<16xi32>
      %add3A_526 = arith.addi %add3A_525, %shift_right_arithmetic3A_523 : vector<16xi32>
      %select_n3A_527 = arith.select %lt3A_520, %get3A_508, %add3A_526 : vector<16xi1>, vector<16xi32>
      %swap3A_528 = arith.constant 288 : index
      %swap3A_529 = tpu.vector_load %arg8[%swap3A_528] {strides = array<i32>} : memref<640xi32, #tpu.memory_space<vmem>>, vector<16xi32>,
      tpu.vector_store %arg8[%swap3A_528], %select_n3A_527 {strides = array<i32>} : memref<640xi32, #tpu.memory_space<vmem>>, vector<16xi32>,
      %and3A_530 = arith.constant 63 : i32
      %and3A_531 = vector.broadcast %and3A_530 : i32 to vector<16xi32>
      %and3A_532 = arith.andi %min3A_517, %and3A_531 : vector<16xi32>
      %swap3A_533 = arith.constant 288 : index
      %swap3A_534 = tpu.vector_load %arg9[%swap3A_533] {strides = array<i32>} : memref<640xi32, #tpu.memory_space<vmem>>, vector<16xi32>,
      tpu.vector_store %arg9[%swap3A_533], %and3A_532 {strides = array<i32>} : memref<640xi32, #tpu.memory_space<vmem>>, vector<16xi32>,
      %get3A_535 = arith.constant 304 : index
      %get3A_536 = tpu.vector_load %arg7[%get3A_535] {strides = array<i32>} : memref<640xi32, #tpu.memory_space<vmem>>, vector<16xi32>,
      %sub3A_537 = arith.constant 190000 : i32
      %sub3A_538 = vector.broadcast %sub3A_537 : i32 to vector<16xi32>
      %sub3A_539 = arith.subi %get3A_536, %sub3A_538 : vector<16xi32>
      %max3A_540 = arith.constant 0 : i32
      %max3A_541 = vector.broadcast %max3A_540 : i32 to vector<16xi32>
      %max3A_542 = arith.maxsi %sub3A_539, %max3A_541 : vector<16xi32>
      %min3A_543 = arith.constant 809999 : i32
      %min3A_544 = vector.broadcast %min3A_543 : i32 to vector<16xi32>
      %min3A_545 = arith.minsi %max3A_542, %min3A_544 : vector<16xi32>
      %lt3A_546 = arith.constant 190000 : i32
      %lt3A_547 = vector.broadcast %lt3A_546 : i32 to vector<16xi32>
      %lt3A_548 = arith.cmpi slt, %get3A_536, %lt3A_547 : vector<16xi32>
      %shift_right_arithmetic3A_549 = arith.constant 6 : i32
      %shift_right_arithmetic3A_550 = vector.broadcast %shift_right_arithmetic3A_549 : i32 to vector<16xi32>
      %shift_right_arithmetic3A_551 = arith.shrsi %min3A_545, %shift_right_arithmetic3A_550 : vector<16xi32>
      %add3A_552 = arith.constant 190000 : i32
      %add3A_553 = vector.broadcast %add3A_552 : i32 to vector<16xi32>
      %add3A_554 = arith.addi %add3A_553, %shift_right_arithmetic3A_551 : vector<16xi32>
      %select_n3A_555 = arith.select %lt3A_548, %get3A_536, %add3A_554 : vector<16xi1>, vector<16xi32>
      %swap3A_556 = arith.constant 304 : index
      %swap3A_557 = tpu.vector_load %arg8[%swap3A_556] {strides = array<i32>} : memref<640xi32, #tpu.memory_space<vmem>>, vector<16xi32>,
      tpu.vector_store %arg8[%swap3A_556], %select_n3A_555 {strides = array<i32>} : memref<640xi32, #tpu.memory_space<vmem>>, vector<16xi32>,
      %and3A_558 = arith.constant 63 : i32
      %and3A_559 = vector.broadcast %and3A_558 : i32 to vector<16xi32>
      %and3A_560 = arith.andi %min3A_545, %and3A_559 : vector<16xi32>
      %swap3A_561 = arith.constant 304 : index
      %swap3A_562 = tpu.vector_load %arg9[%swap3A_561] {strides = array<i32>} : memref<640xi32, #tpu.memory_space<vmem>>, vector<16xi32>,
      tpu.vector_store %arg9[%swap3A_561], %and3A_560 {strides = array<i32>} : memref<640xi32, #tpu.memory_space<vmem>>, vector<16xi32>,
      %get3A_563 = arith.constant 320 : index
      %get3A_564 = tpu.vector_load %arg7[%get3A_563] {strides = array<i32>} : memref<640xi32, #tpu.memory_space<vmem>>, vector<16xi32>,
      %sub3A_565 = arith.constant 190000 : i32
      %sub3A_566 = vector.broadcast %sub3A_565 : i32 to vector<16xi32>
      %sub3A_567 = arith.subi %get3A_564, %sub3A_566 : vector<16xi32>
      %max3A_568 = arith.constant 0 : i32
      %max3A_569 = vector.broadcast %max3A_568 : i32 to vector<16xi32>
      %max3A_570 = arith.maxsi %sub3A_567, %max3A_569 : vector<16xi32>
      %min3A_571 = arith.constant 809999 : i32
      %min3A_572 = vector.broadcast %min3A_571 : i32 to vector<16xi32>
      %min3A_573 = arith.minsi %max3A_570, %min3A_572 : vector<16xi32>
      %lt3A_574 = arith.constant 190000 : i32
      %lt3A_575 = vector.broadcast %lt3A_574 : i32 to vector<16xi32>
      %lt3A_576 = arith.cmpi slt, %get3A_564, %lt3A_575 : vector<16xi32>
      %shift_right_arithmetic3A_577 = arith.constant 6 : i32
      %shift_right_arithmetic3A_578 = vector.broadcast %shift_right_arithmetic3A_577 : i32 to vector<16xi32>
      %shift_right_arithmetic3A_579 = arith.shrsi %min3A_573, %shift_right_arithmetic3A_578 : vector<16xi32>
      %add3A_580 = arith.constant 190000 : i32
      %add3A_581 = vector.broadcast %add3A_580 : i32 to vector<16xi32>
      %add3A_582 = arith.addi %add3A_581, %shift_right_arithmetic3A_579 : vector<16xi32>
      %select_n3A_583 = arith.select %lt3A_576, %get3A_564, %add3A_582 : vector<16xi1>, vector<16xi32>
      %swap3A_584 = arith.constant 320 : index
      %swap3A_585 = tpu.vector_load %arg8[%swap3A_584] {strides = array<i32>} : memref<640xi32, #tpu.memory_space<vmem>>, vector<16xi32>,
      tpu.vector_store %arg8[%swap3A_584], %select_n3A_583 {strides = array<i32>} : memref<640xi32, #tpu.memory_space<vmem>>, vector<16xi32>,
      %and3A_586 = arith.constant 63 : i32
      %and3A_587 = vector.broadcast %and3A_586 : i32 to vector<16xi32>
      %and3A_588 = arith.andi %min3A_573, %and3A_587 : vector<16xi32>
      %swap3A_589 = arith.constant 320 : index
      %swap3A_590 = tpu.vector_load %arg9[%swap3A_589] {strides = array<i32>} : memref<640xi32, #tpu.memory_space<vmem>>, vector<16xi32>,
      tpu.vector_store %arg9[%swap3A_589], %and3A_588 {strides = array<i32>} : memref<640xi32, #tpu.memory_space<vmem>>, vector<16xi32>,
      %get3A_591 = arith.constant 336 : index
      %get3A_592 = tpu.vector_load %arg7[%get3A_591] {strides = array<i32>} : memref<640xi32, #tpu.memory_space<vmem>>, vector<16xi32>,
      %sub3A_593 = arith.constant 190000 : i32
      %sub3A_594 = vector.broadcast %sub3A_593 : i32 to vector<16xi32>
      %sub3A_595 = arith.subi %get3A_592, %sub3A_594 : vector<16xi32>
      %max3A_596 = arith.constant 0 : i32
      %max3A_597 = vector.broadcast %max3A_596 : i32 to vector<16xi32>
      %max3A_598 = arith.maxsi %sub3A_595, %max3A_597 : vector<16xi32>
      %min3A_599 = arith.constant 809999 : i32
      %min3A_600 = vector.broadcast %min3A_599 : i32 to vector<16xi32>
      %min3A_601 = arith.minsi %max3A_598, %min3A_600 : vector<16xi32>
      %lt3A_602 = arith.constant 190000 : i32
      %lt3A_603 = vector.broadcast %lt3A_602 : i32 to vector<16xi32>
      %lt3A_604 = arith.cmpi slt, %get3A_592, %lt3A_603 : vector<16xi32>
      %shift_right_arithmetic3A_605 = arith.constant 6 : i32
      %shift_right_arithmetic3A_606 = vector.broadcast %shift_right_arithmetic3A_605 : i32 to vector<16xi32>
      %shift_right_arithmetic3A_607 = arith.shrsi %min3A_601, %shift_right_arithmetic3A_606 : vector<16xi32>
      %add3A_608 = arith.constant 190000 : i32
      %add3A_609 = vector.broadcast %add3A_608 : i32 to vector<16xi32>
      %add3A_610 = arith.addi %add3A_609, %shift_right_arithmetic3A_607 : vector<16xi32>
      %select_n3A_611 = arith.select %lt3A_604, %get3A_592, %add3A_610 : vector<16xi1>, vector<16xi32>
      %swap3A_612 = arith.constant 336 : index
      %swap3A_613 = tpu.vector_load %arg8[%swap3A_612] {strides = array<i32>} : memref<640xi32, #tpu.memory_space<vmem>>, vector<16xi32>,
      tpu.vector_store %arg8[%swap3A_612], %select_n3A_611 {strides = array<i32>} : memref<640xi32, #tpu.memory_space<vmem>>, vector<16xi32>,
      %and3A_614 = arith.constant 63 : i32
      %and3A_615 = vector.broadcast %and3A_614 : i32 to vector<16xi32>
      %and3A_616 = arith.andi %min3A_601, %and3A_615 : vector<16xi32>
      %swap3A_617 = arith.constant 336 : index
      %swap3A_618 = tpu.vector_load %arg9[%swap3A_617] {strides = array<i32>} : memref<640xi32, #tpu.memory_space<vmem>>, vector<16xi32>,
      tpu.vector_store %arg9[%swap3A_617], %and3A_616 {strides = array<i32>} : memref<640xi32, #tpu.memory_space<vmem>>, vector<16xi32>,
      %get3A_619 = arith.constant 352 : index
      %get3A_620 = tpu.vector_load %arg7[%get3A_619] {strides = array<i32>} : memref<640xi32, #tpu.memory_space<vmem>>, vector<16xi32>,
      %sub3A_621 = arith.constant 190000 : i32
      %sub3A_622 = vector.broadcast %sub3A_621 : i32 to vector<16xi32>
      %sub3A_623 = arith.subi %get3A_620, %sub3A_622 : vector<16xi32>
      %max3A_624 = arith.constant 0 : i32
      %max3A_625 = vector.broadcast %max3A_624 : i32 to vector<16xi32>
      %max3A_626 = arith.maxsi %sub3A_623, %max3A_625 : vector<16xi32>
      %min3A_627 = arith.constant 809999 : i32
      %min3A_628 = vector.broadcast %min3A_627 : i32 to vector<16xi32>
      %min3A_629 = arith.minsi %max3A_626, %min3A_628 : vector<16xi32>
      %lt3A_630 = arith.constant 190000 : i32
      %lt3A_631 = vector.broadcast %lt3A_630 : i32 to vector<16xi32>
      %lt3A_632 = arith.cmpi slt, %get3A_620, %lt3A_631 : vector<16xi32>
      %shift_right_arithmetic3A_633 = arith.constant 6 : i32
      %shift_right_arithmetic3A_634 = vector.broadcast %shift_right_arithmetic3A_633 : i32 to vector<16xi32>
      %shift_right_arithmetic3A_635 = arith.shrsi %min3A_629, %shift_right_arithmetic3A_634 : vector<16xi32>
      %add3A_636 = arith.constant 190000 : i32
      %add3A_637 = vector.broadcast %add3A_636 : i32 to vector<16xi32>
      %add3A_638 = arith.addi %add3A_637, %shift_right_arithmetic3A_635 : vector<16xi32>
      %select_n3A_639 = arith.select %lt3A_632, %get3A_620, %add3A_638 : vector<16xi1>, vector<16xi32>
      %swap3A_640 = arith.constant 352 : index
      %swap3A_641 = tpu.vector_load %arg8[%swap3A_640] {strides = array<i32>} : memref<640xi32, #tpu.memory_space<vmem>>, vector<16xi32>,
      tpu.vector_store %arg8[%swap3A_640], %select_n3A_639 {strides = array<i32>} : memref<640xi32, #tpu.memory_space<vmem>>, vector<16xi32>,
      %and3A_642 = arith.constant 63 : i32
      %and3A_643 = vector.broadcast %and3A_642 : i32 to vector<16xi32>
      %and3A_644 = arith.andi %min3A_629, %and3A_643 : vector<16xi32>
      %swap3A_645 = arith.constant 352 : index
      %swap3A_646 = tpu.vector_load %arg9[%swap3A_645] {strides = array<i32>} : memref<640xi32, #tpu.memory_space<vmem>>, vector<16xi32>,
      tpu.vector_store %arg9[%swap3A_645], %and3A_644 {strides = array<i32>} : memref<640xi32, #tpu.memory_space<vmem>>, vector<16xi32>,
      %get3A_647 = arith.constant 368 : index
      %get3A_648 = tpu.vector_load %arg7[%get3A_647] {strides = array<i32>} : memref<640xi32, #tpu.memory_space<vmem>>, vector<16xi32>,
      %sub3A_649 = arith.constant 190000 : i32
      %sub3A_650 = vector.broadcast %sub3A_649 : i32 to vector<16xi32>
      %sub3A_651 = arith.subi %get3A_648, %sub3A_650 : vector<16xi32>
      %max3A_652 = arith.constant 0 : i32
      %max3A_653 = vector.broadcast %max3A_652 : i32 to vector<16xi32>
      %max3A_654 = arith.maxsi %sub3A_651, %max3A_653 : vector<16xi32>
      %min3A_655 = arith.constant 809999 : i32
      %min3A_656 = vector.broadcast %min3A_655 : i32 to vector<16xi32>
      %min3A_657 = arith.minsi %max3A_654, %min3A_656 : vector<16xi32>
      %lt3A_658 = arith.constant 190000 : i32
      %lt3A_659 = vector.broadcast %lt3A_658 : i32 to vector<16xi32>
      %lt3A_660 = arith.cmpi slt, %get3A_648, %lt3A_659 : vector<16xi32>
      %shift_right_arithmetic3A_661 = arith.constant 6 : i32
      %shift_right_arithmetic3A_662 = vector.broadcast %shift_right_arithmetic3A_661 : i32 to vector<16xi32>
      %shift_right_arithmetic3A_663 = arith.shrsi %min3A_657, %shift_right_arithmetic3A_662 : vector<16xi32>
      %add3A_664 = arith.constant 190000 : i32
      %add3A_665 = vector.broadcast %add3A_664 : i32 to vector<16xi32>
      %add3A_666 = arith.addi %add3A_665, %shift_right_arithmetic3A_663 : vector<16xi32>
      %select_n3A_667 = arith.select %lt3A_660, %get3A_648, %add3A_666 : vector<16xi1>, vector<16xi32>
      %swap3A_668 = arith.constant 368 : index
      %swap3A_669 = tpu.vector_load %arg8[%swap3A_668] {strides = array<i32>} : memref<640xi32, #tpu.memory_space<vmem>>, vector<16xi32>,
      tpu.vector_store %arg8[%swap3A_668], %select_n3A_667 {strides = array<i32>} : memref<640xi32, #tpu.memory_space<vmem>>, vector<16xi32>,
      %and3A_670 = arith.constant 63 : i32
      %and3A_671 = vector.broadcast %and3A_670 : i32 to vector<16xi32>
      %and3A_672 = arith.andi %min3A_657, %and3A_671 : vector<16xi32>
      %swap3A_673 = arith.constant 368 : index
      %swap3A_674 = tpu.vector_load %arg9[%swap3A_673] {strides = array<i32>} : memref<640xi32, #tpu.memory_space<vmem>>, vector<16xi32>,
      tpu.vector_store %arg9[%swap3A_673], %and3A_672 {strides = array<i32>} : memref<640xi32, #tpu.memory_space<vmem>>, vector<16xi32>,
      %get3A_675 = arith.constant 384 : index
      %get3A_676 = tpu.vector_load %arg7[%get3A_675] {strides = array<i32>} : memref<640xi32, #tpu.memory_space<vmem>>, vector<16xi32>,
      %sub3A_677 = arith.constant 190000 : i32
      %sub3A_678 = vector.broadcast %sub3A_677 : i32 to vector<16xi32>
      %sub3A_679 = arith.subi %get3A_676, %sub3A_678 : vector<16xi32>
      %max3A_680 = arith.constant 0 : i32
      %max3A_681 = vector.broadcast %max3A_680 : i32 to vector<16xi32>
      %max3A_682 = arith.maxsi %sub3A_679, %max3A_681 : vector<16xi32>
      %min3A_683 = arith.constant 809999 : i32
      %min3A_684 = vector.broadcast %min3A_683 : i32 to vector<16xi32>
      %min3A_685 = arith.minsi %max3A_682, %min3A_684 : vector<16xi32>
      %lt3A_686 = arith.constant 190000 : i32
      %lt3A_687 = vector.broadcast %lt3A_686 : i32 to vector<16xi32>
      %lt3A_688 = arith.cmpi slt, %get3A_676, %lt3A_687 : vector<16xi32>
      %shift_right_arithmetic3A_689 = arith.constant 6 : i32
      %shift_right_arithmetic3A_690 = vector.broadcast %shift_right_arithmetic3A_689 : i32 to vector<16xi32>
      %shift_right_arithmetic3A_691 = arith.shrsi %min3A_685, %shift_right_arithmetic3A_690 : vector<16xi32>
      %add3A_692 = arith.constant 190000 : i32
      %add3A_693 = vector.broadcast %add3A_692 : i32 to vector<16xi32>
      %add3A_694 = arith.addi %add3A_693, %shift_right_arithmetic3A_691 : vector<16xi32>
      %select_n3A_695 = arith.select %lt3A_688, %get3A_676, %add3A_694 : vector<16xi1>, vector<16xi32>
      %swap3A_696 = arith.constant 384 : index
      %swap3A_697 = tpu.vector_load %arg8[%swap3A_696] {strides = array<i32>} : memref<640xi32, #tpu.memory_space<vmem>>, vector<16xi32>,
      tpu.vector_store %arg8[%swap3A_696], %select_n3A_695 {strides = array<i32>} : memref<640xi32, #tpu.memory_space<vmem>>, vector<16xi32>,
      %and3A_698 = arith.constant 63 : i32
      %and3A_699 = vector.broadcast %and3A_698 : i32 to vector<16xi32>
      %and3A_700 = arith.andi %min3A_685, %and3A_699 : vector<16xi32>
      %swap3A_701 = arith.constant 384 : index
      %swap3A_702 = tpu.vector_load %arg9[%swap3A_701] {strides = array<i32>} : memref<640xi32, #tpu.memory_space<vmem>>, vector<16xi32>,
      tpu.vector_store %arg9[%swap3A_701], %and3A_700 {strides = array<i32>} : memref<640xi32, #tpu.memory_space<vmem>>, vector<16xi32>,
      %get3A_703 = arith.constant 400 : index
      %get3A_704 = tpu.vector_load %arg7[%get3A_703] {strides = array<i32>} : memref<640xi32, #tpu.memory_space<vmem>>, vector<16xi32>,
      %sub3A_705 = arith.constant 190000 : i32
      %sub3A_706 = vector.broadcast %sub3A_705 : i32 to vector<16xi32>
      %sub3A_707 = arith.subi %get3A_704, %sub3A_706 : vector<16xi32>
      %max3A_708 = arith.constant 0 : i32
      %max3A_709 = vector.broadcast %max3A_708 : i32 to vector<16xi32>
      %max3A_710 = arith.maxsi %sub3A_707, %max3A_709 : vector<16xi32>
      %min3A_711 = arith.constant 809999 : i32
      %min3A_712 = vector.broadcast %min3A_711 : i32 to vector<16xi32>
      %min3A_713 = arith.minsi %max3A_710, %min3A_712 : vector<16xi32>
      %lt3A_714 = arith.constant 190000 : i32
      %lt3A_715 = vector.broadcast %lt3A_714 : i32 to vector<16xi32>
      %lt3A_716 = arith.cmpi slt, %get3A_704, %lt3A_715 : vector<16xi32>
      %shift_right_arithmetic3A_717 = arith.constant 6 : i32
      %shift_right_arithmetic3A_718 = vector.broadcast %shift_right_arithmetic3A_717 : i32 to vector<16xi32>
      %shift_right_arithmetic3A_719 = arith.shrsi %min3A_713, %shift_right_arithmetic3A_718 : vector<16xi32>
      %add3A_720 = arith.constant 190000 : i32
      %add3A_721 = vector.broadcast %add3A_720 : i32 to vector<16xi32>
      %add3A_722 = arith.addi %add3A_721, %shift_right_arithmetic3A_719 : vector<16xi32>
      %select_n3A_723 = arith.select %lt3A_716, %get3A_704, %add3A_722 : vector<16xi1>, vector<16xi32>
      %swap3A_724 = arith.constant 400 : index
      %swap3A_725 = tpu.vector_load %arg8[%swap3A_724] {strides = array<i32>} : memref<640xi32, #tpu.memory_space<vmem>>, vector<16xi32>,
      tpu.vector_store %arg8[%swap3A_724], %select_n3A_723 {strides = array<i32>} : memref<640xi32, #tpu.memory_space<vmem>>, vector<16xi32>,
      %and3A_726 = arith.constant 63 : i32
      %and3A_727 = vector.broadcast %and3A_726 : i32 to vector<16xi32>
      %and3A_728 = arith.andi %min3A_713, %and3A_727 : vector<16xi32>
      %swap3A_729 = arith.constant 400 : index
      %swap3A_730 = tpu.vector_load %arg9[%swap3A_729] {strides = array<i32>} : memref<640xi32, #tpu.memory_space<vmem>>, vector<16xi32>,
      tpu.vector_store %arg9[%swap3A_729], %and3A_728 {strides = array<i32>} : memref<640xi32, #tpu.memory_space<vmem>>, vector<16xi32>,
      %get3A_731 = arith.constant 416 : index
      %get3A_732 = tpu.vector_load %arg7[%get3A_731] {strides = array<i32>} : memref<640xi32, #tpu.memory_space<vmem>>, vector<16xi32>,
      %sub3A_733 = arith.constant 190000 : i32
      %sub3A_734 = vector.broadcast %sub3A_733 : i32 to vector<16xi32>
      %sub3A_735 = arith.subi %get3A_732, %sub3A_734 : vector<16xi32>
      %max3A_736 = arith.constant 0 : i32
      %max3A_737 = vector.broadcast %max3A_736 : i32 to vector<16xi32>
      %max3A_738 = arith.maxsi %sub3A_735, %max3A_737 : vector<16xi32>
      %min3A_739 = arith.constant 809999 : i32
      %min3A_740 = vector.broadcast %min3A_739 : i32 to vector<16xi32>
      %min3A_741 = arith.minsi %max3A_738, %min3A_740 : vector<16xi32>
      %lt3A_742 = arith.constant 190000 : i32
      %lt3A_743 = vector.broadcast %lt3A_742 : i32 to vector<16xi32>
      %lt3A_744 = arith.cmpi slt, %get3A_732, %lt3A_743 : vector<16xi32>
      %shift_right_arithmetic3A_745 = arith.constant 6 : i32
      %shift_right_arithmetic3A_746 = vector.broadcast %shift_right_arithmetic3A_745 : i32 to vector<16xi32>
      %shift_right_arithmetic3A_747 = arith.shrsi %min3A_741, %shift_right_arithmetic3A_746 : vector<16xi32>
      %add3A_748 = arith.constant 190000 : i32
      %add3A_749 = vector.broadcast %add3A_748 : i32 to vector<16xi32>
      %add3A_750 = arith.addi %add3A_749, %shift_right_arithmetic3A_747 : vector<16xi32>
      %select_n3A_751 = arith.select %lt3A_744, %get3A_732, %add3A_750 : vector<16xi1>, vector<16xi32>
      %swap3A_752 = arith.constant 416 : index
      %swap3A_753 = tpu.vector_load %arg8[%swap3A_752] {strides = array<i32>} : memref<640xi32, #tpu.memory_space<vmem>>, vector<16xi32>,
      tpu.vector_store %arg8[%swap3A_752], %select_n3A_751 {strides = array<i32>} : memref<640xi32, #tpu.memory_space<vmem>>, vector<16xi32>,
      %and3A_754 = arith.constant 63 : i32
      %and3A_755 = vector.broadcast %and3A_754 : i32 to vector<16xi32>
      %and3A_756 = arith.andi %min3A_741, %and3A_755 : vector<16xi32>
      %swap3A_757 = arith.constant 416 : index
      %swap3A_758 = tpu.vector_load %arg9[%swap3A_757] {strides = array<i32>} : memref<640xi32, #tpu.memory_space<vmem>>, vector<16xi32>,
      tpu.vector_store %arg9[%swap3A_757], %and3A_756 {strides = array<i32>} : memref<640xi32, #tpu.memory_space<vmem>>, vector<16xi32>,
      %get3A_759 = arith.constant 432 : index
      %get3A_760 = tpu.vector_load %arg7[%get3A_759] {strides = array<i32>} : memref<640xi32, #tpu.memory_space<vmem>>, vector<16xi32>,
      %sub3A_761 = arith.constant 190000 : i32
      %sub3A_762 = vector.broadcast %sub3A_761 : i32 to vector<16xi32>
      %sub3A_763 = arith.subi %get3A_760, %sub3A_762 : vector<16xi32>
      %max3A_764 = arith.constant 0 : i32
      %max3A_765 = vector.broadcast %max3A_764 : i32 to vector<16xi32>
      %max3A_766 = arith.maxsi %sub3A_763, %max3A_765 : vector<16xi32>
      %min3A_767 = arith.constant 809999 : i32
      %min3A_768 = vector.broadcast %min3A_767 : i32 to vector<16xi32>
      %min3A_769 = arith.minsi %max3A_766, %min3A_768 : vector<16xi32>
      %lt3A_770 = arith.constant 190000 : i32
      %lt3A_771 = vector.broadcast %lt3A_770 : i32 to vector<16xi32>
      %lt3A_772 = arith.cmpi slt, %get3A_760, %lt3A_771 : vector<16xi32>
      %shift_right_arithmetic3A_773 = arith.constant 6 : i32
      %shift_right_arithmetic3A_774 = vector.broadcast %shift_right_arithmetic3A_773 : i32 to vector<16xi32>
      %shift_right_arithmetic3A_775 = arith.shrsi %min3A_769, %shift_right_arithmetic3A_774 : vector<16xi32>
      %add3A_776 = arith.constant 190000 : i32
      %add3A_777 = vector.broadcast %add3A_776 : i32 to vector<16xi32>
      %add3A_778 = arith.addi %add3A_777, %shift_right_arithmetic3A_775 : vector<16xi32>
      %select_n3A_779 = arith.select %lt3A_772, %get3A_760, %add3A_778 : vector<16xi1>, vector<16xi32>
      %swap3A_780 = arith.constant 432 : index
      %swap3A_781 = tpu.vector_load %arg8[%swap3A_780] {strides = array<i32>} : memref<640xi32, #tpu.memory_space<vmem>>, vector<16xi32>,
      tpu.vector_store %arg8[%swap3A_780], %select_n3A_779 {strides = array<i32>} : memref<640xi32, #tpu.memory_space<vmem>>, vector<16xi32>,
      %and3A_782 = arith.constant 63 : i32
      %and3A_783 = vector.broadcast %and3A_782 : i32 to vector<16xi32>
      %and3A_784 = arith.andi %min3A_769, %and3A_783 : vector<16xi32>
      %swap3A_785 = arith.constant 432 : index
      %swap3A_786 = tpu.vector_load %arg9[%swap3A_785] {strides = array<i32>} : memref<640xi32, #tpu.memory_space<vmem>>, vector<16xi32>,
      tpu.vector_store %arg9[%swap3A_785], %and3A_784 {strides = array<i32>} : memref<640xi32, #tpu.memory_space<vmem>>, vector<16xi32>,
      %get3A_787 = arith.constant 448 : index
      %get3A_788 = tpu.vector_load %arg7[%get3A_787] {strides = array<i32>} : memref<640xi32, #tpu.memory_space<vmem>>, vector<16xi32>,
      %sub3A_789 = arith.constant 190000 : i32
      %sub3A_790 = vector.broadcast %sub3A_789 : i32 to vector<16xi32>
      %sub3A_791 = arith.subi %get3A_788, %sub3A_790 : vector<16xi32>
      %max3A_792 = arith.constant 0 : i32
      %max3A_793 = vector.broadcast %max3A_792 : i32 to vector<16xi32>
      %max3A_794 = arith.maxsi %sub3A_791, %max3A_793 : vector<16xi32>
      %min3A_795 = arith.constant 809999 : i32
      %min3A_796 = vector.broadcast %min3A_795 : i32 to vector<16xi32>
      %min3A_797 = arith.minsi %max3A_794, %min3A_796 : vector<16xi32>
      %lt3A_798 = arith.constant 190000 : i32
      %lt3A_799 = vector.broadcast %lt3A_798 : i32 to vector<16xi32>
      %lt3A_800 = arith.cmpi slt, %get3A_788, %lt3A_799 : vector<16xi32>
      %shift_right_arithmetic3A_801 = arith.constant 6 : i32
      %shift_right_arithmetic3A_802 = vector.broadcast %shift_right_arithmetic3A_801 : i32 to vector<16xi32>
      %shift_right_arithmetic3A_803 = arith.shrsi %min3A_797, %shift_right_arithmetic3A_802 : vector<16xi32>
      %add3A_804 = arith.constant 190000 : i32
      %add3A_805 = vector.broadcast %add3A_804 : i32 to vector<16xi32>
      %add3A_806 = arith.addi %add3A_805, %shift_right_arithmetic3A_803 : vector<16xi32>
      %select_n3A_807 = arith.select %lt3A_800, %get3A_788, %add3A_806 : vector<16xi1>, vector<16xi32>
      %swap3A_808 = arith.constant 448 : index
      %swap3A_809 = tpu.vector_load %arg8[%swap3A_808] {strides = array<i32>} : memref<640xi32, #tpu.memory_space<vmem>>, vector<16xi32>,
      tpu.vector_store %arg8[%swap3A_808], %select_n3A_807 {strides = array<i32>} : memref<640xi32, #tpu.memory_space<vmem>>, vector<16xi32>,
      %and3A_810 = arith.constant 63 : i32
      %and3A_811 = vector.broadcast %and3A_810 : i32 to vector<16xi32>
      %and3A_812 = arith.andi %min3A_797, %and3A_811 : vector<16xi32>
      %swap3A_813 = arith.constant 448 : index
      %swap3A_814 = tpu.vector_load %arg9[%swap3A_813] {strides = array<i32>} : memref<640xi32, #tpu.memory_space<vmem>>, vector<16xi32>,
      tpu.vector_store %arg9[%swap3A_813], %and3A_812 {strides = array<i32>} : memref<640xi32, #tpu.memory_space<vmem>>, vector<16xi32>,
      %get3A_815 = arith.constant 464 : index
      %get3A_816 = tpu.vector_load %arg7[%get3A_815] {strides = array<i32>} : memref<640xi32, #tpu.memory_space<vmem>>, vector<16xi32>,
      %sub3A_817 = arith.constant 190000 : i32
      %sub3A_818 = vector.broadcast %sub3A_817 : i32 to vector<16xi32>
      %sub3A_819 = arith.subi %get3A_816, %sub3A_818 : vector<16xi32>
      %max3A_820 = arith.constant 0 : i32
      %max3A_821 = vector.broadcast %max3A_820 : i32 to vector<16xi32>
      %max3A_822 = arith.maxsi %sub3A_819, %max3A_821 : vector<16xi32>
      %min3A_823 = arith.constant 809999 : i32
      %min3A_824 = vector.broadcast %min3A_823 : i32 to vector<16xi32>
      %min3A_825 = arith.minsi %max3A_822, %min3A_824 : vector<16xi32>
      %lt3A_826 = arith.constant 190000 : i32
      %lt3A_827 = vector.broadcast %lt3A_826 : i32 to vector<16xi32>
      %lt3A_828 = arith.cmpi slt, %get3A_816, %lt3A_827 : vector<16xi32>
      %shift_right_arithmetic3A_829 = arith.constant 6 : i32
      %shift_right_arithmetic3A_830 = vector.broadcast %shift_right_arithmetic3A_829 : i32 to vector<16xi32>
      %shift_right_arithmetic3A_831 = arith.shrsi %min3A_825, %shift_right_arithmetic3A_830 : vector<16xi32>
      %add3A_832 = arith.constant 190000 : i32
      %add3A_833 = vector.broadcast %add3A_832 : i32 to vector<16xi32>
      %add3A_834 = arith.addi %add3A_833, %shift_right_arithmetic3A_831 : vector<16xi32>
      %select_n3A_835 = arith.select %lt3A_828, %get3A_816, %add3A_834 : vector<16xi1>, vector<16xi32>
      %swap3A_836 = arith.constant 464 : index
      %swap3A_837 = tpu.vector_load %arg8[%swap3A_836] {strides = array<i32>} : memref<640xi32, #tpu.memory_space<vmem>>, vector<16xi32>,
      tpu.vector_store %arg8[%swap3A_836], %select_n3A_835 {strides = array<i32>} : memref<640xi32, #tpu.memory_space<vmem>>, vector<16xi32>,
      %and3A_838 = arith.constant 63 : i32
      %and3A_839 = vector.broadcast %and3A_838 : i32 to vector<16xi32>
      %and3A_840 = arith.andi %min3A_825, %and3A_839 : vector<16xi32>
      %swap3A_841 = arith.constant 464 : index
      %swap3A_842 = tpu.vector_load %arg9[%swap3A_841] {strides = array<i32>} : memref<640xi32, #tpu.memory_space<vmem>>, vector<16xi32>,
      tpu.vector_store %arg9[%swap3A_841], %and3A_840 {strides = array<i32>} : memref<640xi32, #tpu.memory_space<vmem>>, vector<16xi32>,
      %get3A_843 = arith.constant 480 : index
      %get3A_844 = tpu.vector_load %arg7[%get3A_843] {strides = array<i32>} : memref<640xi32, #tpu.memory_space<vmem>>, vector<16xi32>,
      %sub3A_845 = arith.constant 190000 : i32
      %sub3A_846 = vector.broadcast %sub3A_845 : i32 to vector<16xi32>
      %sub3A_847 = arith.subi %get3A_844, %sub3A_846 : vector<16xi32>
      %max3A_848 = arith.constant 0 : i32
      %max3A_849 = vector.broadcast %max3A_848 : i32 to vector<16xi32>
      %max3A_850 = arith.maxsi %sub3A_847, %max3A_849 : vector<16xi32>
      %min3A_851 = arith.constant 809999 : i32
      %min3A_852 = vector.broadcast %min3A_851 : i32 to vector<16xi32>
      %min3A_853 = arith.minsi %max3A_850, %min3A_852 : vector<16xi32>
      %lt3A_854 = arith.constant 190000 : i32
      %lt3A_855 = vector.broadcast %lt3A_854 : i32 to vector<16xi32>
      %lt3A_856 = arith.cmpi slt, %get3A_844, %lt3A_855 : vector<16xi32>
      %shift_right_arithmetic3A_857 = arith.constant 6 : i32
      %shift_right_arithmetic3A_858 = vector.broadcast %shift_right_arithmetic3A_857 : i32 to vector<16xi32>
      %shift_right_arithmetic3A_859 = arith.shrsi %min3A_853, %shift_right_arithmetic3A_858 : vector<16xi32>
      %add3A_860 = arith.constant 190000 : i32
      %add3A_861 = vector.broadcast %add3A_860 : i32 to vector<16xi32>
      %add3A_862 = arith.addi %add3A_861, %shift_right_arithmetic3A_859 : vector<16xi32>
      %select_n3A_863 = arith.select %lt3A_856, %get3A_844, %add3A_862 : vector<16xi1>, vector<16xi32>
      %swap3A_864 = arith.constant 480 : index
      %swap3A_865 = tpu.vector_load %arg8[%swap3A_864] {strides = array<i32>} : memref<640xi32, #tpu.memory_space<vmem>>, vector<16xi32>,
      tpu.vector_store %arg8[%swap3A_864], %select_n3A_863 {strides = array<i32>} : memref<640xi32, #tpu.memory_space<vmem>>, vector<16xi32>,
      %and3A_866 = arith.constant 63 : i32
      %and3A_867 = vector.broadcast %and3A_866 : i32 to vector<16xi32>
      %and3A_868 = arith.andi %min3A_853, %and3A_867 : vector<16xi32>
      %swap3A_869 = arith.constant 480 : index
      %swap3A_870 = tpu.vector_load %arg9[%swap3A_869] {strides = array<i32>} : memref<640xi32, #tpu.memory_space<vmem>>, vector<16xi32>,
      tpu.vector_store %arg9[%swap3A_869], %and3A_868 {strides = array<i32>} : memref<640xi32, #tpu.memory_space<vmem>>, vector<16xi32>,
      %get3A_871 = arith.constant 496 : index
      %get3A_872 = tpu.vector_load %arg7[%get3A_871] {strides = array<i32>} : memref<640xi32, #tpu.memory_space<vmem>>, vector<16xi32>,
      %sub3A_873 = arith.constant 190000 : i32
      %sub3A_874 = vector.broadcast %sub3A_873 : i32 to vector<16xi32>
      %sub3A_875 = arith.subi %get3A_872, %sub3A_874 : vector<16xi32>
      %max3A_876 = arith.constant 0 : i32
      %max3A_877 = vector.broadcast %max3A_876 : i32 to vector<16xi32>
      %max3A_878 = arith.maxsi %sub3A_875, %max3A_877 : vector<16xi32>
      %min3A_879 = arith.constant 809999 : i32
      %min3A_880 = vector.broadcast %min3A_879 : i32 to vector<16xi32>
      %min3A_881 = arith.minsi %max3A_878, %min3A_880 : vector<16xi32>
      %lt3A_882 = arith.constant 190000 : i32
      %lt3A_883 = vector.broadcast %lt3A_882 : i32 to vector<16xi32>
      %lt3A_884 = arith.cmpi slt, %get3A_872, %lt3A_883 : vector<16xi32>
      %shift_right_arithmetic3A_885 = arith.constant 6 : i32
      %shift_right_arithmetic3A_886 = vector.broadcast %shift_right_arithmetic3A_885 : i32 to vector<16xi32>
      %shift_right_arithmetic3A_887 = arith.shrsi %min3A_881, %shift_right_arithmetic3A_886 : vector<16xi32>
      %add3A_888 = arith.constant 190000 : i32
      %add3A_889 = vector.broadcast %add3A_888 : i32 to vector<16xi32>
      %add3A_890 = arith.addi %add3A_889, %shift_right_arithmetic3A_887 : vector<16xi32>
      %select_n3A_891 = arith.select %lt3A_884, %get3A_872, %add3A_890 : vector<16xi1>, vector<16xi32>
      %swap3A_892 = arith.constant 496 : index
      %swap3A_893 = tpu.vector_load %arg8[%swap3A_892] {strides = array<i32>} : memref<640xi32, #tpu.memory_space<vmem>>, vector<16xi32>,
      tpu.vector_store %arg8[%swap3A_892], %select_n3A_891 {strides = array<i32>} : memref<640xi32, #tpu.memory_space<vmem>>, vector<16xi32>,
      %and3A_894 = arith.constant 63 : i32
      %and3A_895 = vector.broadcast %and3A_894 : i32 to vector<16xi32>
      %and3A_896 = arith.andi %min3A_881, %and3A_895 : vector<16xi32>
      %swap3A_897 = arith.constant 496 : index
      %swap3A_898 = tpu.vector_load %arg9[%swap3A_897] {strides = array<i32>} : memref<640xi32, #tpu.memory_space<vmem>>, vector<16xi32>,
      tpu.vector_store %arg9[%swap3A_897], %and3A_896 {strides = array<i32>} : memref<640xi32, #tpu.memory_space<vmem>>, vector<16xi32>,
      %get3A_899 = arith.constant 512 : index
      %get3A_900 = tpu.vector_load %arg7[%get3A_899] {strides = array<i32>} : memref<640xi32, #tpu.memory_space<vmem>>, vector<16xi32>,
      %sub3A_901 = arith.constant 190000 : i32
      %sub3A_902 = vector.broadcast %sub3A_901 : i32 to vector<16xi32>
      %sub3A_903 = arith.subi %get3A_900, %sub3A_902 : vector<16xi32>
      %max3A_904 = arith.constant 0 : i32
      %max3A_905 = vector.broadcast %max3A_904 : i32 to vector<16xi32>
      %max3A_906 = arith.maxsi %sub3A_903, %max3A_905 : vector<16xi32>
      %min3A_907 = arith.constant 809999 : i32
      %min3A_908 = vector.broadcast %min3A_907 : i32 to vector<16xi32>
      %min3A_909 = arith.minsi %max3A_906, %min3A_908 : vector<16xi32>
      %lt3A_910 = arith.constant 190000 : i32
      %lt3A_911 = vector.broadcast %lt3A_910 : i32 to vector<16xi32>
      %lt3A_912 = arith.cmpi slt, %get3A_900, %lt3A_911 : vector<16xi32>
      %shift_right_arithmetic3A_913 = arith.constant 6 : i32
      %shift_right_arithmetic3A_914 = vector.broadcast %shift_right_arithmetic3A_913 : i32 to vector<16xi32>
      %shift_right_arithmetic3A_915 = arith.shrsi %min3A_909, %shift_right_arithmetic3A_914 : vector<16xi32>
      %add3A_916 = arith.constant 190000 : i32
      %add3A_917 = vector.broadcast %add3A_916 : i32 to vector<16xi32>
      %add3A_918 = arith.addi %add3A_917, %shift_right_arithmetic3A_915 : vector<16xi32>
      %select_n3A_919 = arith.select %lt3A_912, %get3A_900, %add3A_918 : vector<16xi1>, vector<16xi32>
      %swap3A_920 = arith.constant 512 : index
      %swap3A_921 = tpu.vector_load %arg8[%swap3A_920] {strides = array<i32>} : memref<640xi32, #tpu.memory_space<vmem>>, vector<16xi32>,
      tpu.vector_store %arg8[%swap3A_920], %select_n3A_919 {strides = array<i32>} : memref<640xi32, #tpu.memory_space<vmem>>, vector<16xi32>,
      %and3A_922 = arith.constant 63 : i32
      %and3A_923 = vector.broadcast %and3A_922 : i32 to vector<16xi32>
      %and3A_924 = arith.andi %min3A_909, %and3A_923 : vector<16xi32>
      %swap3A_925 = arith.constant 512 : index
      %swap3A_926 = tpu.vector_load %arg9[%swap3A_925] {strides = array<i32>} : memref<640xi32, #tpu.memory_space<vmem>>, vector<16xi32>,
      tpu.vector_store %arg9[%swap3A_925], %and3A_924 {strides = array<i32>} : memref<640xi32, #tpu.memory_space<vmem>>, vector<16xi32>,
      %get3A_927 = arith.constant 528 : index
      %get3A_928 = tpu.vector_load %arg7[%get3A_927] {strides = array<i32>} : memref<640xi32, #tpu.memory_space<vmem>>, vector<16xi32>,
      %sub3A_929 = arith.constant 190000 : i32
      %sub3A_930 = vector.broadcast %sub3A_929 : i32 to vector<16xi32>
      %sub3A_931 = arith.subi %get3A_928, %sub3A_930 : vector<16xi32>
      %max3A_932 = arith.constant 0 : i32
      %max3A_933 = vector.broadcast %max3A_932 : i32 to vector<16xi32>
      %max3A_934 = arith.maxsi %sub3A_931, %max3A_933 : vector<16xi32>
      %min3A_935 = arith.constant 809999 : i32
      %min3A_936 = vector.broadcast %min3A_935 : i32 to vector<16xi32>
      %min3A_937 = arith.minsi %max3A_934, %min3A_936 : vector<16xi32>
      %lt3A_938 = arith.constant 190000 : i32
      %lt3A_939 = vector.broadcast %lt3A_938 : i32 to vector<16xi32>
      %lt3A_940 = arith.cmpi slt, %get3A_928, %lt3A_939 : vector<16xi32>
      %shift_right_arithmetic3A_941 = arith.constant 6 : i32
      %shift_right_arithmetic3A_942 = vector.broadcast %shift_right_arithmetic3A_941 : i32 to vector<16xi32>
      %shift_right_arithmetic3A_943 = arith.shrsi %min3A_937, %shift_right_arithmetic3A_942 : vector<16xi32>
      %add3A_944 = arith.constant 190000 : i32
      %add3A_945 = vector.broadcast %add3A_944 : i32 to vector<16xi32>
      %add3A_946 = arith.addi %add3A_945, %shift_right_arithmetic3A_943 : vector<16xi32>
      %select_n3A_947 = arith.select %lt3A_940, %get3A_928, %add3A_946 : vector<16xi1>, vector<16xi32>
      %swap3A_948 = arith.constant 528 : index
      %swap3A_949 = tpu.vector_load %arg8[%swap3A_948] {strides = array<i32>} : memref<640xi32, #tpu.memory_space<vmem>>, vector<16xi32>,
      tpu.vector_store %arg8[%swap3A_948], %select_n3A_947 {strides = array<i32>} : memref<640xi32, #tpu.memory_space<vmem>>, vector<16xi32>,
      %and3A_950 = arith.constant 63 : i32
      %and3A_951 = vector.broadcast %and3A_950 : i32 to vector<16xi32>
      %and3A_952 = arith.andi %min3A_937, %and3A_951 : vector<16xi32>
      %swap3A_953 = arith.constant 528 : index
      %swap3A_954 = tpu.vector_load %arg9[%swap3A_953] {strides = array<i32>} : memref<640xi32, #tpu.memory_space<vmem>>, vector<16xi32>,
      tpu.vector_store %arg9[%swap3A_953], %and3A_952 {strides = array<i32>} : memref<640xi32, #tpu.memory_space<vmem>>, vector<16xi32>,
      %get3A_955 = arith.constant 544 : index
      %get3A_956 = tpu.vector_load %arg7[%get3A_955] {strides = array<i32>} : memref<640xi32, #tpu.memory_space<vmem>>, vector<16xi32>,
      %sub3A_957 = arith.constant 190000 : i32
      %sub3A_958 = vector.broadcast %sub3A_957 : i32 to vector<16xi32>
      %sub3A_959 = arith.subi %get3A_956, %sub3A_958 : vector<16xi32>
      %max3A_960 = arith.constant 0 : i32
      %max3A_961 = vector.broadcast %max3A_960 : i32 to vector<16xi32>
      %max3A_962 = arith.maxsi %sub3A_959, %max3A_961 : vector<16xi32>
      %min3A_963 = arith.constant 809999 : i32
      %min3A_964 = vector.broadcast %min3A_963 : i32 to vector<16xi32>
      %min3A_965 = arith.minsi %max3A_962, %min3A_964 : vector<16xi32>
      %lt3A_966 = arith.constant 190000 : i32
      %lt3A_967 = vector.broadcast %lt3A_966 : i32 to vector<16xi32>
      %lt3A_968 = arith.cmpi slt, %get3A_956, %lt3A_967 : vector<16xi32>
      %shift_right_arithmetic3A_969 = arith.constant 6 : i32
      %shift_right_arithmetic3A_970 = vector.broadcast %shift_right_arithmetic3A_969 : i32 to vector<16xi32>
      %shift_right_arithmetic3A_971 = arith.shrsi %min3A_965, %shift_right_arithmetic3A_970 : vector<16xi32>
      %add3A_972 = arith.constant 190000 : i32
      %add3A_973 = vector.broadcast %add3A_972 : i32 to vector<16xi32>
      %add3A_974 = arith.addi %add3A_973, %shift_right_arithmetic3A_971 : vector<16xi32>
      %select_n3A_975 = arith.select %lt3A_968, %get3A_956, %add3A_974 : vector<16xi1>, vector<16xi32>
      %swap3A_976 = arith.constant 544 : index
      %swap3A_977 = tpu.vector_load %arg8[%swap3A_976] {strides = array<i32>} : memref<640xi32, #tpu.memory_space<vmem>>, vector<16xi32>,
      tpu.vector_store %arg8[%swap3A_976], %select_n3A_975 {strides = array<i32>} : memref<640xi32, #tpu.memory_space<vmem>>, vector<16xi32>,
      %and3A_978 = arith.constant 63 : i32
      %and3A_979 = vector.broadcast %and3A_978 : i32 to vector<16xi32>
      %and3A_980 = arith.andi %min3A_965, %and3A_979 : vector<16xi32>
      %swap3A_981 = arith.constant 544 : index
      %swap3A_982 = tpu.vector_load %arg9[%swap3A_981] {strides = array<i32>} : memref<640xi32, #tpu.memory_space<vmem>>, vector<16xi32>,
      tpu.vector_store %arg9[%swap3A_981], %and3A_980 {strides = array<i32>} : memref<640xi32, #tpu.memory_space<vmem>>, vector<16xi32>,
      %get3A_983 = arith.constant 560 : index
      %get3A_984 = tpu.vector_load %arg7[%get3A_983] {strides = array<i32>} : memref<640xi32, #tpu.memory_space<vmem>>, vector<16xi32>,
      %sub3A_985 = arith.constant 190000 : i32
      %sub3A_986 = vector.broadcast %sub3A_985 : i32 to vector<16xi32>
      %sub3A_987 = arith.subi %get3A_984, %sub3A_986 : vector<16xi32>
      %max3A_988 = arith.constant 0 : i32
      %max3A_989 = vector.broadcast %max3A_988 : i32 to vector<16xi32>
      %max3A_990 = arith.maxsi %sub3A_987, %max3A_989 : vector<16xi32>
      %min3A_991 = arith.constant 809999 : i32
      %min3A_992 = vector.broadcast %min3A_991 : i32 to vector<16xi32>
      %min3A_993 = arith.minsi %max3A_990, %min3A_992 : vector<16xi32>
      %lt3A_994 = arith.constant 190000 : i32
      %lt3A_995 = vector.broadcast %lt3A_994 : i32 to vector<16xi32>
      %lt3A_996 = arith.cmpi slt, %get3A_984, %lt3A_995 : vector<16xi32>
      %shift_right_arithmetic3A_997 = arith.constant 6 : i32
      %shift_right_arithmetic3A_998 = vector.broadcast %shift_right_arithmetic3A_997 : i32 to vector<16xi32>
      %shift_right_arithmetic3A_999 = arith.shrsi %min3A_993, %shift_right_arithmetic3A_998 : vector<16xi32>
      %add3A_1000 = arith.constant 190000 : i32
      %add3A_1001 = vector.broadcast %add3A_1000 : i32 to vector<16xi32>
      %add3A_1002 = arith.addi %add3A_1001, %shift_right_arithmetic3A_999 : vector<16xi32>
      %select_n3A_1003 = arith.select %lt3A_996, %get3A_984, %add3A_1002 : vector<16xi1>, vector<16xi32>
      %swap3A_1004 = arith.constant 560 : index
      %swap3A_1005 = tpu.vector_load %arg8[%swap3A_1004] {strides = array<i32>} : memref<640xi32, #tpu.memory_space<vmem>>, vector<16xi32>,
      tpu.vector_store %arg8[%swap3A_1004], %select_n3A_1003 {strides = array<i32>} : memref<640xi32, #tpu.memory_space<vmem>>, vector<16xi32>,
      %and3A_1006 = arith.constant 63 : i32
      %and3A_1007 = vector.broadcast %and3A_1006 : i32 to vector<16xi32>
      %and3A_1008 = arith.andi %min3A_993, %and3A_1007 : vector<16xi32>
      %swap3A_1009 = arith.constant 560 : index
      %swap3A_1010 = tpu.vector_load %arg9[%swap3A_1009] {strides = array<i32>} : memref<640xi32, #tpu.memory_space<vmem>>, vector<16xi32>,
      tpu.vector_store %arg9[%swap3A_1009], %and3A_1008 {strides = array<i32>} : memref<640xi32, #tpu.memory_space<vmem>>, vector<16xi32>,
      %get3A_1011 = arith.constant 576 : index
      %get3A_1012 = tpu.vector_load %arg7[%get3A_1011] {strides = array<i32>} : memref<640xi32, #tpu.memory_space<vmem>>, vector<16xi32>,
      %sub3A_1013 = arith.constant 190000 : i32
      %sub3A_1014 = vector.broadcast %sub3A_1013 : i32 to vector<16xi32>
      %sub3A_1015 = arith.subi %get3A_1012, %sub3A_1014 : vector<16xi32>
      %max3A_1016 = arith.constant 0 : i32
      %max3A_1017 = vector.broadcast %max3A_1016 : i32 to vector<16xi32>
      %max3A_1018 = arith.maxsi %sub3A_1015, %max3A_1017 : vector<16xi32>
      %min3A_1019 = arith.constant 809999 : i32
      %min3A_1020 = vector.broadcast %min3A_1019 : i32 to vector<16xi32>
      %min3A_1021 = arith.minsi %max3A_1018, %min3A_1020 : vector<16xi32>
      %lt3A_1022 = arith.constant 190000 : i32
      %lt3A_1023 = vector.broadcast %lt3A_1022 : i32 to vector<16xi32>
      %lt3A_1024 = arith.cmpi slt, %get3A_1012, %lt3A_1023 : vector<16xi32>
      %shift_right_arithmetic3A_1025 = arith.constant 6 : i32
      %shift_right_arithmetic3A_1026 = vector.broadcast %shift_right_arithmetic3A_1025 : i32 to vector<16xi32>
      %shift_right_arithmetic3A_1027 = arith.shrsi %min3A_1021, %shift_right_arithmetic3A_1026 : vector<16xi32>
      %add3A_1028 = arith.constant 190000 : i32
      %add3A_1029 = vector.broadcast %add3A_1028 : i32 to vector<16xi32>
      %add3A_1030 = arith.addi %add3A_1029, %shift_right_arithmetic3A_1027 : vector<16xi32>
      %select_n3A_1031 = arith.select %lt3A_1024, %get3A_1012, %add3A_1030 : vector<16xi1>, vector<16xi32>
      %swap3A_1032 = arith.constant 576 : index
      %swap3A_1033 = tpu.vector_load %arg8[%swap3A_1032] {strides = array<i32>} : memref<640xi32, #tpu.memory_space<vmem>>, vector<16xi32>,
      tpu.vector_store %arg8[%swap3A_1032], %select_n3A_1031 {strides = array<i32>} : memref<640xi32, #tpu.memory_space<vmem>>, vector<16xi32>,
      %and3A_1034 = arith.constant 63 : i32
      %and3A_1035 = vector.broadcast %and3A_1034 : i32 to vector<16xi32>
      %and3A_1036 = arith.andi %min3A_1021, %and3A_1035 : vector<16xi32>
      %swap3A_1037 = arith.constant 576 : index
      %swap3A_1038 = tpu.vector_load %arg9[%swap3A_1037] {strides = array<i32>} : memref<640xi32, #tpu.memory_space<vmem>>, vector<16xi32>,
      tpu.vector_store %arg9[%swap3A_1037], %and3A_1036 {strides = array<i32>} : memref<640xi32, #tpu.memory_space<vmem>>, vector<16xi32>,
      %get3A_1039 = arith.constant 592 : index
      %get3A_1040 = tpu.vector_load %arg7[%get3A_1039] {strides = array<i32>} : memref<640xi32, #tpu.memory_space<vmem>>, vector<16xi32>,
      %sub3A_1041 = arith.constant 190000 : i32
      %sub3A_1042 = vector.broadcast %sub3A_1041 : i32 to vector<16xi32>
      %sub3A_1043 = arith.subi %get3A_1040, %sub3A_1042 : vector<16xi32>
      %max3A_1044 = arith.constant 0 : i32
      %max3A_1045 = vector.broadcast %max3A_1044 : i32 to vector<16xi32>
      %max3A_1046 = arith.maxsi %sub3A_1043, %max3A_1045 : vector<16xi32>
      %min3A_1047 = arith.constant 809999 : i32
      %min3A_1048 = vector.broadcast %min3A_1047 : i32 to vector<16xi32>
      %min3A_1049 = arith.minsi %max3A_1046, %min3A_1048 : vector<16xi32>
      %lt3A_1050 = arith.constant 190000 : i32
      %lt3A_1051 = vector.broadcast %lt3A_1050 : i32 to vector<16xi32>
      %lt3A_1052 = arith.cmpi slt, %get3A_1040, %lt3A_1051 : vector<16xi32>
      %shift_right_arithmetic3A_1053 = arith.constant 6 : i32
      %shift_right_arithmetic3A_1054 = vector.broadcast %shift_right_arithmetic3A_1053 : i32 to vector<16xi32>
      %shift_right_arithmetic3A_1055 = arith.shrsi %min3A_1049, %shift_right_arithmetic3A_1054 : vector<16xi32>
      %add3A_1056 = arith.constant 190000 : i32
      %add3A_1057 = vector.broadcast %add3A_1056 : i32 to vector<16xi32>
      %add3A_1058 = arith.addi %add3A_1057, %shift_right_arithmetic3A_1055 : vector<16xi32>
      %select_n3A_1059 = arith.select %lt3A_1052, %get3A_1040, %add3A_1058 : vector<16xi1>, vector<16xi32>
      %swap3A_1060 = arith.constant 592 : index
      %swap3A_1061 = tpu.vector_load %arg8[%swap3A_1060] {strides = array<i32>} : memref<640xi32, #tpu.memory_space<vmem>>, vector<16xi32>,
      tpu.vector_store %arg8[%swap3A_1060], %select_n3A_1059 {strides = array<i32>} : memref<640xi32, #tpu.memory_space<vmem>>, vector<16xi32>,
      %and3A_1062 = arith.constant 63 : i32
      %and3A_1063 = vector.broadcast %and3A_1062 : i32 to vector<16xi32>
      %and3A_1064 = arith.andi %min3A_1049, %and3A_1063 : vector<16xi32>
      %swap3A_1065 = arith.constant 592 : index
      %swap3A_1066 = tpu.vector_load %arg9[%swap3A_1065] {strides = array<i32>} : memref<640xi32, #tpu.memory_space<vmem>>, vector<16xi32>,
      tpu.vector_store %arg9[%swap3A_1065], %and3A_1064 {strides = array<i32>} : memref<640xi32, #tpu.memory_space<vmem>>, vector<16xi32>,
      %get3A_1067 = arith.constant 608 : index
      %get3A_1068 = tpu.vector_load %arg7[%get3A_1067] {strides = array<i32>} : memref<640xi32, #tpu.memory_space<vmem>>, vector<16xi32>,
      %sub3A_1069 = arith.constant 190000 : i32
      %sub3A_1070 = vector.broadcast %sub3A_1069 : i32 to vector<16xi32>
      %sub3A_1071 = arith.subi %get3A_1068, %sub3A_1070 : vector<16xi32>
      %max3A_1072 = arith.constant 0 : i32
      %max3A_1073 = vector.broadcast %max3A_1072 : i32 to vector<16xi32>
      %max3A_1074 = arith.maxsi %sub3A_1071, %max3A_1073 : vector<16xi32>
      %min3A_1075 = arith.constant 809999 : i32
      %min3A_1076 = vector.broadcast %min3A_1075 : i32 to vector<16xi32>
      %min3A_1077 = arith.minsi %max3A_1074, %min3A_1076 : vector<16xi32>
      %lt3A_1078 = arith.constant 190000 : i32
      %lt3A_1079 = vector.broadcast %lt3A_1078 : i32 to vector<16xi32>
      %lt3A_1080 = arith.cmpi slt, %get3A_1068, %lt3A_1079 : vector<16xi32>
      %shift_right_arithmetic3A_1081 = arith.constant 6 : i32
      %shift_right_arithmetic3A_1082 = vector.broadcast %shift_right_arithmetic3A_1081 : i32 to vector<16xi32>
      %shift_right_arithmetic3A_1083 = arith.shrsi %min3A_1077, %shift_right_arithmetic3A_1082 : vector<16xi32>
      %add3A_1084 = arith.constant 190000 : i32
      %add3A_1085 = vector.broadcast %add3A_1084 : i32 to vector<16xi32>
      %add3A_1086 = arith.addi %add3A_1085, %shift_right_arithmetic3A_1083 : vector<16xi32>
      %select_n3A_1087 = arith.select %lt3A_1080, %get3A_1068, %add3A_1086 : vector<16xi1>, vector<16xi32>
      %swap3A_1088 = arith.constant 608 : index
      %swap3A_1089 = tpu.vector_load %arg8[%swap3A_1088] {strides = array<i32>} : memref<640xi32, #tpu.memory_space<vmem>>, vector<16xi32>,
      tpu.vector_store %arg8[%swap3A_1088], %select_n3A_1087 {strides = array<i32>} : memref<640xi32, #tpu.memory_space<vmem>>, vector<16xi32>,
      %and3A_1090 = arith.constant 63 : i32
      %and3A_1091 = vector.broadcast %and3A_1090 : i32 to vector<16xi32>
      %and3A_1092 = arith.andi %min3A_1077, %and3A_1091 : vector<16xi32>
      %swap3A_1093 = arith.constant 608 : index
      %swap3A_1094 = tpu.vector_load %arg9[%swap3A_1093] {strides = array<i32>} : memref<640xi32, #tpu.memory_space<vmem>>, vector<16xi32>,
      tpu.vector_store %arg9[%swap3A_1093], %and3A_1092 {strides = array<i32>} : memref<640xi32, #tpu.memory_space<vmem>>, vector<16xi32>,
      %get3A_1095 = arith.constant 624 : index
      %get3A_1096 = tpu.vector_load %arg7[%get3A_1095] {strides = array<i32>} : memref<640xi32, #tpu.memory_space<vmem>>, vector<16xi32>,
      %sub3A_1097 = arith.constant 190000 : i32
      %sub3A_1098 = vector.broadcast %sub3A_1097 : i32 to vector<16xi32>
      %sub3A_1099 = arith.subi %get3A_1096, %sub3A_1098 : vector<16xi32>
      %max3A_1100 = arith.constant 0 : i32
      %max3A_1101 = vector.broadcast %max3A_1100 : i32 to vector<16xi32>
      %max3A_1102 = arith.maxsi %sub3A_1099, %max3A_1101 : vector<16xi32>
      %min3A_1103 = arith.constant 809999 : i32
      %min3A_1104 = vector.broadcast %min3A_1103 : i32 to vector<16xi32>
      %min3A_1105 = arith.minsi %max3A_1102, %min3A_1104 : vector<16xi32>
      %lt3A_1106 = arith.constant 190000 : i32
      %lt3A_1107 = vector.broadcast %lt3A_1106 : i32 to vector<16xi32>
      %lt3A_1108 = arith.cmpi slt, %get3A_1096, %lt3A_1107 : vector<16xi32>
      %shift_right_arithmetic3A_1109 = arith.constant 6 : i32
      %shift_right_arithmetic3A_1110 = vector.broadcast %shift_right_arithmetic3A_1109 : i32 to vector<16xi32>
      %shift_right_arithmetic3A_1111 = arith.shrsi %min3A_1105, %shift_right_arithmetic3A_1110 : vector<16xi32>
      %add3A_1112 = arith.constant 190000 : i32
      %add3A_1113 = vector.broadcast %add3A_1112 : i32 to vector<16xi32>
      %add3A_1114 = arith.addi %add3A_1113, %shift_right_arithmetic3A_1111 : vector<16xi32>
      %select_n3A_1115 = arith.select %lt3A_1108, %get3A_1096, %add3A_1114 : vector<16xi1>, vector<16xi32>
      %swap3A_1116 = arith.constant 624 : index
      %swap3A_1117 = tpu.vector_load %arg8[%swap3A_1116] {strides = array<i32>} : memref<640xi32, #tpu.memory_space<vmem>>, vector<16xi32>,
      tpu.vector_store %arg8[%swap3A_1116], %select_n3A_1115 {strides = array<i32>} : memref<640xi32, #tpu.memory_space<vmem>>, vector<16xi32>,
      %and3A_1118 = arith.constant 63 : i32
      %and3A_1119 = vector.broadcast %and3A_1118 : i32 to vector<16xi32>
      %and3A_1120 = arith.andi %min3A_1105, %and3A_1119 : vector<16xi32>
      %swap3A_1121 = arith.constant 624 : index
      %swap3A_1122 = tpu.vector_load %arg9[%swap3A_1121] {strides = array<i32>} : memref<640xi32, #tpu.memory_space<vmem>>, vector<16xi32>,
      tpu.vector_store %arg9[%swap3A_1121], %and3A_1120 {strides = array<i32>} : memref<640xi32, #tpu.memory_space<vmem>>, vector<16xi32>,
      %dma_start3A = arith.constant 0 : i32
      %dma_start3A_1123 = arith.constant 0 : i32
      %dma_start3A_1124 = tpu.memref_slice %arg10[%dma_start3A, %dma_start3A_1123] : memref<640x128xf32, #tpu.memory_space<vmem>> -> memref<128x128xf32, #tpu.memory_space<vmem>>
      %dma_start3A_1125 = arith.constant 0 : i32
      %dma_start3A_1126 = tpu.memref_slice %arg8[%dma_start3A_1125] : memref<640xi32, #tpu.memory_space<vmem>> -> memref<128xi32, #tpu.memory_space<vmem>>
      %dma_start3A_1127 = arith.constant 0 : i32
      %dma_start3A_1128 = arith.constant 0 : i32
      %dma_start3A_1129 = tpu.memref_slice %arg3[%dma_start3A_1127, %dma_start3A_1128] : memref<204000x128xf32, #tpu.memory_space<hbm>> -> memref<204000x128xf32, #tpu.memory_space<hbm>>
      tpu.enqueue_indirect_dma source(%dma_start3A_1129 : memref<204000x128xf32, #tpu.memory_space<hbm>>) target(%dma_start3A_1124 : memref<128x128xf32, #tpu.memory_space<vmem>>) offsets(%dma_start3A_1126 : memref<128xi32, #tpu.memory_space<vmem>>) semaphore(%arg13 : memref<!tpu.dma_semaphore, #tpu.memory_space<semaphore_mem>>)
      %dma_start3A_1130 = arith.constant 128 : i32
      %dma_start3A_1131 = arith.constant 0 : i32
      %dma_start3A_1132 = tpu.memref_slice %arg10[%dma_start3A_1130, %dma_start3A_1131] : memref<640x128xf32, #tpu.memory_space<vmem>> -> memref<128x128xf32, #tpu.memory_space<vmem>>
      %dma_start3A_1133 = arith.constant 128 : i32
      %dma_start3A_1134 = tpu.memref_slice %arg8[%dma_start3A_1133] : memref<640xi32, #tpu.memory_space<vmem>> -> memref<128xi32, #tpu.memory_space<vmem>>
      %dma_start3A_1135 = arith.constant 0 : i32
      %dma_start3A_1136 = arith.constant 0 : i32
      %dma_start3A_1137 = tpu.memref_slice %arg3[%dma_start3A_1135, %dma_start3A_1136] : memref<204000x128xf32, #tpu.memory_space<hbm>> -> memref<204000x128xf32, #tpu.memory_space<hbm>>
      tpu.enqueue_indirect_dma source(%dma_start3A_1137 : memref<204000x128xf32, #tpu.memory_space<hbm>>) target(%dma_start3A_1132 : memref<128x128xf32, #tpu.memory_space<vmem>>) offsets(%dma_start3A_1134 : memref<128xi32, #tpu.memory_space<vmem>>) semaphore(%arg13 : memref<!tpu.dma_semaphore, #tpu.memory_space<semaphore_mem>>)
      %dma_start3A_1138 = arith.constant 256 : i32
      %dma_start3A_1139 = arith.constant 0 : i32
      %dma_start3A_1140 = tpu.memref_slice %arg10[%dma_start3A_1138, %dma_start3A_1139] : memref<640x128xf32, #tpu.memory_space<vmem>> -> memref<128x128xf32, #tpu.memory_space<vmem>>
      %dma_start3A_1141 = arith.constant 256 : i32
      %dma_start3A_1142 = tpu.memref_slice %arg8[%dma_start3A_1141] : memref<640xi32, #tpu.memory_space<vmem>> -> memref<128xi32, #tpu.memory_space<vmem>>
      %dma_start3A_1143 = arith.constant 0 : i32
      %dma_start3A_1144 = arith.constant 0 : i32
      %dma_start3A_1145 = tpu.memref_slice %arg3[%dma_start3A_1143, %dma_start3A_1144] : memref<204000x128xf32, #tpu.memory_space<hbm>> -> memref<204000x128xf32, #tpu.memory_space<hbm>>
      tpu.enqueue_indirect_dma source(%dma_start3A_1145 : memref<204000x128xf32, #tpu.memory_space<hbm>>) target(%dma_start3A_1140 : memref<128x128xf32, #tpu.memory_space<vmem>>) offsets(%dma_start3A_1142 : memref<128xi32, #tpu.memory_space<vmem>>) semaphore(%arg13 : memref<!tpu.dma_semaphore, #tpu.memory_space<semaphore_mem>>)
      %dma_start3A_1146 = arith.constant 384 : i32
      %dma_start3A_1147 = arith.constant 0 : i32
      %dma_start3A_1148 = tpu.memref_slice %arg10[%dma_start3A_1146, %dma_start3A_1147] : memref<640x128xf32, #tpu.memory_space<vmem>> -> memref<128x128xf32, #tpu.memory_space<vmem>>
      %dma_start3A_1149 = arith.constant 384 : i32
      %dma_start3A_1150 = tpu.memref_slice %arg8[%dma_start3A_1149] : memref<640xi32, #tpu.memory_space<vmem>> -> memref<128xi32, #tpu.memory_space<vmem>>
      %dma_start3A_1151 = arith.constant 0 : i32
      %dma_start3A_1152 = arith.constant 0 : i32
      %dma_start3A_1153 = tpu.memref_slice %arg3[%dma_start3A_1151, %dma_start3A_1152] : memref<204000x128xf32, #tpu.memory_space<hbm>> -> memref<204000x128xf32, #tpu.memory_space<hbm>>
      tpu.enqueue_indirect_dma source(%dma_start3A_1153 : memref<204000x128xf32, #tpu.memory_space<hbm>>) target(%dma_start3A_1148 : memref<128x128xf32, #tpu.memory_space<vmem>>) offsets(%dma_start3A_1150 : memref<128xi32, #tpu.memory_space<vmem>>) semaphore(%arg13 : memref<!tpu.dma_semaphore, #tpu.memory_space<semaphore_mem>>)
      %dma_start3A_1154 = arith.constant 512 : i32
      %dma_start3A_1155 = arith.constant 0 : i32
      %dma_start3A_1156 = tpu.memref_slice %arg10[%dma_start3A_1154, %dma_start3A_1155] : memref<640x128xf32, #tpu.memory_space<vmem>> -> memref<128x128xf32, #tpu.memory_space<vmem>>
      %dma_start3A_1157 = arith.constant 512 : i32
      %dma_start3A_1158 = tpu.memref_slice %arg8[%dma_start3A_1157] : memref<640xi32, #tpu.memory_space<vmem>> -> memref<128xi32, #tpu.memory_space<vmem>>
      %dma_start3A_1159 = arith.constant 0 : i32
      %dma_start3A_1160 = arith.constant 0 : i32
      %dma_start3A_1161 = tpu.memref_slice %arg3[%dma_start3A_1159, %dma_start3A_1160] : memref<204000x128xf32, #tpu.memory_space<hbm>> -> memref<204000x128xf32, #tpu.memory_space<hbm>>
      tpu.enqueue_indirect_dma source(%dma_start3A_1161 : memref<204000x128xf32, #tpu.memory_space<hbm>>) target(%dma_start3A_1156 : memref<128x128xf32, #tpu.memory_space<vmem>>) offsets(%dma_start3A_1158 : memref<128xi32, #tpu.memory_space<vmem>>) semaphore(%arg13 : memref<!tpu.dma_semaphore, #tpu.memory_space<semaphore_mem>>)
      %dma_wait3A = arith.constant 0 : i32
      %dma_wait3A_1162 = arith.constant 0 : i32
      %dma_wait3A_1163 = tpu.memref_slice %arg10[%dma_wait3A, %dma_wait3A_1162] : memref<640x128xf32, #tpu.memory_space<vmem>> -> memref<128x128xf32, #tpu.memory_space<vmem>>
      %dma_wait3A_1164 = arith.constant 0 : i32
      %dma_wait3A_1165 = tpu.memref_slice %arg8[%dma_wait3A_1164] : memref<640xi32, #tpu.memory_space<vmem>> -> memref<128xi32, #tpu.memory_space<vmem>>
      %dma_wait3A_1166 = arith.constant 0 : i32
      %dma_wait3A_1167 = arith.constant 0 : i32
      %dma_wait3A_1168 = tpu.memref_slice %arg3[%dma_wait3A_1166, %dma_wait3A_1167] : memref<204000x128xf32, #tpu.memory_space<hbm>> -> memref<204000x128xf32, #tpu.memory_space<hbm>>
      tpu.wait_indirect_dma semaphore(%arg13 : memref<!tpu.dma_semaphore, #tpu.memory_space<semaphore_mem>>) src(%dma_wait3A_1168 : memref<204000x128xf32, #tpu.memory_space<hbm>>) dst(%dma_wait3A_1163 : memref<128x128xf32, #tpu.memory_space<vmem>>)
      %dma_wait3A_1169 = arith.constant 128 : i32
      %dma_wait3A_1170 = arith.constant 0 : i32
      %dma_wait3A_1171 = tpu.memref_slice %arg10[%dma_wait3A_1169, %dma_wait3A_1170] : memref<640x128xf32, #tpu.memory_space<vmem>> -> memref<128x128xf32, #tpu.memory_space<vmem>>
      %dma_wait3A_1172 = arith.constant 128 : i32
      %dma_wait3A_1173 = tpu.memref_slice %arg8[%dma_wait3A_1172] : memref<640xi32, #tpu.memory_space<vmem>> -> memref<128xi32, #tpu.memory_space<vmem>>
      %dma_wait3A_1174 = arith.constant 0 : i32
      %dma_wait3A_1175 = arith.constant 0 : i32
      %dma_wait3A_1176 = tpu.memref_slice %arg3[%dma_wait3A_1174, %dma_wait3A_1175] : memref<204000x128xf32, #tpu.memory_space<hbm>> -> memref<204000x128xf32, #tpu.memory_space<hbm>>
      tpu.wait_indirect_dma semaphore(%arg13 : memref<!tpu.dma_semaphore, #tpu.memory_space<semaphore_mem>>) src(%dma_wait3A_1176 : memref<204000x128xf32, #tpu.memory_space<hbm>>) dst(%dma_wait3A_1171 : memref<128x128xf32, #tpu.memory_space<vmem>>)
      %dma_wait3A_1177 = arith.constant 256 : i32
      %dma_wait3A_1178 = arith.constant 0 : i32
      %dma_wait3A_1179 = tpu.memref_slice %arg10[%dma_wait3A_1177, %dma_wait3A_1178] : memref<640x128xf32, #tpu.memory_space<vmem>> -> memref<128x128xf32, #tpu.memory_space<vmem>>
      %dma_wait3A_1180 = arith.constant 256 : i32
      %dma_wait3A_1181 = tpu.memref_slice %arg8[%dma_wait3A_1180] : memref<640xi32, #tpu.memory_space<vmem>> -> memref<128xi32, #tpu.memory_space<vmem>>
      %dma_wait3A_1182 = arith.constant 0 : i32
      %dma_wait3A_1183 = arith.constant 0 : i32
      %dma_wait3A_1184 = tpu.memref_slice %arg3[%dma_wait3A_1182, %dma_wait3A_1183] : memref<204000x128xf32, #tpu.memory_space<hbm>> -> memref<204000x128xf32, #tpu.memory_space<hbm>>
      tpu.wait_indirect_dma semaphore(%arg13 : memref<!tpu.dma_semaphore, #tpu.memory_space<semaphore_mem>>) src(%dma_wait3A_1184 : memref<204000x128xf32, #tpu.memory_space<hbm>>) dst(%dma_wait3A_1179 : memref<128x128xf32, #tpu.memory_space<vmem>>)
      %dma_wait3A_1185 = arith.constant 384 : i32
      %dma_wait3A_1186 = arith.constant 0 : i32
      %dma_wait3A_1187 = tpu.memref_slice %arg10[%dma_wait3A_1185, %dma_wait3A_1186] : memref<640x128xf32, #tpu.memory_space<vmem>> -> memref<128x128xf32, #tpu.memory_space<vmem>>
      %dma_wait3A_1188 = arith.constant 384 : i32
      %dma_wait3A_1189 = tpu.memref_slice %arg8[%dma_wait3A_1188] : memref<640xi32, #tpu.memory_space<vmem>> -> memref<128xi32, #tpu.memory_space<vmem>>
      %dma_wait3A_1190 = arith.constant 0 : i32
      %dma_wait3A_1191 = arith.constant 0 : i32
      %dma_wait3A_1192 = tpu.memref_slice %arg3[%dma_wait3A_1190, %dma_wait3A_1191] : memref<204000x128xf32, #tpu.memory_space<hbm>> -> memref<204000x128xf32, #tpu.memory_space<hbm>>
      tpu.wait_indirect_dma semaphore(%arg13 : memref<!tpu.dma_semaphore, #tpu.memory_space<semaphore_mem>>) src(%dma_wait3A_1192 : memref<204000x128xf32, #tpu.memory_space<hbm>>) dst(%dma_wait3A_1187 : memref<128x128xf32, #tpu.memory_space<vmem>>)
      %dma_wait3A_1193 = arith.constant 512 : i32
      %dma_wait3A_1194 = arith.constant 0 : i32
      %dma_wait3A_1195 = tpu.memref_slice %arg10[%dma_wait3A_1193, %dma_wait3A_1194] : memref<640x128xf32, #tpu.memory_space<vmem>> -> memref<128x128xf32, #tpu.memory_space<vmem>>
      %dma_wait3A_1196 = arith.constant 512 : i32
      %dma_wait3A_1197 = tpu.memref_slice %arg8[%dma_wait3A_1196] : memref<640xi32, #tpu.memory_space<vmem>> -> memref<128xi32, #tpu.memory_space<vmem>>
      %dma_wait3A_1198 = arith.constant 0 : i32
      %dma_wait3A_1199 = arith.constant 0 : i32
      %dma_wait3A_1200 = tpu.memref_slice %arg3[%dma_wait3A_1198, %dma_wait3A_1199] : memref<204000x128xf32, #tpu.memory_space<hbm>> -> memref<204000x128xf32, #tpu.memory_space<hbm>>
      tpu.wait_indirect_dma semaphore(%arg13 : memref<!tpu.dma_semaphore, #tpu.memory_space<semaphore_mem>>) src(%dma_wait3A_1200 : memref<204000x128xf32, #tpu.memory_space<hbm>>) dst(%dma_wait3A_1195 : memref<128x128xf32, #tpu.memory_space<vmem>>)
      %dma_start3A_1201 = arith.constant 0 : i32
      %dma_start3A_1202 = tpu.memref_slice %arg4[%add3A_11, %dma_start3A_1201] : memref<204800x128xf32, #tpu.memory_space<hbm>> -> memref<640x128xf32, #tpu.memory_space<hbm>>
      %dma_start3A_1203 = arith.constant 0 : i32
      %dma_start3A_1204 = tpu.memref_slice %arg4[%add3A_11, %dma_start3A_1203] : memref<204800x128xf32, #tpu.memory_space<hbm>> -> memref<640x128xf32, #tpu.memory_space<hbm>>
      tpu.enqueue_dma source(%arg10 : memref<640x128xf32, #tpu.memory_space<vmem>>) target(%dma_start3A_1204 : memref<640x128xf32, #tpu.memory_space<hbm>>) target_semaphore(%arg14 : memref<!tpu.dma_semaphore, #tpu.memory_space<semaphore_mem>>)
      %iota3A = tpu.iota {dimensions = array<i32: 0>} : vector<16xi32>
      %add3A_1205 = arith.constant 0 : i32
      %add3A_1206 = vector.broadcast %add3A_1205 : i32 to vector<16xi32>
      %add3A_1207 = arith.addi %iota3A, %add3A_1206 : vector<16xi32>
      %get3A_1208 = arith.constant 0 : index
      %get3A_1209 = tpu.vector_load %arg9[%get3A_1208] {strides = array<i32>} : memref<640xi32, #tpu.memory_space<vmem>>, vector<16xi32>,
      %gather3A = tpu.vector_load_idx %arg10[%add3A_1207, %get3A_1209] : memref<640x128xf32, #tpu.memory_space<vmem>>[vector<16xi32>, vector<16xi32>], vector<16xf32>,
      %swap3A_1210 = arith.constant 0 : index
      %swap3A_1211 = tpu.vector_load %arg11[%swap3A_1210] {strides = array<i32>} : memref<640xf32, #tpu.memory_space<vmem>>, vector<16xf32>,
      tpu.vector_store %arg11[%swap3A_1210], %gather3A {strides = array<i32>} : memref<640xf32, #tpu.memory_space<vmem>>, vector<16xf32>,
      %add3A_1212 = arith.constant 64 : i32
      %add3A_1213 = vector.broadcast %add3A_1212 : i32 to vector<16xi32>
      %add3A_1214 = arith.addi %get3A_1209, %add3A_1213 : vector<16xi32>
      %gather3A_1215 = tpu.vector_load_idx %arg10[%add3A_1207, %add3A_1214] : memref<640x128xf32, #tpu.memory_space<vmem>>[vector<16xi32>, vector<16xi32>], vector<16xf32>,
      %swap3A_1216 = arith.constant 0 : index
      %swap3A_1217 = tpu.vector_load %arg12[%swap3A_1216] {strides = array<i32>} : memref<640xf32, #tpu.memory_space<vmem>>, vector<16xf32>,
      tpu.vector_store %arg12[%swap3A_1216], %gather3A_1215 {strides = array<i32>} : memref<640xf32, #tpu.memory_space<vmem>>, vector<16xf32>,
      %iota3A_1218 = tpu.iota {dimensions = array<i32: 0>} : vector<16xi32>
      %add3A_1219 = arith.constant 16 : i32
      %add3A_1220 = vector.broadcast %add3A_1219 : i32 to vector<16xi32>
      %add3A_1221 = arith.addi %iota3A_1218, %add3A_1220 : vector<16xi32>
      %get3A_1222 = arith.constant 16 : index
      %get3A_1223 = tpu.vector_load %arg9[%get3A_1222] {strides = array<i32>} : memref<640xi32, #tpu.memory_space<vmem>>, vector<16xi32>,
      %gather3A_1224 = tpu.vector_load_idx %arg10[%add3A_1221, %get3A_1223] : memref<640x128xf32, #tpu.memory_space<vmem>>[vector<16xi32>, vector<16xi32>], vector<16xf32>,
      %swap3A_1225 = arith.constant 16 : index
      %swap3A_1226 = tpu.vector_load %arg11[%swap3A_1225] {strides = array<i32>} : memref<640xf32, #tpu.memory_space<vmem>>, vector<16xf32>,
      tpu.vector_store %arg11[%swap3A_1225], %gather3A_1224 {strides = array<i32>} : memref<640xf32, #tpu.memory_space<vmem>>, vector<16xf32>,
      %add3A_1227 = arith.constant 64 : i32
      %add3A_1228 = vector.broadcast %add3A_1227 : i32 to vector<16xi32>
      %add3A_1229 = arith.addi %get3A_1223, %add3A_1228 : vector<16xi32>
      %gather3A_1230 = tpu.vector_load_idx %arg10[%add3A_1221, %add3A_1229] : memref<640x128xf32, #tpu.memory_space<vmem>>[vector<16xi32>, vector<16xi32>], vector<16xf32>,
      %swap3A_1231 = arith.constant 16 : index
      %swap3A_1232 = tpu.vector_load %arg12[%swap3A_1231] {strides = array<i32>} : memref<640xf32, #tpu.memory_space<vmem>>, vector<16xf32>,
      tpu.vector_store %arg12[%swap3A_1231], %gather3A_1230 {strides = array<i32>} : memref<640xf32, #tpu.memory_space<vmem>>, vector<16xf32>,
      %iota3A_1233 = tpu.iota {dimensions = array<i32: 0>} : vector<16xi32>
      %add3A_1234 = arith.constant 32 : i32
      %add3A_1235 = vector.broadcast %add3A_1234 : i32 to vector<16xi32>
      %add3A_1236 = arith.addi %iota3A_1233, %add3A_1235 : vector<16xi32>
      %get3A_1237 = arith.constant 32 : index
      %get3A_1238 = tpu.vector_load %arg9[%get3A_1237] {strides = array<i32>} : memref<640xi32, #tpu.memory_space<vmem>>, vector<16xi32>,
      %gather3A_1239 = tpu.vector_load_idx %arg10[%add3A_1236, %get3A_1238] : memref<640x128xf32, #tpu.memory_space<vmem>>[vector<16xi32>, vector<16xi32>], vector<16xf32>,
      %swap3A_1240 = arith.constant 32 : index
      %swap3A_1241 = tpu.vector_load %arg11[%swap3A_1240] {strides = array<i32>} : memref<640xf32, #tpu.memory_space<vmem>>, vector<16xf32>,
      tpu.vector_store %arg11[%swap3A_1240], %gather3A_1239 {strides = array<i32>} : memref<640xf32, #tpu.memory_space<vmem>>, vector<16xf32>,
      %add3A_1242 = arith.constant 64 : i32
      %add3A_1243 = vector.broadcast %add3A_1242 : i32 to vector<16xi32>
      %add3A_1244 = arith.addi %get3A_1238, %add3A_1243 : vector<16xi32>
      %gather3A_1245 = tpu.vector_load_idx %arg10[%add3A_1236, %add3A_1244] : memref<640x128xf32, #tpu.memory_space<vmem>>[vector<16xi32>, vector<16xi32>], vector<16xf32>,
      %swap3A_1246 = arith.constant 32 : index
      %swap3A_1247 = tpu.vector_load %arg12[%swap3A_1246] {strides = array<i32>} : memref<640xf32, #tpu.memory_space<vmem>>, vector<16xf32>,
      tpu.vector_store %arg12[%swap3A_1246], %gather3A_1245 {strides = array<i32>} : memref<640xf32, #tpu.memory_space<vmem>>, vector<16xf32>,
      %iota3A_1248 = tpu.iota {dimensions = array<i32: 0>} : vector<16xi32>
      %add3A_1249 = arith.constant 48 : i32
      %add3A_1250 = vector.broadcast %add3A_1249 : i32 to vector<16xi32>
      %add3A_1251 = arith.addi %iota3A_1248, %add3A_1250 : vector<16xi32>
      %get3A_1252 = arith.constant 48 : index
      %get3A_1253 = tpu.vector_load %arg9[%get3A_1252] {strides = array<i32>} : memref<640xi32, #tpu.memory_space<vmem>>, vector<16xi32>,
      %gather3A_1254 = tpu.vector_load_idx %arg10[%add3A_1251, %get3A_1253] : memref<640x128xf32, #tpu.memory_space<vmem>>[vector<16xi32>, vector<16xi32>], vector<16xf32>,
      %swap3A_1255 = arith.constant 48 : index
      %swap3A_1256 = tpu.vector_load %arg11[%swap3A_1255] {strides = array<i32>} : memref<640xf32, #tpu.memory_space<vmem>>, vector<16xf32>,
      tpu.vector_store %arg11[%swap3A_1255], %gather3A_1254 {strides = array<i32>} : memref<640xf32, #tpu.memory_space<vmem>>, vector<16xf32>,
      %add3A_1257 = arith.constant 64 : i32
      %add3A_1258 = vector.broadcast %add3A_1257 : i32 to vector<16xi32>
      %add3A_1259 = arith.addi %get3A_1253, %add3A_1258 : vector<16xi32>
      %gather3A_1260 = tpu.vector_load_idx %arg10[%add3A_1251, %add3A_1259] : memref<640x128xf32, #tpu.memory_space<vmem>>[vector<16xi32>, vector<16xi32>], vector<16xf32>,
      %swap3A_1261 = arith.constant 48 : index
      %swap3A_1262 = tpu.vector_load %arg12[%swap3A_1261] {strides = array<i32>} : memref<640xf32, #tpu.memory_space<vmem>>, vector<16xf32>,
      tpu.vector_store %arg12[%swap3A_1261], %gather3A_1260 {strides = array<i32>} : memref<640xf32, #tpu.memory_space<vmem>>, vector<16xf32>,
      %iota3A_1263 = tpu.iota {dimensions = array<i32: 0>} : vector<16xi32>
      %add3A_1264 = arith.constant 64 : i32
      %add3A_1265 = vector.broadcast %add3A_1264 : i32 to vector<16xi32>
      %add3A_1266 = arith.addi %iota3A_1263, %add3A_1265 : vector<16xi32>
      %get3A_1267 = arith.constant 64 : index
      %get3A_1268 = tpu.vector_load %arg9[%get3A_1267] {strides = array<i32>} : memref<640xi32, #tpu.memory_space<vmem>>, vector<16xi32>,
      %gather3A_1269 = tpu.vector_load_idx %arg10[%add3A_1266, %get3A_1268] : memref<640x128xf32, #tpu.memory_space<vmem>>[vector<16xi32>, vector<16xi32>], vector<16xf32>,
      %swap3A_1270 = arith.constant 64 : index
      %swap3A_1271 = tpu.vector_load %arg11[%swap3A_1270] {strides = array<i32>} : memref<640xf32, #tpu.memory_space<vmem>>, vector<16xf32>,
      tpu.vector_store %arg11[%swap3A_1270], %gather3A_1269 {strides = array<i32>} : memref<640xf32, #tpu.memory_space<vmem>>, vector<16xf32>,
      %add3A_1272 = arith.constant 64 : i32
      %add3A_1273 = vector.broadcast %add3A_1272 : i32 to vector<16xi32>
      %add3A_1274 = arith.addi %get3A_1268, %add3A_1273 : vector<16xi32>
      %gather3A_1275 = tpu.vector_load_idx %arg10[%add3A_1266, %add3A_1274] : memref<640x128xf32, #tpu.memory_space<vmem>>[vector<16xi32>, vector<16xi32>], vector<16xf32>,
      %swap3A_1276 = arith.constant 64 : index
      %swap3A_1277 = tpu.vector_load %arg12[%swap3A_1276] {strides = array<i32>} : memref<640xf32, #tpu.memory_space<vmem>>, vector<16xf32>,
      tpu.vector_store %arg12[%swap3A_1276], %gather3A_1275 {strides = array<i32>} : memref<640xf32, #tpu.memory_space<vmem>>, vector<16xf32>,
      %iota3A_1278 = tpu.iota {dimensions = array<i32: 0>} : vector<16xi32>
      %add3A_1279 = arith.constant 80 : i32
      %add3A_1280 = vector.broadcast %add3A_1279 : i32 to vector<16xi32>
      %add3A_1281 = arith.addi %iota3A_1278, %add3A_1280 : vector<16xi32>
      %get3A_1282 = arith.constant 80 : index
      %get3A_1283 = tpu.vector_load %arg9[%get3A_1282] {strides = array<i32>} : memref<640xi32, #tpu.memory_space<vmem>>, vector<16xi32>,
      %gather3A_1284 = tpu.vector_load_idx %arg10[%add3A_1281, %get3A_1283] : memref<640x128xf32, #tpu.memory_space<vmem>>[vector<16xi32>, vector<16xi32>], vector<16xf32>,
      %swap3A_1285 = arith.constant 80 : index
      %swap3A_1286 = tpu.vector_load %arg11[%swap3A_1285] {strides = array<i32>} : memref<640xf32, #tpu.memory_space<vmem>>, vector<16xf32>,
      tpu.vector_store %arg11[%swap3A_1285], %gather3A_1284 {strides = array<i32>} : memref<640xf32, #tpu.memory_space<vmem>>, vector<16xf32>,
      %add3A_1287 = arith.constant 64 : i32
      %add3A_1288 = vector.broadcast %add3A_1287 : i32 to vector<16xi32>
      %add3A_1289 = arith.addi %get3A_1283, %add3A_1288 : vector<16xi32>
      %gather3A_1290 = tpu.vector_load_idx %arg10[%add3A_1281, %add3A_1289] : memref<640x128xf32, #tpu.memory_space<vmem>>[vector<16xi32>, vector<16xi32>], vector<16xf32>,
      %swap3A_1291 = arith.constant 80 : index
      %swap3A_1292 = tpu.vector_load %arg12[%swap3A_1291] {strides = array<i32>} : memref<640xf32, #tpu.memory_space<vmem>>, vector<16xf32>,
      tpu.vector_store %arg12[%swap3A_1291], %gather3A_1290 {strides = array<i32>} : memref<640xf32, #tpu.memory_space<vmem>>, vector<16xf32>,
      %iota3A_1293 = tpu.iota {dimensions = array<i32: 0>} : vector<16xi32>
      %add3A_1294 = arith.constant 96 : i32
      %add3A_1295 = vector.broadcast %add3A_1294 : i32 to vector<16xi32>
      %add3A_1296 = arith.addi %iota3A_1293, %add3A_1295 : vector<16xi32>
      %get3A_1297 = arith.constant 96 : index
      %get3A_1298 = tpu.vector_load %arg9[%get3A_1297] {strides = array<i32>} : memref<640xi32, #tpu.memory_space<vmem>>, vector<16xi32>,
      %gather3A_1299 = tpu.vector_load_idx %arg10[%add3A_1296, %get3A_1298] : memref<640x128xf32, #tpu.memory_space<vmem>>[vector<16xi32>, vector<16xi32>], vector<16xf32>,
      %swap3A_1300 = arith.constant 96 : index
      %swap3A_1301 = tpu.vector_load %arg11[%swap3A_1300] {strides = array<i32>} : memref<640xf32, #tpu.memory_space<vmem>>, vector<16xf32>,
      tpu.vector_store %arg11[%swap3A_1300], %gather3A_1299 {strides = array<i32>} : memref<640xf32, #tpu.memory_space<vmem>>, vector<16xf32>,
      %add3A_1302 = arith.constant 64 : i32
      %add3A_1303 = vector.broadcast %add3A_1302 : i32 to vector<16xi32>
      %add3A_1304 = arith.addi %get3A_1298, %add3A_1303 : vector<16xi32>
      %gather3A_1305 = tpu.vector_load_idx %arg10[%add3A_1296, %add3A_1304] : memref<640x128xf32, #tpu.memory_space<vmem>>[vector<16xi32>, vector<16xi32>], vector<16xf32>,
      %swap3A_1306 = arith.constant 96 : index
      %swap3A_1307 = tpu.vector_load %arg12[%swap3A_1306] {strides = array<i32>} : memref<640xf32, #tpu.memory_space<vmem>>, vector<16xf32>,
      tpu.vector_store %arg12[%swap3A_1306], %gather3A_1305 {strides = array<i32>} : memref<640xf32, #tpu.memory_space<vmem>>, vector<16xf32>,
      %iota3A_1308 = tpu.iota {dimensions = array<i32: 0>} : vector<16xi32>
      %add3A_1309 = arith.constant 112 : i32
      %add3A_1310 = vector.broadcast %add3A_1309 : i32 to vector<16xi32>
      %add3A_1311 = arith.addi %iota3A_1308, %add3A_1310 : vector<16xi32>
      %get3A_1312 = arith.constant 112 : index
      %get3A_1313 = tpu.vector_load %arg9[%get3A_1312] {strides = array<i32>} : memref<640xi32, #tpu.memory_space<vmem>>, vector<16xi32>,
      %gather3A_1314 = tpu.vector_load_idx %arg10[%add3A_1311, %get3A_1313] : memref<640x128xf32, #tpu.memory_space<vmem>>[vector<16xi32>, vector<16xi32>], vector<16xf32>,
      %swap3A_1315 = arith.constant 112 : index
      %swap3A_1316 = tpu.vector_load %arg11[%swap3A_1315] {strides = array<i32>} : memref<640xf32, #tpu.memory_space<vmem>>, vector<16xf32>,
      tpu.vector_store %arg11[%swap3A_1315], %gather3A_1314 {strides = array<i32>} : memref<640xf32, #tpu.memory_space<vmem>>, vector<16xf32>,
      %add3A_1317 = arith.constant 64 : i32
      %add3A_1318 = vector.broadcast %add3A_1317 : i32 to vector<16xi32>
      %add3A_1319 = arith.addi %get3A_1313, %add3A_1318 : vector<16xi32>
      %gather3A_1320 = tpu.vector_load_idx %arg10[%add3A_1311, %add3A_1319] : memref<640x128xf32, #tpu.memory_space<vmem>>[vector<16xi32>, vector<16xi32>], vector<16xf32>,
      %swap3A_1321 = arith.constant 112 : index
      %swap3A_1322 = tpu.vector_load %arg12[%swap3A_1321] {strides = array<i32>} : memref<640xf32, #tpu.memory_space<vmem>>, vector<16xf32>,
      tpu.vector_store %arg12[%swap3A_1321], %gather3A_1320 {strides = array<i32>} : memref<640xf32, #tpu.memory_space<vmem>>, vector<16xf32>,
      %iota3A_1323 = tpu.iota {dimensions = array<i32: 0>} : vector<16xi32>
      %add3A_1324 = arith.constant 128 : i32
      %add3A_1325 = vector.broadcast %add3A_1324 : i32 to vector<16xi32>
      %add3A_1326 = arith.addi %iota3A_1323, %add3A_1325 : vector<16xi32>
      %get3A_1327 = arith.constant 128 : index
      %get3A_1328 = tpu.vector_load %arg9[%get3A_1327] {strides = array<i32>} : memref<640xi32, #tpu.memory_space<vmem>>, vector<16xi32>,
      %gather3A_1329 = tpu.vector_load_idx %arg10[%add3A_1326, %get3A_1328] : memref<640x128xf32, #tpu.memory_space<vmem>>[vector<16xi32>, vector<16xi32>], vector<16xf32>,
      %swap3A_1330 = arith.constant 128 : index
      %swap3A_1331 = tpu.vector_load %arg11[%swap3A_1330] {strides = array<i32>} : memref<640xf32, #tpu.memory_space<vmem>>, vector<16xf32>,
      tpu.vector_store %arg11[%swap3A_1330], %gather3A_1329 {strides = array<i32>} : memref<640xf32, #tpu.memory_space<vmem>>, vector<16xf32>,
      %add3A_1332 = arith.constant 64 : i32
      %add3A_1333 = vector.broadcast %add3A_1332 : i32 to vector<16xi32>
      %add3A_1334 = arith.addi %get3A_1328, %add3A_1333 : vector<16xi32>
      %gather3A_1335 = tpu.vector_load_idx %arg10[%add3A_1326, %add3A_1334] : memref<640x128xf32, #tpu.memory_space<vmem>>[vector<16xi32>, vector<16xi32>], vector<16xf32>,
      %swap3A_1336 = arith.constant 128 : index
      %swap3A_1337 = tpu.vector_load %arg12[%swap3A_1336] {strides = array<i32>} : memref<640xf32, #tpu.memory_space<vmem>>, vector<16xf32>,
      tpu.vector_store %arg12[%swap3A_1336], %gather3A_1335 {strides = array<i32>} : memref<640xf32, #tpu.memory_space<vmem>>, vector<16xf32>,
      %iota3A_1338 = tpu.iota {dimensions = array<i32: 0>} : vector<16xi32>
      %add3A_1339 = arith.constant 144 : i32
      %add3A_1340 = vector.broadcast %add3A_1339 : i32 to vector<16xi32>
      %add3A_1341 = arith.addi %iota3A_1338, %add3A_1340 : vector<16xi32>
      %get3A_1342 = arith.constant 144 : index
      %get3A_1343 = tpu.vector_load %arg9[%get3A_1342] {strides = array<i32>} : memref<640xi32, #tpu.memory_space<vmem>>, vector<16xi32>,
      %gather3A_1344 = tpu.vector_load_idx %arg10[%add3A_1341, %get3A_1343] : memref<640x128xf32, #tpu.memory_space<vmem>>[vector<16xi32>, vector<16xi32>], vector<16xf32>,
      %swap3A_1345 = arith.constant 144 : index
      %swap3A_1346 = tpu.vector_load %arg11[%swap3A_1345] {strides = array<i32>} : memref<640xf32, #tpu.memory_space<vmem>>, vector<16xf32>,
      tpu.vector_store %arg11[%swap3A_1345], %gather3A_1344 {strides = array<i32>} : memref<640xf32, #tpu.memory_space<vmem>>, vector<16xf32>,
      %add3A_1347 = arith.constant 64 : i32
      %add3A_1348 = vector.broadcast %add3A_1347 : i32 to vector<16xi32>
      %add3A_1349 = arith.addi %get3A_1343, %add3A_1348 : vector<16xi32>
      %gather3A_1350 = tpu.vector_load_idx %arg10[%add3A_1341, %add3A_1349] : memref<640x128xf32, #tpu.memory_space<vmem>>[vector<16xi32>, vector<16xi32>], vector<16xf32>,
      %swap3A_1351 = arith.constant 144 : index
      %swap3A_1352 = tpu.vector_load %arg12[%swap3A_1351] {strides = array<i32>} : memref<640xf32, #tpu.memory_space<vmem>>, vector<16xf32>,
      tpu.vector_store %arg12[%swap3A_1351], %gather3A_1350 {strides = array<i32>} : memref<640xf32, #tpu.memory_space<vmem>>, vector<16xf32>,
      %iota3A_1353 = tpu.iota {dimensions = array<i32: 0>} : vector<16xi32>
      %add3A_1354 = arith.constant 160 : i32
      %add3A_1355 = vector.broadcast %add3A_1354 : i32 to vector<16xi32>
      %add3A_1356 = arith.addi %iota3A_1353, %add3A_1355 : vector<16xi32>
      %get3A_1357 = arith.constant 160 : index
      %get3A_1358 = tpu.vector_load %arg9[%get3A_1357] {strides = array<i32>} : memref<640xi32, #tpu.memory_space<vmem>>, vector<16xi32>,
      %gather3A_1359 = tpu.vector_load_idx %arg10[%add3A_1356, %get3A_1358] : memref<640x128xf32, #tpu.memory_space<vmem>>[vector<16xi32>, vector<16xi32>], vector<16xf32>,
      %swap3A_1360 = arith.constant 160 : index
      %swap3A_1361 = tpu.vector_load %arg11[%swap3A_1360] {strides = array<i32>} : memref<640xf32, #tpu.memory_space<vmem>>, vector<16xf32>,
      tpu.vector_store %arg11[%swap3A_1360], %gather3A_1359 {strides = array<i32>} : memref<640xf32, #tpu.memory_space<vmem>>, vector<16xf32>,
      %add3A_1362 = arith.constant 64 : i32
      %add3A_1363 = vector.broadcast %add3A_1362 : i32 to vector<16xi32>
      %add3A_1364 = arith.addi %get3A_1358, %add3A_1363 : vector<16xi32>
      %gather3A_1365 = tpu.vector_load_idx %arg10[%add3A_1356, %add3A_1364] : memref<640x128xf32, #tpu.memory_space<vmem>>[vector<16xi32>, vector<16xi32>], vector<16xf32>,
      %swap3A_1366 = arith.constant 160 : index
      %swap3A_1367 = tpu.vector_load %arg12[%swap3A_1366] {strides = array<i32>} : memref<640xf32, #tpu.memory_space<vmem>>, vector<16xf32>,
      tpu.vector_store %arg12[%swap3A_1366], %gather3A_1365 {strides = array<i32>} : memref<640xf32, #tpu.memory_space<vmem>>, vector<16xf32>,
      %iota3A_1368 = tpu.iota {dimensions = array<i32: 0>} : vector<16xi32>
      %add3A_1369 = arith.constant 176 : i32
      %add3A_1370 = vector.broadcast %add3A_1369 : i32 to vector<16xi32>
      %add3A_1371 = arith.addi %iota3A_1368, %add3A_1370 : vector<16xi32>
      %get3A_1372 = arith.constant 176 : index
      %get3A_1373 = tpu.vector_load %arg9[%get3A_1372] {strides = array<i32>} : memref<640xi32, #tpu.memory_space<vmem>>, vector<16xi32>,
      %gather3A_1374 = tpu.vector_load_idx %arg10[%add3A_1371, %get3A_1373] : memref<640x128xf32, #tpu.memory_space<vmem>>[vector<16xi32>, vector<16xi32>], vector<16xf32>,
      %swap3A_1375 = arith.constant 176 : index
      %swap3A_1376 = tpu.vector_load %arg11[%swap3A_1375] {strides = array<i32>} : memref<640xf32, #tpu.memory_space<vmem>>, vector<16xf32>,
      tpu.vector_store %arg11[%swap3A_1375], %gather3A_1374 {strides = array<i32>} : memref<640xf32, #tpu.memory_space<vmem>>, vector<16xf32>,
      %add3A_1377 = arith.constant 64 : i32
      %add3A_1378 = vector.broadcast %add3A_1377 : i32 to vector<16xi32>
      %add3A_1379 = arith.addi %get3A_1373, %add3A_1378 : vector<16xi32>
      %gather3A_1380 = tpu.vector_load_idx %arg10[%add3A_1371, %add3A_1379] : memref<640x128xf32, #tpu.memory_space<vmem>>[vector<16xi32>, vector<16xi32>], vector<16xf32>,
      %swap3A_1381 = arith.constant 176 : index
      %swap3A_1382 = tpu.vector_load %arg12[%swap3A_1381] {strides = array<i32>} : memref<640xf32, #tpu.memory_space<vmem>>, vector<16xf32>,
      tpu.vector_store %arg12[%swap3A_1381], %gather3A_1380 {strides = array<i32>} : memref<640xf32, #tpu.memory_space<vmem>>, vector<16xf32>,
      %iota3A_1383 = tpu.iota {dimensions = array<i32: 0>} : vector<16xi32>
      %add3A_1384 = arith.constant 192 : i32
      %add3A_1385 = vector.broadcast %add3A_1384 : i32 to vector<16xi32>
      %add3A_1386 = arith.addi %iota3A_1383, %add3A_1385 : vector<16xi32>
      %get3A_1387 = arith.constant 192 : index
      %get3A_1388 = tpu.vector_load %arg9[%get3A_1387] {strides = array<i32>} : memref<640xi32, #tpu.memory_space<vmem>>, vector<16xi32>,
      %gather3A_1389 = tpu.vector_load_idx %arg10[%add3A_1386, %get3A_1388] : memref<640x128xf32, #tpu.memory_space<vmem>>[vector<16xi32>, vector<16xi32>], vector<16xf32>,
      %swap3A_1390 = arith.constant 192 : index
      %swap3A_1391 = tpu.vector_load %arg11[%swap3A_1390] {strides = array<i32>} : memref<640xf32, #tpu.memory_space<vmem>>, vector<16xf32>,
      tpu.vector_store %arg11[%swap3A_1390], %gather3A_1389 {strides = array<i32>} : memref<640xf32, #tpu.memory_space<vmem>>, vector<16xf32>,
      %add3A_1392 = arith.constant 64 : i32
      %add3A_1393 = vector.broadcast %add3A_1392 : i32 to vector<16xi32>
      %add3A_1394 = arith.addi %get3A_1388, %add3A_1393 : vector<16xi32>
      %gather3A_1395 = tpu.vector_load_idx %arg10[%add3A_1386, %add3A_1394] : memref<640x128xf32, #tpu.memory_space<vmem>>[vector<16xi32>, vector<16xi32>], vector<16xf32>,
      %swap3A_1396 = arith.constant 192 : index
      %swap3A_1397 = tpu.vector_load %arg12[%swap3A_1396] {strides = array<i32>} : memref<640xf32, #tpu.memory_space<vmem>>, vector<16xf32>,
      tpu.vector_store %arg12[%swap3A_1396], %gather3A_1395 {strides = array<i32>} : memref<640xf32, #tpu.memory_space<vmem>>, vector<16xf32>,
      %iota3A_1398 = tpu.iota {dimensions = array<i32: 0>} : vector<16xi32>
      %add3A_1399 = arith.constant 208 : i32
      %add3A_1400 = vector.broadcast %add3A_1399 : i32 to vector<16xi32>
      %add3A_1401 = arith.addi %iota3A_1398, %add3A_1400 : vector<16xi32>
      %get3A_1402 = arith.constant 208 : index
      %get3A_1403 = tpu.vector_load %arg9[%get3A_1402] {strides = array<i32>} : memref<640xi32, #tpu.memory_space<vmem>>, vector<16xi32>,
      %gather3A_1404 = tpu.vector_load_idx %arg10[%add3A_1401, %get3A_1403] : memref<640x128xf32, #tpu.memory_space<vmem>>[vector<16xi32>, vector<16xi32>], vector<16xf32>,
      %swap3A_1405 = arith.constant 208 : index
      %swap3A_1406 = tpu.vector_load %arg11[%swap3A_1405] {strides = array<i32>} : memref<640xf32, #tpu.memory_space<vmem>>, vector<16xf32>,
      tpu.vector_store %arg11[%swap3A_1405], %gather3A_1404 {strides = array<i32>} : memref<640xf32, #tpu.memory_space<vmem>>, vector<16xf32>,
      %add3A_1407 = arith.constant 64 : i32
      %add3A_1408 = vector.broadcast %add3A_1407 : i32 to vector<16xi32>
      %add3A_1409 = arith.addi %get3A_1403, %add3A_1408 : vector<16xi32>
      %gather3A_1410 = tpu.vector_load_idx %arg10[%add3A_1401, %add3A_1409] : memref<640x128xf32, #tpu.memory_space<vmem>>[vector<16xi32>, vector<16xi32>], vector<16xf32>,
      %swap3A_1411 = arith.constant 208 : index
      %swap3A_1412 = tpu.vector_load %arg12[%swap3A_1411] {strides = array<i32>} : memref<640xf32, #tpu.memory_space<vmem>>, vector<16xf32>,
      tpu.vector_store %arg12[%swap3A_1411], %gather3A_1410 {strides = array<i32>} : memref<640xf32, #tpu.memory_space<vmem>>, vector<16xf32>,
      %iota3A_1413 = tpu.iota {dimensions = array<i32: 0>} : vector<16xi32>
      %add3A_1414 = arith.constant 224 : i32
      %add3A_1415 = vector.broadcast %add3A_1414 : i32 to vector<16xi32>
      %add3A_1416 = arith.addi %iota3A_1413, %add3A_1415 : vector<16xi32>
      %get3A_1417 = arith.constant 224 : index
      %get3A_1418 = tpu.vector_load %arg9[%get3A_1417] {strides = array<i32>} : memref<640xi32, #tpu.memory_space<vmem>>, vector<16xi32>,
      %gather3A_1419 = tpu.vector_load_idx %arg10[%add3A_1416, %get3A_1418] : memref<640x128xf32, #tpu.memory_space<vmem>>[vector<16xi32>, vector<16xi32>], vector<16xf32>,
      %swap3A_1420 = arith.constant 224 : index
      %swap3A_1421 = tpu.vector_load %arg11[%swap3A_1420] {strides = array<i32>} : memref<640xf32, #tpu.memory_space<vmem>>, vector<16xf32>,
      tpu.vector_store %arg11[%swap3A_1420], %gather3A_1419 {strides = array<i32>} : memref<640xf32, #tpu.memory_space<vmem>>, vector<16xf32>,
      %add3A_1422 = arith.constant 64 : i32
      %add3A_1423 = vector.broadcast %add3A_1422 : i32 to vector<16xi32>
      %add3A_1424 = arith.addi %get3A_1418, %add3A_1423 : vector<16xi32>
      %gather3A_1425 = tpu.vector_load_idx %arg10[%add3A_1416, %add3A_1424] : memref<640x128xf32, #tpu.memory_space<vmem>>[vector<16xi32>, vector<16xi32>], vector<16xf32>,
      %swap3A_1426 = arith.constant 224 : index
      %swap3A_1427 = tpu.vector_load %arg12[%swap3A_1426] {strides = array<i32>} : memref<640xf32, #tpu.memory_space<vmem>>, vector<16xf32>,
      tpu.vector_store %arg12[%swap3A_1426], %gather3A_1425 {strides = array<i32>} : memref<640xf32, #tpu.memory_space<vmem>>, vector<16xf32>,
      %iota3A_1428 = tpu.iota {dimensions = array<i32: 0>} : vector<16xi32>
      %add3A_1429 = arith.constant 240 : i32
      %add3A_1430 = vector.broadcast %add3A_1429 : i32 to vector<16xi32>
      %add3A_1431 = arith.addi %iota3A_1428, %add3A_1430 : vector<16xi32>
      %get3A_1432 = arith.constant 240 : index
      %get3A_1433 = tpu.vector_load %arg9[%get3A_1432] {strides = array<i32>} : memref<640xi32, #tpu.memory_space<vmem>>, vector<16xi32>,
      %gather3A_1434 = tpu.vector_load_idx %arg10[%add3A_1431, %get3A_1433] : memref<640x128xf32, #tpu.memory_space<vmem>>[vector<16xi32>, vector<16xi32>], vector<16xf32>,
      %swap3A_1435 = arith.constant 240 : index
      %swap3A_1436 = tpu.vector_load %arg11[%swap3A_1435] {strides = array<i32>} : memref<640xf32, #tpu.memory_space<vmem>>, vector<16xf32>,
      tpu.vector_store %arg11[%swap3A_1435], %gather3A_1434 {strides = array<i32>} : memref<640xf32, #tpu.memory_space<vmem>>, vector<16xf32>,
      %add3A_1437 = arith.constant 64 : i32
      %add3A_1438 = vector.broadcast %add3A_1437 : i32 to vector<16xi32>
      %add3A_1439 = arith.addi %get3A_1433, %add3A_1438 : vector<16xi32>
      %gather3A_1440 = tpu.vector_load_idx %arg10[%add3A_1431, %add3A_1439] : memref<640x128xf32, #tpu.memory_space<vmem>>[vector<16xi32>, vector<16xi32>], vector<16xf32>,
      %swap3A_1441 = arith.constant 240 : index
      %swap3A_1442 = tpu.vector_load %arg12[%swap3A_1441] {strides = array<i32>} : memref<640xf32, #tpu.memory_space<vmem>>, vector<16xf32>,
      tpu.vector_store %arg12[%swap3A_1441], %gather3A_1440 {strides = array<i32>} : memref<640xf32, #tpu.memory_space<vmem>>, vector<16xf32>,
      %iota3A_1443 = tpu.iota {dimensions = array<i32: 0>} : vector<16xi32>
      %add3A_1444 = arith.constant 256 : i32
      %add3A_1445 = vector.broadcast %add3A_1444 : i32 to vector<16xi32>
      %add3A_1446 = arith.addi %iota3A_1443, %add3A_1445 : vector<16xi32>
      %get3A_1447 = arith.constant 256 : index
      %get3A_1448 = tpu.vector_load %arg9[%get3A_1447] {strides = array<i32>} : memref<640xi32, #tpu.memory_space<vmem>>, vector<16xi32>,
      %gather3A_1449 = tpu.vector_load_idx %arg10[%add3A_1446, %get3A_1448] : memref<640x128xf32, #tpu.memory_space<vmem>>[vector<16xi32>, vector<16xi32>], vector<16xf32>,
      %swap3A_1450 = arith.constant 256 : index
      %swap3A_1451 = tpu.vector_load %arg11[%swap3A_1450] {strides = array<i32>} : memref<640xf32, #tpu.memory_space<vmem>>, vector<16xf32>,
      tpu.vector_store %arg11[%swap3A_1450], %gather3A_1449 {strides = array<i32>} : memref<640xf32, #tpu.memory_space<vmem>>, vector<16xf32>,
      %add3A_1452 = arith.constant 64 : i32
      %add3A_1453 = vector.broadcast %add3A_1452 : i32 to vector<16xi32>
      %add3A_1454 = arith.addi %get3A_1448, %add3A_1453 : vector<16xi32>
      %gather3A_1455 = tpu.vector_load_idx %arg10[%add3A_1446, %add3A_1454] : memref<640x128xf32, #tpu.memory_space<vmem>>[vector<16xi32>, vector<16xi32>], vector<16xf32>,
      %swap3A_1456 = arith.constant 256 : index
      %swap3A_1457 = tpu.vector_load %arg12[%swap3A_1456] {strides = array<i32>} : memref<640xf32, #tpu.memory_space<vmem>>, vector<16xf32>,
      tpu.vector_store %arg12[%swap3A_1456], %gather3A_1455 {strides = array<i32>} : memref<640xf32, #tpu.memory_space<vmem>>, vector<16xf32>,
      %iota3A_1458 = tpu.iota {dimensions = array<i32: 0>} : vector<16xi32>
      %add3A_1459 = arith.constant 272 : i32
      %add3A_1460 = vector.broadcast %add3A_1459 : i32 to vector<16xi32>
      %add3A_1461 = arith.addi %iota3A_1458, %add3A_1460 : vector<16xi32>
      %get3A_1462 = arith.constant 272 : index
      %get3A_1463 = tpu.vector_load %arg9[%get3A_1462] {strides = array<i32>} : memref<640xi32, #tpu.memory_space<vmem>>, vector<16xi32>,
      %gather3A_1464 = tpu.vector_load_idx %arg10[%add3A_1461, %get3A_1463] : memref<640x128xf32, #tpu.memory_space<vmem>>[vector<16xi32>, vector<16xi32>], vector<16xf32>,
      %swap3A_1465 = arith.constant 272 : index
      %swap3A_1466 = tpu.vector_load %arg11[%swap3A_1465] {strides = array<i32>} : memref<640xf32, #tpu.memory_space<vmem>>, vector<16xf32>,
      tpu.vector_store %arg11[%swap3A_1465], %gather3A_1464 {strides = array<i32>} : memref<640xf32, #tpu.memory_space<vmem>>, vector<16xf32>,
      %add3A_1467 = arith.constant 64 : i32
      %add3A_1468 = vector.broadcast %add3A_1467 : i32 to vector<16xi32>
      %add3A_1469 = arith.addi %get3A_1463, %add3A_1468 : vector<16xi32>
      %gather3A_1470 = tpu.vector_load_idx %arg10[%add3A_1461, %add3A_1469] : memref<640x128xf32, #tpu.memory_space<vmem>>[vector<16xi32>, vector<16xi32>], vector<16xf32>,
      %swap3A_1471 = arith.constant 272 : index
      %swap3A_1472 = tpu.vector_load %arg12[%swap3A_1471] {strides = array<i32>} : memref<640xf32, #tpu.memory_space<vmem>>, vector<16xf32>,
      tpu.vector_store %arg12[%swap3A_1471], %gather3A_1470 {strides = array<i32>} : memref<640xf32, #tpu.memory_space<vmem>>, vector<16xf32>,
      %iota3A_1473 = tpu.iota {dimensions = array<i32: 0>} : vector<16xi32>
      %add3A_1474 = arith.constant 288 : i32
      %add3A_1475 = vector.broadcast %add3A_1474 : i32 to vector<16xi32>
      %add3A_1476 = arith.addi %iota3A_1473, %add3A_1475 : vector<16xi32>
      %get3A_1477 = arith.constant 288 : index
      %get3A_1478 = tpu.vector_load %arg9[%get3A_1477] {strides = array<i32>} : memref<640xi32, #tpu.memory_space<vmem>>, vector<16xi32>,
      %gather3A_1479 = tpu.vector_load_idx %arg10[%add3A_1476, %get3A_1478] : memref<640x128xf32, #tpu.memory_space<vmem>>[vector<16xi32>, vector<16xi32>], vector<16xf32>,
      %swap3A_1480 = arith.constant 288 : index
      %swap3A_1481 = tpu.vector_load %arg11[%swap3A_1480] {strides = array<i32>} : memref<640xf32, #tpu.memory_space<vmem>>, vector<16xf32>,
      tpu.vector_store %arg11[%swap3A_1480], %gather3A_1479 {strides = array<i32>} : memref<640xf32, #tpu.memory_space<vmem>>, vector<16xf32>,
      %add3A_1482 = arith.constant 64 : i32
      %add3A_1483 = vector.broadcast %add3A_1482 : i32 to vector<16xi32>
      %add3A_1484 = arith.addi %get3A_1478, %add3A_1483 : vector<16xi32>
      %gather3A_1485 = tpu.vector_load_idx %arg10[%add3A_1476, %add3A_1484] : memref<640x128xf32, #tpu.memory_space<vmem>>[vector<16xi32>, vector<16xi32>], vector<16xf32>,
      %swap3A_1486 = arith.constant 288 : index
      %swap3A_1487 = tpu.vector_load %arg12[%swap3A_1486] {strides = array<i32>} : memref<640xf32, #tpu.memory_space<vmem>>, vector<16xf32>,
      tpu.vector_store %arg12[%swap3A_1486], %gather3A_1485 {strides = array<i32>} : memref<640xf32, #tpu.memory_space<vmem>>, vector<16xf32>,
      %iota3A_1488 = tpu.iota {dimensions = array<i32: 0>} : vector<16xi32>
      %add3A_1489 = arith.constant 304 : i32
      %add3A_1490 = vector.broadcast %add3A_1489 : i32 to vector<16xi32>
      %add3A_1491 = arith.addi %iota3A_1488, %add3A_1490 : vector<16xi32>
      %get3A_1492 = arith.constant 304 : index
      %get3A_1493 = tpu.vector_load %arg9[%get3A_1492] {strides = array<i32>} : memref<640xi32, #tpu.memory_space<vmem>>, vector<16xi32>,
      %gather3A_1494 = tpu.vector_load_idx %arg10[%add3A_1491, %get3A_1493] : memref<640x128xf32, #tpu.memory_space<vmem>>[vector<16xi32>, vector<16xi32>], vector<16xf32>,
      %swap3A_1495 = arith.constant 304 : index
      %swap3A_1496 = tpu.vector_load %arg11[%swap3A_1495] {strides = array<i32>} : memref<640xf32, #tpu.memory_space<vmem>>, vector<16xf32>,
      tpu.vector_store %arg11[%swap3A_1495], %gather3A_1494 {strides = array<i32>} : memref<640xf32, #tpu.memory_space<vmem>>, vector<16xf32>,
      %add3A_1497 = arith.constant 64 : i32
      %add3A_1498 = vector.broadcast %add3A_1497 : i32 to vector<16xi32>
      %add3A_1499 = arith.addi %get3A_1493, %add3A_1498 : vector<16xi32>
      %gather3A_1500 = tpu.vector_load_idx %arg10[%add3A_1491, %add3A_1499] : memref<640x128xf32, #tpu.memory_space<vmem>>[vector<16xi32>, vector<16xi32>], vector<16xf32>,
      %swap3A_1501 = arith.constant 304 : index
      %swap3A_1502 = tpu.vector_load %arg12[%swap3A_1501] {strides = array<i32>} : memref<640xf32, #tpu.memory_space<vmem>>, vector<16xf32>,
      tpu.vector_store %arg12[%swap3A_1501], %gather3A_1500 {strides = array<i32>} : memref<640xf32, #tpu.memory_space<vmem>>, vector<16xf32>,
      %iota3A_1503 = tpu.iota {dimensions = array<i32: 0>} : vector<16xi32>
      %add3A_1504 = arith.constant 320 : i32
      %add3A_1505 = vector.broadcast %add3A_1504 : i32 to vector<16xi32>
      %add3A_1506 = arith.addi %iota3A_1503, %add3A_1505 : vector<16xi32>
      %get3A_1507 = arith.constant 320 : index
      %get3A_1508 = tpu.vector_load %arg9[%get3A_1507] {strides = array<i32>} : memref<640xi32, #tpu.memory_space<vmem>>, vector<16xi32>,
      %gather3A_1509 = tpu.vector_load_idx %arg10[%add3A_1506, %get3A_1508] : memref<640x128xf32, #tpu.memory_space<vmem>>[vector<16xi32>, vector<16xi32>], vector<16xf32>,
      %swap3A_1510 = arith.constant 320 : index
      %swap3A_1511 = tpu.vector_load %arg11[%swap3A_1510] {strides = array<i32>} : memref<640xf32, #tpu.memory_space<vmem>>, vector<16xf32>,
      tpu.vector_store %arg11[%swap3A_1510], %gather3A_1509 {strides = array<i32>} : memref<640xf32, #tpu.memory_space<vmem>>, vector<16xf32>,
      %add3A_1512 = arith.constant 64 : i32
      %add3A_1513 = vector.broadcast %add3A_1512 : i32 to vector<16xi32>
      %add3A_1514 = arith.addi %get3A_1508, %add3A_1513 : vector<16xi32>
      %gather3A_1515 = tpu.vector_load_idx %arg10[%add3A_1506, %add3A_1514] : memref<640x128xf32, #tpu.memory_space<vmem>>[vector<16xi32>, vector<16xi32>], vector<16xf32>,
      %swap3A_1516 = arith.constant 320 : index
      %swap3A_1517 = tpu.vector_load %arg12[%swap3A_1516] {strides = array<i32>} : memref<640xf32, #tpu.memory_space<vmem>>, vector<16xf32>,
      tpu.vector_store %arg12[%swap3A_1516], %gather3A_1515 {strides = array<i32>} : memref<640xf32, #tpu.memory_space<vmem>>, vector<16xf32>,
      %iota3A_1518 = tpu.iota {dimensions = array<i32: 0>} : vector<16xi32>
      %add3A_1519 = arith.constant 336 : i32
      %add3A_1520 = vector.broadcast %add3A_1519 : i32 to vector<16xi32>
      %add3A_1521 = arith.addi %iota3A_1518, %add3A_1520 : vector<16xi32>
      %get3A_1522 = arith.constant 336 : index
      %get3A_1523 = tpu.vector_load %arg9[%get3A_1522] {strides = array<i32>} : memref<640xi32, #tpu.memory_space<vmem>>, vector<16xi32>,
      %gather3A_1524 = tpu.vector_load_idx %arg10[%add3A_1521, %get3A_1523] : memref<640x128xf32, #tpu.memory_space<vmem>>[vector<16xi32>, vector<16xi32>], vector<16xf32>,
      %swap3A_1525 = arith.constant 336 : index
      %swap3A_1526 = tpu.vector_load %arg11[%swap3A_1525] {strides = array<i32>} : memref<640xf32, #tpu.memory_space<vmem>>, vector<16xf32>,
      tpu.vector_store %arg11[%swap3A_1525], %gather3A_1524 {strides = array<i32>} : memref<640xf32, #tpu.memory_space<vmem>>, vector<16xf32>,
      %add3A_1527 = arith.constant 64 : i32
      %add3A_1528 = vector.broadcast %add3A_1527 : i32 to vector<16xi32>
      %add3A_1529 = arith.addi %get3A_1523, %add3A_1528 : vector<16xi32>
      %gather3A_1530 = tpu.vector_load_idx %arg10[%add3A_1521, %add3A_1529] : memref<640x128xf32, #tpu.memory_space<vmem>>[vector<16xi32>, vector<16xi32>], vector<16xf32>,
      %swap3A_1531 = arith.constant 336 : index
      %swap3A_1532 = tpu.vector_load %arg12[%swap3A_1531] {strides = array<i32>} : memref<640xf32, #tpu.memory_space<vmem>>, vector<16xf32>,
      tpu.vector_store %arg12[%swap3A_1531], %gather3A_1530 {strides = array<i32>} : memref<640xf32, #tpu.memory_space<vmem>>, vector<16xf32>,
      %iota3A_1533 = tpu.iota {dimensions = array<i32: 0>} : vector<16xi32>
      %add3A_1534 = arith.constant 352 : i32
      %add3A_1535 = vector.broadcast %add3A_1534 : i32 to vector<16xi32>
      %add3A_1536 = arith.addi %iota3A_1533, %add3A_1535 : vector<16xi32>
      %get3A_1537 = arith.constant 352 : index
      %get3A_1538 = tpu.vector_load %arg9[%get3A_1537] {strides = array<i32>} : memref<640xi32, #tpu.memory_space<vmem>>, vector<16xi32>,
      %gather3A_1539 = tpu.vector_load_idx %arg10[%add3A_1536, %get3A_1538] : memref<640x128xf32, #tpu.memory_space<vmem>>[vector<16xi32>, vector<16xi32>], vector<16xf32>,
      %swap3A_1540 = arith.constant 352 : index
      %swap3A_1541 = tpu.vector_load %arg11[%swap3A_1540] {strides = array<i32>} : memref<640xf32, #tpu.memory_space<vmem>>, vector<16xf32>,
      tpu.vector_store %arg11[%swap3A_1540], %gather3A_1539 {strides = array<i32>} : memref<640xf32, #tpu.memory_space<vmem>>, vector<16xf32>,
      %add3A_1542 = arith.constant 64 : i32
      %add3A_1543 = vector.broadcast %add3A_1542 : i32 to vector<16xi32>
      %add3A_1544 = arith.addi %get3A_1538, %add3A_1543 : vector<16xi32>
      %gather3A_1545 = tpu.vector_load_idx %arg10[%add3A_1536, %add3A_1544] : memref<640x128xf32, #tpu.memory_space<vmem>>[vector<16xi32>, vector<16xi32>], vector<16xf32>,
      %swap3A_1546 = arith.constant 352 : index
      %swap3A_1547 = tpu.vector_load %arg12[%swap3A_1546] {strides = array<i32>} : memref<640xf32, #tpu.memory_space<vmem>>, vector<16xf32>,
      tpu.vector_store %arg12[%swap3A_1546], %gather3A_1545 {strides = array<i32>} : memref<640xf32, #tpu.memory_space<vmem>>, vector<16xf32>,
      %iota3A_1548 = tpu.iota {dimensions = array<i32: 0>} : vector<16xi32>
      %add3A_1549 = arith.constant 368 : i32
      %add3A_1550 = vector.broadcast %add3A_1549 : i32 to vector<16xi32>
      %add3A_1551 = arith.addi %iota3A_1548, %add3A_1550 : vector<16xi32>
      %get3A_1552 = arith.constant 368 : index
      %get3A_1553 = tpu.vector_load %arg9[%get3A_1552] {strides = array<i32>} : memref<640xi32, #tpu.memory_space<vmem>>, vector<16xi32>,
      %gather3A_1554 = tpu.vector_load_idx %arg10[%add3A_1551, %get3A_1553] : memref<640x128xf32, #tpu.memory_space<vmem>>[vector<16xi32>, vector<16xi32>], vector<16xf32>,
      %swap3A_1555 = arith.constant 368 : index
      %swap3A_1556 = tpu.vector_load %arg11[%swap3A_1555] {strides = array<i32>} : memref<640xf32, #tpu.memory_space<vmem>>, vector<16xf32>,
      tpu.vector_store %arg11[%swap3A_1555], %gather3A_1554 {strides = array<i32>} : memref<640xf32, #tpu.memory_space<vmem>>, vector<16xf32>,
      %add3A_1557 = arith.constant 64 : i32
      %add3A_1558 = vector.broadcast %add3A_1557 : i32 to vector<16xi32>
      %add3A_1559 = arith.addi %get3A_1553, %add3A_1558 : vector<16xi32>
      %gather3A_1560 = tpu.vector_load_idx %arg10[%add3A_1551, %add3A_1559] : memref<640x128xf32, #tpu.memory_space<vmem>>[vector<16xi32>, vector<16xi32>], vector<16xf32>,
      %swap3A_1561 = arith.constant 368 : index
      %swap3A_1562 = tpu.vector_load %arg12[%swap3A_1561] {strides = array<i32>} : memref<640xf32, #tpu.memory_space<vmem>>, vector<16xf32>,
      tpu.vector_store %arg12[%swap3A_1561], %gather3A_1560 {strides = array<i32>} : memref<640xf32, #tpu.memory_space<vmem>>, vector<16xf32>,
      %iota3A_1563 = tpu.iota {dimensions = array<i32: 0>} : vector<16xi32>
      %add3A_1564 = arith.constant 384 : i32
      %add3A_1565 = vector.broadcast %add3A_1564 : i32 to vector<16xi32>
      %add3A_1566 = arith.addi %iota3A_1563, %add3A_1565 : vector<16xi32>
      %get3A_1567 = arith.constant 384 : index
      %get3A_1568 = tpu.vector_load %arg9[%get3A_1567] {strides = array<i32>} : memref<640xi32, #tpu.memory_space<vmem>>, vector<16xi32>,
      %gather3A_1569 = tpu.vector_load_idx %arg10[%add3A_1566, %get3A_1568] : memref<640x128xf32, #tpu.memory_space<vmem>>[vector<16xi32>, vector<16xi32>], vector<16xf32>,
      %swap3A_1570 = arith.constant 384 : index
      %swap3A_1571 = tpu.vector_load %arg11[%swap3A_1570] {strides = array<i32>} : memref<640xf32, #tpu.memory_space<vmem>>, vector<16xf32>,
      tpu.vector_store %arg11[%swap3A_1570], %gather3A_1569 {strides = array<i32>} : memref<640xf32, #tpu.memory_space<vmem>>, vector<16xf32>,
      %add3A_1572 = arith.constant 64 : i32
      %add3A_1573 = vector.broadcast %add3A_1572 : i32 to vector<16xi32>
      %add3A_1574 = arith.addi %get3A_1568, %add3A_1573 : vector<16xi32>
      %gather3A_1575 = tpu.vector_load_idx %arg10[%add3A_1566, %add3A_1574] : memref<640x128xf32, #tpu.memory_space<vmem>>[vector<16xi32>, vector<16xi32>], vector<16xf32>,
      %swap3A_1576 = arith.constant 384 : index
      %swap3A_1577 = tpu.vector_load %arg12[%swap3A_1576] {strides = array<i32>} : memref<640xf32, #tpu.memory_space<vmem>>, vector<16xf32>,
      tpu.vector_store %arg12[%swap3A_1576], %gather3A_1575 {strides = array<i32>} : memref<640xf32, #tpu.memory_space<vmem>>, vector<16xf32>,
      %iota3A_1578 = tpu.iota {dimensions = array<i32: 0>} : vector<16xi32>
      %add3A_1579 = arith.constant 400 : i32
      %add3A_1580 = vector.broadcast %add3A_1579 : i32 to vector<16xi32>
      %add3A_1581 = arith.addi %iota3A_1578, %add3A_1580 : vector<16xi32>
      %get3A_1582 = arith.constant 400 : index
      %get3A_1583 = tpu.vector_load %arg9[%get3A_1582] {strides = array<i32>} : memref<640xi32, #tpu.memory_space<vmem>>, vector<16xi32>,
      %gather3A_1584 = tpu.vector_load_idx %arg10[%add3A_1581, %get3A_1583] : memref<640x128xf32, #tpu.memory_space<vmem>>[vector<16xi32>, vector<16xi32>], vector<16xf32>,
      %swap3A_1585 = arith.constant 400 : index
      %swap3A_1586 = tpu.vector_load %arg11[%swap3A_1585] {strides = array<i32>} : memref<640xf32, #tpu.memory_space<vmem>>, vector<16xf32>,
      tpu.vector_store %arg11[%swap3A_1585], %gather3A_1584 {strides = array<i32>} : memref<640xf32, #tpu.memory_space<vmem>>, vector<16xf32>,
      %add3A_1587 = arith.constant 64 : i32
      %add3A_1588 = vector.broadcast %add3A_1587 : i32 to vector<16xi32>
      %add3A_1589 = arith.addi %get3A_1583, %add3A_1588 : vector<16xi32>
      %gather3A_1590 = tpu.vector_load_idx %arg10[%add3A_1581, %add3A_1589] : memref<640x128xf32, #tpu.memory_space<vmem>>[vector<16xi32>, vector<16xi32>], vector<16xf32>,
      %swap3A_1591 = arith.constant 400 : index
      %swap3A_1592 = tpu.vector_load %arg12[%swap3A_1591] {strides = array<i32>} : memref<640xf32, #tpu.memory_space<vmem>>, vector<16xf32>,
      tpu.vector_store %arg12[%swap3A_1591], %gather3A_1590 {strides = array<i32>} : memref<640xf32, #tpu.memory_space<vmem>>, vector<16xf32>,
      %iota3A_1593 = tpu.iota {dimensions = array<i32: 0>} : vector<16xi32>
      %add3A_1594 = arith.constant 416 : i32
      %add3A_1595 = vector.broadcast %add3A_1594 : i32 to vector<16xi32>
      %add3A_1596 = arith.addi %iota3A_1593, %add3A_1595 : vector<16xi32>
      %get3A_1597 = arith.constant 416 : index
      %get3A_1598 = tpu.vector_load %arg9[%get3A_1597] {strides = array<i32>} : memref<640xi32, #tpu.memory_space<vmem>>, vector<16xi32>,
      %gather3A_1599 = tpu.vector_load_idx %arg10[%add3A_1596, %get3A_1598] : memref<640x128xf32, #tpu.memory_space<vmem>>[vector<16xi32>, vector<16xi32>], vector<16xf32>,
      %swap3A_1600 = arith.constant 416 : index
      %swap3A_1601 = tpu.vector_load %arg11[%swap3A_1600] {strides = array<i32>} : memref<640xf32, #tpu.memory_space<vmem>>, vector<16xf32>,
      tpu.vector_store %arg11[%swap3A_1600], %gather3A_1599 {strides = array<i32>} : memref<640xf32, #tpu.memory_space<vmem>>, vector<16xf32>,
      %add3A_1602 = arith.constant 64 : i32
      %add3A_1603 = vector.broadcast %add3A_1602 : i32 to vector<16xi32>
      %add3A_1604 = arith.addi %get3A_1598, %add3A_1603 : vector<16xi32>
      %gather3A_1605 = tpu.vector_load_idx %arg10[%add3A_1596, %add3A_1604] : memref<640x128xf32, #tpu.memory_space<vmem>>[vector<16xi32>, vector<16xi32>], vector<16xf32>,
      %swap3A_1606 = arith.constant 416 : index
      %swap3A_1607 = tpu.vector_load %arg12[%swap3A_1606] {strides = array<i32>} : memref<640xf32, #tpu.memory_space<vmem>>, vector<16xf32>,
      tpu.vector_store %arg12[%swap3A_1606], %gather3A_1605 {strides = array<i32>} : memref<640xf32, #tpu.memory_space<vmem>>, vector<16xf32>,
      %iota3A_1608 = tpu.iota {dimensions = array<i32: 0>} : vector<16xi32>
      %add3A_1609 = arith.constant 432 : i32
      %add3A_1610 = vector.broadcast %add3A_1609 : i32 to vector<16xi32>
      %add3A_1611 = arith.addi %iota3A_1608, %add3A_1610 : vector<16xi32>
      %get3A_1612 = arith.constant 432 : index
      %get3A_1613 = tpu.vector_load %arg9[%get3A_1612] {strides = array<i32>} : memref<640xi32, #tpu.memory_space<vmem>>, vector<16xi32>,
      %gather3A_1614 = tpu.vector_load_idx %arg10[%add3A_1611, %get3A_1613] : memref<640x128xf32, #tpu.memory_space<vmem>>[vector<16xi32>, vector<16xi32>], vector<16xf32>,
      %swap3A_1615 = arith.constant 432 : index
      %swap3A_1616 = tpu.vector_load %arg11[%swap3A_1615] {strides = array<i32>} : memref<640xf32, #tpu.memory_space<vmem>>, vector<16xf32>,
      tpu.vector_store %arg11[%swap3A_1615], %gather3A_1614 {strides = array<i32>} : memref<640xf32, #tpu.memory_space<vmem>>, vector<16xf32>,
      %add3A_1617 = arith.constant 64 : i32
      %add3A_1618 = vector.broadcast %add3A_1617 : i32 to vector<16xi32>
      %add3A_1619 = arith.addi %get3A_1613, %add3A_1618 : vector<16xi32>
      %gather3A_1620 = tpu.vector_load_idx %arg10[%add3A_1611, %add3A_1619] : memref<640x128xf32, #tpu.memory_space<vmem>>[vector<16xi32>, vector<16xi32>], vector<16xf32>,
      %swap3A_1621 = arith.constant 432 : index
      %swap3A_1622 = tpu.vector_load %arg12[%swap3A_1621] {strides = array<i32>} : memref<640xf32, #tpu.memory_space<vmem>>, vector<16xf32>,
      tpu.vector_store %arg12[%swap3A_1621], %gather3A_1620 {strides = array<i32>} : memref<640xf32, #tpu.memory_space<vmem>>, vector<16xf32>,
      %iota3A_1623 = tpu.iota {dimensions = array<i32: 0>} : vector<16xi32>
      %add3A_1624 = arith.constant 448 : i32
      %add3A_1625 = vector.broadcast %add3A_1624 : i32 to vector<16xi32>
      %add3A_1626 = arith.addi %iota3A_1623, %add3A_1625 : vector<16xi32>
      %get3A_1627 = arith.constant 448 : index
      %get3A_1628 = tpu.vector_load %arg9[%get3A_1627] {strides = array<i32>} : memref<640xi32, #tpu.memory_space<vmem>>, vector<16xi32>,
      %gather3A_1629 = tpu.vector_load_idx %arg10[%add3A_1626, %get3A_1628] : memref<640x128xf32, #tpu.memory_space<vmem>>[vector<16xi32>, vector<16xi32>], vector<16xf32>,
      %swap3A_1630 = arith.constant 448 : index
      %swap3A_1631 = tpu.vector_load %arg11[%swap3A_1630] {strides = array<i32>} : memref<640xf32, #tpu.memory_space<vmem>>, vector<16xf32>,
      tpu.vector_store %arg11[%swap3A_1630], %gather3A_1629 {strides = array<i32>} : memref<640xf32, #tpu.memory_space<vmem>>, vector<16xf32>,
      %add3A_1632 = arith.constant 64 : i32
      %add3A_1633 = vector.broadcast %add3A_1632 : i32 to vector<16xi32>
      %add3A_1634 = arith.addi %get3A_1628, %add3A_1633 : vector<16xi32>
      %gather3A_1635 = tpu.vector_load_idx %arg10[%add3A_1626, %add3A_1634] : memref<640x128xf32, #tpu.memory_space<vmem>>[vector<16xi32>, vector<16xi32>], vector<16xf32>,
      %swap3A_1636 = arith.constant 448 : index
      %swap3A_1637 = tpu.vector_load %arg12[%swap3A_1636] {strides = array<i32>} : memref<640xf32, #tpu.memory_space<vmem>>, vector<16xf32>,
      tpu.vector_store %arg12[%swap3A_1636], %gather3A_1635 {strides = array<i32>} : memref<640xf32, #tpu.memory_space<vmem>>, vector<16xf32>,
      %iota3A_1638 = tpu.iota {dimensions = array<i32: 0>} : vector<16xi32>
      %add3A_1639 = arith.constant 464 : i32
      %add3A_1640 = vector.broadcast %add3A_1639 : i32 to vector<16xi32>
      %add3A_1641 = arith.addi %iota3A_1638, %add3A_1640 : vector<16xi32>
      %get3A_1642 = arith.constant 464 : index
      %get3A_1643 = tpu.vector_load %arg9[%get3A_1642] {strides = array<i32>} : memref<640xi32, #tpu.memory_space<vmem>>, vector<16xi32>,
      %gather3A_1644 = tpu.vector_load_idx %arg10[%add3A_1641, %get3A_1643] : memref<640x128xf32, #tpu.memory_space<vmem>>[vector<16xi32>, vector<16xi32>], vector<16xf32>,
      %swap3A_1645 = arith.constant 464 : index
      %swap3A_1646 = tpu.vector_load %arg11[%swap3A_1645] {strides = array<i32>} : memref<640xf32, #tpu.memory_space<vmem>>, vector<16xf32>,
      tpu.vector_store %arg11[%swap3A_1645], %gather3A_1644 {strides = array<i32>} : memref<640xf32, #tpu.memory_space<vmem>>, vector<16xf32>,
      %add3A_1647 = arith.constant 64 : i32
      %add3A_1648 = vector.broadcast %add3A_1647 : i32 to vector<16xi32>
      %add3A_1649 = arith.addi %get3A_1643, %add3A_1648 : vector<16xi32>
      %gather3A_1650 = tpu.vector_load_idx %arg10[%add3A_1641, %add3A_1649] : memref<640x128xf32, #tpu.memory_space<vmem>>[vector<16xi32>, vector<16xi32>], vector<16xf32>,
      %swap3A_1651 = arith.constant 464 : index
      %swap3A_1652 = tpu.vector_load %arg12[%swap3A_1651] {strides = array<i32>} : memref<640xf32, #tpu.memory_space<vmem>>, vector<16xf32>,
      tpu.vector_store %arg12[%swap3A_1651], %gather3A_1650 {strides = array<i32>} : memref<640xf32, #tpu.memory_space<vmem>>, vector<16xf32>,
      %iota3A_1653 = tpu.iota {dimensions = array<i32: 0>} : vector<16xi32>
      %add3A_1654 = arith.constant 480 : i32
      %add3A_1655 = vector.broadcast %add3A_1654 : i32 to vector<16xi32>
      %add3A_1656 = arith.addi %iota3A_1653, %add3A_1655 : vector<16xi32>
      %get3A_1657 = arith.constant 480 : index
      %get3A_1658 = tpu.vector_load %arg9[%get3A_1657] {strides = array<i32>} : memref<640xi32, #tpu.memory_space<vmem>>, vector<16xi32>,
      %gather3A_1659 = tpu.vector_load_idx %arg10[%add3A_1656, %get3A_1658] : memref<640x128xf32, #tpu.memory_space<vmem>>[vector<16xi32>, vector<16xi32>], vector<16xf32>,
      %swap3A_1660 = arith.constant 480 : index
      %swap3A_1661 = tpu.vector_load %arg11[%swap3A_1660] {strides = array<i32>} : memref<640xf32, #tpu.memory_space<vmem>>, vector<16xf32>,
      tpu.vector_store %arg11[%swap3A_1660], %gather3A_1659 {strides = array<i32>} : memref<640xf32, #tpu.memory_space<vmem>>, vector<16xf32>,
      %add3A_1662 = arith.constant 64 : i32
      %add3A_1663 = vector.broadcast %add3A_1662 : i32 to vector<16xi32>
      %add3A_1664 = arith.addi %get3A_1658, %add3A_1663 : vector<16xi32>
      %gather3A_1665 = tpu.vector_load_idx %arg10[%add3A_1656, %add3A_1664] : memref<640x128xf32, #tpu.memory_space<vmem>>[vector<16xi32>, vector<16xi32>], vector<16xf32>,
      %swap3A_1666 = arith.constant 480 : index
      %swap3A_1667 = tpu.vector_load %arg12[%swap3A_1666] {strides = array<i32>} : memref<640xf32, #tpu.memory_space<vmem>>, vector<16xf32>,
      tpu.vector_store %arg12[%swap3A_1666], %gather3A_1665 {strides = array<i32>} : memref<640xf32, #tpu.memory_space<vmem>>, vector<16xf32>,
      %iota3A_1668 = tpu.iota {dimensions = array<i32: 0>} : vector<16xi32>
      %add3A_1669 = arith.constant 496 : i32
      %add3A_1670 = vector.broadcast %add3A_1669 : i32 to vector<16xi32>
      %add3A_1671 = arith.addi %iota3A_1668, %add3A_1670 : vector<16xi32>
      %get3A_1672 = arith.constant 496 : index
      %get3A_1673 = tpu.vector_load %arg9[%get3A_1672] {strides = array<i32>} : memref<640xi32, #tpu.memory_space<vmem>>, vector<16xi32>,
      %gather3A_1674 = tpu.vector_load_idx %arg10[%add3A_1671, %get3A_1673] : memref<640x128xf32, #tpu.memory_space<vmem>>[vector<16xi32>, vector<16xi32>], vector<16xf32>,
      %swap3A_1675 = arith.constant 496 : index
      %swap3A_1676 = tpu.vector_load %arg11[%swap3A_1675] {strides = array<i32>} : memref<640xf32, #tpu.memory_space<vmem>>, vector<16xf32>,
      tpu.vector_store %arg11[%swap3A_1675], %gather3A_1674 {strides = array<i32>} : memref<640xf32, #tpu.memory_space<vmem>>, vector<16xf32>,
      %add3A_1677 = arith.constant 64 : i32
      %add3A_1678 = vector.broadcast %add3A_1677 : i32 to vector<16xi32>
      %add3A_1679 = arith.addi %get3A_1673, %add3A_1678 : vector<16xi32>
      %gather3A_1680 = tpu.vector_load_idx %arg10[%add3A_1671, %add3A_1679] : memref<640x128xf32, #tpu.memory_space<vmem>>[vector<16xi32>, vector<16xi32>], vector<16xf32>,
      %swap3A_1681 = arith.constant 496 : index
      %swap3A_1682 = tpu.vector_load %arg12[%swap3A_1681] {strides = array<i32>} : memref<640xf32, #tpu.memory_space<vmem>>, vector<16xf32>,
      tpu.vector_store %arg12[%swap3A_1681], %gather3A_1680 {strides = array<i32>} : memref<640xf32, #tpu.memory_space<vmem>>, vector<16xf32>,
      %iota3A_1683 = tpu.iota {dimensions = array<i32: 0>} : vector<16xi32>
      %add3A_1684 = arith.constant 512 : i32
      %add3A_1685 = vector.broadcast %add3A_1684 : i32 to vector<16xi32>
      %add3A_1686 = arith.addi %iota3A_1683, %add3A_1685 : vector<16xi32>
      %get3A_1687 = arith.constant 512 : index
      %get3A_1688 = tpu.vector_load %arg9[%get3A_1687] {strides = array<i32>} : memref<640xi32, #tpu.memory_space<vmem>>, vector<16xi32>,
      %gather3A_1689 = tpu.vector_load_idx %arg10[%add3A_1686, %get3A_1688] : memref<640x128xf32, #tpu.memory_space<vmem>>[vector<16xi32>, vector<16xi32>], vector<16xf32>,
      %swap3A_1690 = arith.constant 512 : index
      %swap3A_1691 = tpu.vector_load %arg11[%swap3A_1690] {strides = array<i32>} : memref<640xf32, #tpu.memory_space<vmem>>, vector<16xf32>,
      tpu.vector_store %arg11[%swap3A_1690], %gather3A_1689 {strides = array<i32>} : memref<640xf32, #tpu.memory_space<vmem>>, vector<16xf32>,
      %add3A_1692 = arith.constant 64 : i32
      %add3A_1693 = vector.broadcast %add3A_1692 : i32 to vector<16xi32>
      %add3A_1694 = arith.addi %get3A_1688, %add3A_1693 : vector<16xi32>
      %gather3A_1695 = tpu.vector_load_idx %arg10[%add3A_1686, %add3A_1694] : memref<640x128xf32, #tpu.memory_space<vmem>>[vector<16xi32>, vector<16xi32>], vector<16xf32>,
      %swap3A_1696 = arith.constant 512 : index
      %swap3A_1697 = tpu.vector_load %arg12[%swap3A_1696] {strides = array<i32>} : memref<640xf32, #tpu.memory_space<vmem>>, vector<16xf32>,
      tpu.vector_store %arg12[%swap3A_1696], %gather3A_1695 {strides = array<i32>} : memref<640xf32, #tpu.memory_space<vmem>>, vector<16xf32>,
      %iota3A_1698 = tpu.iota {dimensions = array<i32: 0>} : vector<16xi32>
      %add3A_1699 = arith.constant 528 : i32
      %add3A_1700 = vector.broadcast %add3A_1699 : i32 to vector<16xi32>
      %add3A_1701 = arith.addi %iota3A_1698, %add3A_1700 : vector<16xi32>
      %get3A_1702 = arith.constant 528 : index
      %get3A_1703 = tpu.vector_load %arg9[%get3A_1702] {strides = array<i32>} : memref<640xi32, #tpu.memory_space<vmem>>, vector<16xi32>,
      %gather3A_1704 = tpu.vector_load_idx %arg10[%add3A_1701, %get3A_1703] : memref<640x128xf32, #tpu.memory_space<vmem>>[vector<16xi32>, vector<16xi32>], vector<16xf32>,
      %swap3A_1705 = arith.constant 528 : index
      %swap3A_1706 = tpu.vector_load %arg11[%swap3A_1705] {strides = array<i32>} : memref<640xf32, #tpu.memory_space<vmem>>, vector<16xf32>,
      tpu.vector_store %arg11[%swap3A_1705], %gather3A_1704 {strides = array<i32>} : memref<640xf32, #tpu.memory_space<vmem>>, vector<16xf32>,
      %add3A_1707 = arith.constant 64 : i32
      %add3A_1708 = vector.broadcast %add3A_1707 : i32 to vector<16xi32>
      %add3A_1709 = arith.addi %get3A_1703, %add3A_1708 : vector<16xi32>
      %gather3A_1710 = tpu.vector_load_idx %arg10[%add3A_1701, %add3A_1709] : memref<640x128xf32, #tpu.memory_space<vmem>>[vector<16xi32>, vector<16xi32>], vector<16xf32>,
      %swap3A_1711 = arith.constant 528 : index
      %swap3A_1712 = tpu.vector_load %arg12[%swap3A_1711] {strides = array<i32>} : memref<640xf32, #tpu.memory_space<vmem>>, vector<16xf32>,
      tpu.vector_store %arg12[%swap3A_1711], %gather3A_1710 {strides = array<i32>} : memref<640xf32, #tpu.memory_space<vmem>>, vector<16xf32>,
      %iota3A_1713 = tpu.iota {dimensions = array<i32: 0>} : vector<16xi32>
      %add3A_1714 = arith.constant 544 : i32
      %add3A_1715 = vector.broadcast %add3A_1714 : i32 to vector<16xi32>
      %add3A_1716 = arith.addi %iota3A_1713, %add3A_1715 : vector<16xi32>
      %get3A_1717 = arith.constant 544 : index
      %get3A_1718 = tpu.vector_load %arg9[%get3A_1717] {strides = array<i32>} : memref<640xi32, #tpu.memory_space<vmem>>, vector<16xi32>,
      %gather3A_1719 = tpu.vector_load_idx %arg10[%add3A_1716, %get3A_1718] : memref<640x128xf32, #tpu.memory_space<vmem>>[vector<16xi32>, vector<16xi32>], vector<16xf32>,
      %swap3A_1720 = arith.constant 544 : index
      %swap3A_1721 = tpu.vector_load %arg11[%swap3A_1720] {strides = array<i32>} : memref<640xf32, #tpu.memory_space<vmem>>, vector<16xf32>,
      tpu.vector_store %arg11[%swap3A_1720], %gather3A_1719 {strides = array<i32>} : memref<640xf32, #tpu.memory_space<vmem>>, vector<16xf32>,
      %add3A_1722 = arith.constant 64 : i32
      %add3A_1723 = vector.broadcast %add3A_1722 : i32 to vector<16xi32>
      %add3A_1724 = arith.addi %get3A_1718, %add3A_1723 : vector<16xi32>
      %gather3A_1725 = tpu.vector_load_idx %arg10[%add3A_1716, %add3A_1724] : memref<640x128xf32, #tpu.memory_space<vmem>>[vector<16xi32>, vector<16xi32>], vector<16xf32>,
      %swap3A_1726 = arith.constant 544 : index
      %swap3A_1727 = tpu.vector_load %arg12[%swap3A_1726] {strides = array<i32>} : memref<640xf32, #tpu.memory_space<vmem>>, vector<16xf32>,
      tpu.vector_store %arg12[%swap3A_1726], %gather3A_1725 {strides = array<i32>} : memref<640xf32, #tpu.memory_space<vmem>>, vector<16xf32>,
      %iota3A_1728 = tpu.iota {dimensions = array<i32: 0>} : vector<16xi32>
      %add3A_1729 = arith.constant 560 : i32
      %add3A_1730 = vector.broadcast %add3A_1729 : i32 to vector<16xi32>
      %add3A_1731 = arith.addi %iota3A_1728, %add3A_1730 : vector<16xi32>
      %get3A_1732 = arith.constant 560 : index
      %get3A_1733 = tpu.vector_load %arg9[%get3A_1732] {strides = array<i32>} : memref<640xi32, #tpu.memory_space<vmem>>, vector<16xi32>,
      %gather3A_1734 = tpu.vector_load_idx %arg10[%add3A_1731, %get3A_1733] : memref<640x128xf32, #tpu.memory_space<vmem>>[vector<16xi32>, vector<16xi32>], vector<16xf32>,
      %swap3A_1735 = arith.constant 560 : index
      %swap3A_1736 = tpu.vector_load %arg11[%swap3A_1735] {strides = array<i32>} : memref<640xf32, #tpu.memory_space<vmem>>, vector<16xf32>,
      tpu.vector_store %arg11[%swap3A_1735], %gather3A_1734 {strides = array<i32>} : memref<640xf32, #tpu.memory_space<vmem>>, vector<16xf32>,
      %add3A_1737 = arith.constant 64 : i32
      %add3A_1738 = vector.broadcast %add3A_1737 : i32 to vector<16xi32>
      %add3A_1739 = arith.addi %get3A_1733, %add3A_1738 : vector<16xi32>
      %gather3A_1740 = tpu.vector_load_idx %arg10[%add3A_1731, %add3A_1739] : memref<640x128xf32, #tpu.memory_space<vmem>>[vector<16xi32>, vector<16xi32>], vector<16xf32>,
      %swap3A_1741 = arith.constant 560 : index
      %swap3A_1742 = tpu.vector_load %arg12[%swap3A_1741] {strides = array<i32>} : memref<640xf32, #tpu.memory_space<vmem>>, vector<16xf32>,
      tpu.vector_store %arg12[%swap3A_1741], %gather3A_1740 {strides = array<i32>} : memref<640xf32, #tpu.memory_space<vmem>>, vector<16xf32>,
      %iota3A_1743 = tpu.iota {dimensions = array<i32: 0>} : vector<16xi32>
      %add3A_1744 = arith.constant 576 : i32
      %add3A_1745 = vector.broadcast %add3A_1744 : i32 to vector<16xi32>
      %add3A_1746 = arith.addi %iota3A_1743, %add3A_1745 : vector<16xi32>
      %get3A_1747 = arith.constant 576 : index
      %get3A_1748 = tpu.vector_load %arg9[%get3A_1747] {strides = array<i32>} : memref<640xi32, #tpu.memory_space<vmem>>, vector<16xi32>,
      %gather3A_1749 = tpu.vector_load_idx %arg10[%add3A_1746, %get3A_1748] : memref<640x128xf32, #tpu.memory_space<vmem>>[vector<16xi32>, vector<16xi32>], vector<16xf32>,
      %swap3A_1750 = arith.constant 576 : index
      %swap3A_1751 = tpu.vector_load %arg11[%swap3A_1750] {strides = array<i32>} : memref<640xf32, #tpu.memory_space<vmem>>, vector<16xf32>,
      tpu.vector_store %arg11[%swap3A_1750], %gather3A_1749 {strides = array<i32>} : memref<640xf32, #tpu.memory_space<vmem>>, vector<16xf32>,
      %add3A_1752 = arith.constant 64 : i32
      %add3A_1753 = vector.broadcast %add3A_1752 : i32 to vector<16xi32>
      %add3A_1754 = arith.addi %get3A_1748, %add3A_1753 : vector<16xi32>
      %gather3A_1755 = tpu.vector_load_idx %arg10[%add3A_1746, %add3A_1754] : memref<640x128xf32, #tpu.memory_space<vmem>>[vector<16xi32>, vector<16xi32>], vector<16xf32>,
      %swap3A_1756 = arith.constant 576 : index
      %swap3A_1757 = tpu.vector_load %arg12[%swap3A_1756] {strides = array<i32>} : memref<640xf32, #tpu.memory_space<vmem>>, vector<16xf32>,
      tpu.vector_store %arg12[%swap3A_1756], %gather3A_1755 {strides = array<i32>} : memref<640xf32, #tpu.memory_space<vmem>>, vector<16xf32>,
      %iota3A_1758 = tpu.iota {dimensions = array<i32: 0>} : vector<16xi32>
      %add3A_1759 = arith.constant 592 : i32
      %add3A_1760 = vector.broadcast %add3A_1759 : i32 to vector<16xi32>
      %add3A_1761 = arith.addi %iota3A_1758, %add3A_1760 : vector<16xi32>
      %get3A_1762 = arith.constant 592 : index
      %get3A_1763 = tpu.vector_load %arg9[%get3A_1762] {strides = array<i32>} : memref<640xi32, #tpu.memory_space<vmem>>, vector<16xi32>,
      %gather3A_1764 = tpu.vector_load_idx %arg10[%add3A_1761, %get3A_1763] : memref<640x128xf32, #tpu.memory_space<vmem>>[vector<16xi32>, vector<16xi32>], vector<16xf32>,
      %swap3A_1765 = arith.constant 592 : index
      %swap3A_1766 = tpu.vector_load %arg11[%swap3A_1765] {strides = array<i32>} : memref<640xf32, #tpu.memory_space<vmem>>, vector<16xf32>,
      tpu.vector_store %arg11[%swap3A_1765], %gather3A_1764 {strides = array<i32>} : memref<640xf32, #tpu.memory_space<vmem>>, vector<16xf32>,
      %add3A_1767 = arith.constant 64 : i32
      %add3A_1768 = vector.broadcast %add3A_1767 : i32 to vector<16xi32>
      %add3A_1769 = arith.addi %get3A_1763, %add3A_1768 : vector<16xi32>
      %gather3A_1770 = tpu.vector_load_idx %arg10[%add3A_1761, %add3A_1769] : memref<640x128xf32, #tpu.memory_space<vmem>>[vector<16xi32>, vector<16xi32>], vector<16xf32>,
      %swap3A_1771 = arith.constant 592 : index
      %swap3A_1772 = tpu.vector_load %arg12[%swap3A_1771] {strides = array<i32>} : memref<640xf32, #tpu.memory_space<vmem>>, vector<16xf32>,
      tpu.vector_store %arg12[%swap3A_1771], %gather3A_1770 {strides = array<i32>} : memref<640xf32, #tpu.memory_space<vmem>>, vector<16xf32>,
      %iota3A_1773 = tpu.iota {dimensions = array<i32: 0>} : vector<16xi32>
      %add3A_1774 = arith.constant 608 : i32
      %add3A_1775 = vector.broadcast %add3A_1774 : i32 to vector<16xi32>
      %add3A_1776 = arith.addi %iota3A_1773, %add3A_1775 : vector<16xi32>
      %get3A_1777 = arith.constant 608 : index
      %get3A_1778 = tpu.vector_load %arg9[%get3A_1777] {strides = array<i32>} : memref<640xi32, #tpu.memory_space<vmem>>, vector<16xi32>,
      %gather3A_1779 = tpu.vector_load_idx %arg10[%add3A_1776, %get3A_1778] : memref<640x128xf32, #tpu.memory_space<vmem>>[vector<16xi32>, vector<16xi32>], vector<16xf32>,
      %swap3A_1780 = arith.constant 608 : index
      %swap3A_1781 = tpu.vector_load %arg11[%swap3A_1780] {strides = array<i32>} : memref<640xf32, #tpu.memory_space<vmem>>, vector<16xf32>,
      tpu.vector_store %arg11[%swap3A_1780], %gather3A_1779 {strides = array<i32>} : memref<640xf32, #tpu.memory_space<vmem>>, vector<16xf32>,
      %add3A_1782 = arith.constant 64 : i32
      %add3A_1783 = vector.broadcast %add3A_1782 : i32 to vector<16xi32>
      %add3A_1784 = arith.addi %get3A_1778, %add3A_1783 : vector<16xi32>
      %gather3A_1785 = tpu.vector_load_idx %arg10[%add3A_1776, %add3A_1784] : memref<640x128xf32, #tpu.memory_space<vmem>>[vector<16xi32>, vector<16xi32>], vector<16xf32>,
      %swap3A_1786 = arith.constant 608 : index
      %swap3A_1787 = tpu.vector_load %arg12[%swap3A_1786] {strides = array<i32>} : memref<640xf32, #tpu.memory_space<vmem>>, vector<16xf32>,
      tpu.vector_store %arg12[%swap3A_1786], %gather3A_1785 {strides = array<i32>} : memref<640xf32, #tpu.memory_space<vmem>>, vector<16xf32>,
      %iota3A_1788 = tpu.iota {dimensions = array<i32: 0>} : vector<16xi32>
      %add3A_1789 = arith.constant 624 : i32
      %add3A_1790 = vector.broadcast %add3A_1789 : i32 to vector<16xi32>
      %add3A_1791 = arith.addi %iota3A_1788, %add3A_1790 : vector<16xi32>
      %get3A_1792 = arith.constant 624 : index
      %get3A_1793 = tpu.vector_load %arg9[%get3A_1792] {strides = array<i32>} : memref<640xi32, #tpu.memory_space<vmem>>, vector<16xi32>,
      %gather3A_1794 = tpu.vector_load_idx %arg10[%add3A_1791, %get3A_1793] : memref<640x128xf32, #tpu.memory_space<vmem>>[vector<16xi32>, vector<16xi32>], vector<16xf32>,
      %swap3A_1795 = arith.constant 624 : index
      %swap3A_1796 = tpu.vector_load %arg11[%swap3A_1795] {strides = array<i32>} : memref<640xf32, #tpu.memory_space<vmem>>, vector<16xf32>,
      tpu.vector_store %arg11[%swap3A_1795], %gather3A_1794 {strides = array<i32>} : memref<640xf32, #tpu.memory_space<vmem>>, vector<16xf32>,
      %add3A_1797 = arith.constant 64 : i32
      %add3A_1798 = vector.broadcast %add3A_1797 : i32 to vector<16xi32>
      %add3A_1799 = arith.addi %get3A_1793, %add3A_1798 : vector<16xi32>
      %gather3A_1800 = tpu.vector_load_idx %arg10[%add3A_1791, %add3A_1799] : memref<640x128xf32, #tpu.memory_space<vmem>>[vector<16xi32>, vector<16xi32>], vector<16xf32>,
      %swap3A_1801 = arith.constant 624 : index
      %swap3A_1802 = tpu.vector_load %arg12[%swap3A_1801] {strides = array<i32>} : memref<640xf32, #tpu.memory_space<vmem>>, vector<16xf32>,
      tpu.vector_store %arg12[%swap3A_1801], %gather3A_1800 {strides = array<i32>} : memref<640xf32, #tpu.memory_space<vmem>>, vector<16xf32>,
      "tpu.region"() ({
        %run_scoped3A = tpu.sem_alloc : memref<!tpu.dma_semaphore, #tpu.memory_space<semaphore_mem>>
        %dma_start3A_1807 = tpu.memref_slice %arg5[%add3A_11] : memref<204800xf32, #tpu.memory_space<hbm>> -> memref<640xf32, #tpu.memory_space<hbm>>
        %dma_start3A_1808 = tpu.memref_slice %arg5[%add3A_11] : memref<204800xf32, #tpu.memory_space<hbm>> -> memref<640xf32, #tpu.memory_space<hbm>>
        tpu.enqueue_dma source(%arg11 : memref<640xf32, #tpu.memory_space<vmem>>) target(%dma_start3A_1808 : memref<640xf32, #tpu.memory_space<hbm>>) target_semaphore(%run_scoped3A : memref<!tpu.dma_semaphore, #tpu.memory_space<semaphore_mem>>)
        %dma_wait3A_1809 = tpu.memref_slice %arg5[%add3A_11] : memref<204800xf32, #tpu.memory_space<hbm>> -> memref<640xf32, #tpu.memory_space<hbm>>
        %dma_wait3A_1810 = tpu.memref_slice %arg5[%add3A_11] : memref<204800xf32, #tpu.memory_space<hbm>> -> memref<640xf32, #tpu.memory_space<hbm>>
        tpu.wait_dma2 semaphore(%run_scoped3A : memref<!tpu.dma_semaphore, #tpu.memory_space<semaphore_mem>>) src(%arg11 : memref<640xf32, #tpu.memory_space<vmem>>) dst(%dma_wait3A_1810 : memref<640xf32, #tpu.memory_space<hbm>>)
        tpu.yield
      }) : () -> ()
      "tpu.region"() ({
        %run_scoped3A = tpu.sem_alloc : memref<!tpu.dma_semaphore, #tpu.memory_space<semaphore_mem>>
        %dma_start3A_1807 = tpu.memref_slice %arg6[%add3A_11] : memref<204800xf32, #tpu.memory_space<hbm>> -> memref<640xf32, #tpu.memory_space<hbm>>
        %dma_start3A_1808 = tpu.memref_slice %arg6[%add3A_11] : memref<204800xf32, #tpu.memory_space<hbm>> -> memref<640xf32, #tpu.memory_space<hbm>>
        tpu.enqueue_dma source(%arg12 : memref<640xf32, #tpu.memory_space<vmem>>) target(%dma_start3A_1808 : memref<640xf32, #tpu.memory_space<hbm>>) target_semaphore(%run_scoped3A : memref<!tpu.dma_semaphore, #tpu.memory_space<semaphore_mem>>)
        %dma_wait3A_1809 = tpu.memref_slice %arg6[%add3A_11] : memref<204800xf32, #tpu.memory_space<hbm>> -> memref<640xf32, #tpu.memory_space<hbm>>
        %dma_wait3A_1810 = tpu.memref_slice %arg6[%add3A_11] : memref<204800xf32, #tpu.memory_space<hbm>> -> memref<640xf32, #tpu.memory_space<hbm>>
        tpu.wait_dma2 semaphore(%run_scoped3A : memref<!tpu.dma_semaphore, #tpu.memory_space<semaphore_mem>>) src(%arg12 : memref<640xf32, #tpu.memory_space<vmem>>) dst(%dma_wait3A_1810 : memref<640xf32, #tpu.memory_space<hbm>>)
        tpu.yield
      }) : () -> ()
      %dma_wait3A_1803 = arith.constant 0 : i32
      %dma_wait3A_1804 = tpu.memref_slice %arg4[%add3A_11, %dma_wait3A_1803] : memref<204800x128xf32, #tpu.memory_space<hbm>> -> memref<640x128xf32, #tpu.memory_space<hbm>>
      %dma_wait3A_1805 = arith.constant 0 : i32
      %dma_wait3A_1806 = tpu.memref_slice %arg4[%add3A_11, %dma_wait3A_1805] : memref<204800x128xf32, #tpu.memory_space<hbm>> -> memref<640x128xf32, #tpu.memory_space<hbm>>
      tpu.wait_dma2 semaphore(%arg14 : memref<!tpu.dma_semaphore, #tpu.memory_space<semaphore_mem>>) src(%arg10 : memref<640x128xf32, #tpu.memory_space<vmem>>) dst(%dma_wait3A_1806 : memref<640x128xf32, #tpu.memory_space<hbm>>)
    }
    %scan3A_7 = arith.constant 10 : i32
    return
  }
}

module attributes {stable_mosaic.version = 14 : i64} {
  func.func @_table_body(%arg0: i32, %arg1: memref<2000x128xf32, #tpu.memory_space<vmem>>, %arg2: memref<128x128xf32, #tpu.memory_space<vmem>>, %arg3: memref<2000x32xf32, #tpu.memory_space<vmem>>, %arg4: memref<32x128xf32, #tpu.memory_space<vmem>>, %arg5: memref<2000x8xf32, #tpu.memory_space<vmem>>, %arg6: memref<8x128xf32, #tpu.memory_space<vmem>>, %arg7: memref<2000x128xf32, #tpu.memory_space<vmem>>, %arg8: memref<2000x128xf32, #tpu.memory_space<vmem>>) attributes {dimension_semantics = [#tpu.dimension_semantics<arbitrary>], iteration_bounds = array<i64: 102>, scalar_prefetch = 0 : i64, scratch_operands = 0 : i64, tpu.core_type = #tpu.core_type<tc>, window_params = [{transform_indices = @transform_0, window_bounds = array<i64: 2000, 128>}, {pipeline_mode = #tpu.pipeline_mode<synchronous>, transform_indices = @transform_1, window_bounds = array<i64: 128, 128>}, {transform_indices = @transform_2, window_bounds = array<i64: 2000, 32>}, {pipeline_mode = #tpu.pipeline_mode<synchronous>, transform_indices = @transform_3, window_bounds = array<i64: 32, 128>}, {transform_indices = @transform_4, window_bounds = array<i64: 2000, 8>}, {pipeline_mode = #tpu.pipeline_mode<synchronous>, transform_indices = @transform_5, window_bounds = array<i64: 8, 128>}, {transform_indices = @transform_6, window_bounds = array<i64: 2000, 128>}, {transform_indices = @transform_7, window_bounds = array<i64: 2000, 128>}]} {
    %lt3A = arith.constant 5 : i32
    %lt3A_0 = arith.cmpi slt, %arg0, %lt3A : i32
    %convert_element_type3A = arith.extui %lt3A_0 : i1 to i32
    %cond3A = arith.constant 0 : i32
    %cond3A_1 = arith.cmpi ne, %convert_element_type3A, %cond3A : i32
    scf.if %cond3A_1 {
      %get3A = arith.constant 0 : index
      %get3A_21 = arith.constant 0 : index
      %get3A_22 = vector.load %arg1[%get3A, %get3A_21] : memref<2000x128xf32, #tpu.memory_space<vmem>>, vector<2000x128xf32>
      %get3A_23 = arith.constant 0 : index
      %get3A_24 = arith.constant 0 : index
      %get3A_25 = vector.load %arg2[%get3A_23, %get3A_24] : memref<128x128xf32, #tpu.memory_space<vmem>>, vector<128x128xf32>
      %transpose3A = tpu.transpose %get3A_25, [1, 0] : vector<128x128xf32> -> vector<128x128xf32>
      %dot_general3A = arith.constant dense<0.000000e+00> : vector<2000x128xf32>
      %dot_general3A_26 = tpu.matmul %get3A_22, %transpose3A, %dot_general3A {dimension_numbers = #tpu.dot_dimension_numbers<[1], [0], [0], [1], [0, 0, 1, 1], [], []>, transpose_lhs_hint = false} : vector<2000x128xf32>, vector<128x128xf32>, vector<2000x128xf32> -> vector<2000x128xf32>
      %swap3A = arith.constant 0 : index
      %swap3A_27 = arith.constant 0 : index
      %swap3A_28 = vector.load %arg8[%swap3A, %swap3A_27] : memref<2000x128xf32, #tpu.memory_space<vmem>>, vector<2000x128xf32>
      tpu.vector_store %arg8[%swap3A, %swap3A_27], %dot_general3A_26 {strides = array<i32>} : memref<2000x128xf32, #tpu.memory_space<vmem>>, vector<2000x128xf32>,
    } else {
    }
    %ge3A = arith.constant 5 : i32
    %ge3A_2 = arith.cmpi sge, %arg0, %ge3A : i32
    %lt3A_3 = arith.constant 30 : i32
    %lt3A_4 = arith.cmpi slt, %arg0, %lt3A_3 : i32
    %and3A = arith.andi %ge3A_2, %lt3A_4 : i1
    %convert_element_type3A_5 = arith.extui %and3A : i1 to i32
    %cond3A_6 = arith.constant 0 : i32
    %cond3A_7 = arith.cmpi ne, %convert_element_type3A_5, %cond3A_6 : i32
    scf.if %cond3A_7 {
      %get3A = arith.constant 0 : index
      %get3A_21 = arith.constant 0 : index
      %get3A_22 = vector.load %arg3[%get3A, %get3A_21] : memref<2000x32xf32, #tpu.memory_space<vmem>>, vector<2000x32xf32>
      %get3A_23 = arith.constant 0 : index
      %get3A_24 = arith.constant 0 : index
      %get3A_25 = vector.load %arg4[%get3A_23, %get3A_24] : memref<32x128xf32, #tpu.memory_space<vmem>>, vector<32x128xf32>
      %dot_general3A = arith.constant dense<0.000000e+00> : vector<2000x128xf32>
      %dot_general3A_26 = tpu.matmul %get3A_22, %get3A_25, %dot_general3A {dimension_numbers = #tpu.dot_dimension_numbers<[1], [0], [0], [1], [0, 0, 1, 1], [], []>, transpose_lhs_hint = false} : vector<2000x32xf32>, vector<32x128xf32>, vector<2000x128xf32> -> vector<2000x128xf32>
      %swap3A = arith.constant 0 : index
      %swap3A_27 = arith.constant 0 : index
      %swap3A_28 = vector.load %arg8[%swap3A, %swap3A_27] : memref<2000x128xf32, #tpu.memory_space<vmem>>, vector<2000x128xf32>
      tpu.vector_store %arg8[%swap3A, %swap3A_27], %dot_general3A_26 {strides = array<i32>} : memref<2000x128xf32, #tpu.memory_space<vmem>>, vector<2000x128xf32>,
    } else {
    }
    %ge3A_8 = arith.constant 30 : i32
    %ge3A_9 = arith.cmpi sge, %arg0, %ge3A_8 : i32
    %lt3A_10 = arith.constant 95 : i32
    %lt3A_11 = arith.cmpi slt, %arg0, %lt3A_10 : i32
    %and3A_12 = arith.andi %ge3A_9, %lt3A_11 : i1
    %convert_element_type3A_13 = arith.extui %and3A_12 : i1 to i32
    %cond3A_14 = arith.constant 0 : i32
    %cond3A_15 = arith.cmpi ne, %convert_element_type3A_13, %cond3A_14 : i32
    scf.if %cond3A_15 {
      %get3A = arith.constant 0 : index
      %get3A_21 = arith.constant 0 : index
      %get3A_22 = vector.load %arg5[%get3A, %get3A_21] : memref<2000x8xf32, #tpu.memory_space<vmem>>, vector<2000x8xf32>
      %get3A_23 = arith.constant 0 : index
      %get3A_24 = arith.constant 0 : index
      %get3A_25 = vector.load %arg6[%get3A_23, %get3A_24] : memref<8x128xf32, #tpu.memory_space<vmem>>, vector<8x128xf32>
      %dot_general3A = arith.constant dense<0.000000e+00> : vector<2000x128xf32>
      %dot_general3A_26 = tpu.matmul %get3A_22, %get3A_25, %dot_general3A {dimension_numbers = #tpu.dot_dimension_numbers<[1], [0], [0], [1], [0, 0, 1, 1], [], []>, transpose_lhs_hint = false} : vector<2000x8xf32>, vector<8x128xf32>, vector<2000x128xf32> -> vector<2000x128xf32>
      %swap3A = arith.constant 0 : index
      %swap3A_27 = arith.constant 0 : index
      %swap3A_28 = vector.load %arg8[%swap3A, %swap3A_27] : memref<2000x128xf32, #tpu.memory_space<vmem>>, vector<2000x128xf32>
      tpu.vector_store %arg8[%swap3A, %swap3A_27], %dot_general3A_26 {strides = array<i32>} : memref<2000x128xf32, #tpu.memory_space<vmem>>, vector<2000x128xf32>,
    } else {
    }
    %ge3A_16 = arith.constant 95 : i32
    %ge3A_17 = arith.cmpi sge, %arg0, %ge3A_16 : i32
    %convert_element_type3A_18 = arith.extui %ge3A_17 : i1 to i32
    %cond3A_19 = arith.constant 0 : i32
    %cond3A_20 = arith.cmpi ne, %convert_element_type3A_18, %cond3A_19 : i32
    scf.if %cond3A_20 {
      %get3A = arith.constant 0 : index
      %get3A_21 = arith.constant 0 : index
      %get3A_22 = vector.load %arg7[%get3A, %get3A_21] : memref<2000x128xf32, #tpu.memory_space<vmem>>, vector<2000x128xf32>
      %swap3A = arith.constant 0 : index
      %swap3A_23 = arith.constant 0 : index
      %swap3A_24 = vector.load %arg8[%swap3A, %swap3A_23] : memref<2000x128xf32, #tpu.memory_space<vmem>>, vector<2000x128xf32>
      tpu.vector_store %arg8[%swap3A, %swap3A_23], %get3A_22 {strides = array<i32>} : memref<2000x128xf32, #tpu.memory_space<vmem>>, vector<2000x128xf32>,
    } else {
    }
    return
  }
  func.func @transform_0(%arg0: i32) -> (i32, i32) {
    %min3A = arith.constant 4 : i32
    %min3A_0 = arith.minsi %arg0, %min3A : i32
    %c0_i32 = arith.constant 0 : i32
    %c0_i32_1 = arith.constant 0 : i32
    return %min3A_0, %c0_i32 : i32, i32
  }
  func.func @transform_1(%arg0: i32) -> (i32, i32) {
    %c0_i32 = arith.constant 0 : i32
    %c0_i32_0 = arith.constant 0 : i32
    %c0_i32_1 = arith.constant 0 : i32
    return %c0_i32, %c0_i32_0 : i32, i32
  }
  func.func @transform_2(%arg0: i32) -> (i32, i32) {
    %sub3A = arith.constant 5 : i32
    %sub3A_0 = arith.subi %arg0, %sub3A : i32
    %jit3A = arith.constant 0 : i32
    %jit3A_1 = arith.constant 24 : i32
    %max3A = arith.maxsi %jit3A, %sub3A_0 : i32
    %min3A = arith.minsi %jit3A_1, %max3A : i32
    %c0_i32 = arith.constant 0 : i32
    %c0_i32_2 = arith.constant 0 : i32
    return %min3A, %c0_i32 : i32, i32
  }
  func.func @transform_3(%arg0: i32) -> (i32, i32) {
    %c0_i32 = arith.constant 0 : i32
    %c0_i32_0 = arith.constant 0 : i32
    %c0_i32_1 = arith.constant 0 : i32
    return %c0_i32, %c0_i32_0 : i32, i32
  }
  func.func @transform_4(%arg0: i32) -> (i32, i32) {
    %sub3A = arith.constant 30 : i32
    %sub3A_0 = arith.subi %arg0, %sub3A : i32
    %jit3A = arith.constant 0 : i32
    %jit3A_1 = arith.constant 64 : i32
    %max3A = arith.maxsi %jit3A, %sub3A_0 : i32
    %min3A = arith.minsi %jit3A_1, %max3A : i32
    %c0_i32 = arith.constant 0 : i32
    %c0_i32_2 = arith.constant 0 : i32
    return %min3A, %c0_i32 : i32, i32
  }
  func.func @transform_5(%arg0: i32) -> (i32, i32) {
    %c0_i32 = arith.constant 0 : i32
    %c0_i32_0 = arith.constant 0 : i32
    %c0_i32_1 = arith.constant 0 : i32
    return %c0_i32, %c0_i32_0 : i32, i32
  }
  func.func @transform_6(%arg0: i32) -> (i32, i32) {
    %sub3A = arith.constant 95 : i32
    %sub3A_0 = arith.subi %arg0, %sub3A : i32
    %jit3A = arith.constant 0 : i32
    %jit3A_1 = arith.constant 6 : i32
    %max3A = arith.maxsi %jit3A, %sub3A_0 : i32
    %min3A = arith.minsi %jit3A_1, %max3A : i32
    %c0_i32 = arith.constant 0 : i32
    %c0_i32_2 = arith.constant 0 : i32
    return %min3A, %c0_i32 : i32, i32
  }
  func.func @transform_7(%arg0: i32) -> (i32, i32) {
    %c0_i32 = arith.constant 0 : i32
    %c0_i32_0 = arith.constant 0 : i32
    return %arg0, %c0_i32 : i32, i32
  }
}

module attributes {stable_mosaic.version = 14 : i64} {
  func.func @_merge_body(%arg0: i32, %arg1: memref<2048x1xi32, #tpu.memory_space<vmem>>, %arg2: memref<2048x128xf32, #tpu.memory_space<vmem>>, %arg3: memref<2048x1xf32, #tpu.memory_space<vmem>>, %arg4: memref<2048x1xf32, #tpu.memory_space<vmem>>, %arg5: memref<2x128xf32, #tpu.memory_space<vmem>>, %arg6: memref<2048x128xf32, #tpu.memory_space<vmem>>) attributes {dimension_semantics = [#tpu.dimension_semantics<arbitrary>], iteration_bounds = array<i64: 100>, scalar_prefetch = 0 : i64, scratch_operands = 0 : i64, tpu.core_type = #tpu.core_type<tc>, window_params = [{transform_indices = @transform_0, window_bounds = array<i64: 2048, 1>}, {transform_indices = @transform_1, window_bounds = array<i64: 2048, 128>}, {transform_indices = @transform_2, window_bounds = array<i64: 2048, 1>}, {transform_indices = @transform_3, window_bounds = array<i64: 2048, 1>}, {pipeline_mode = #tpu.pipeline_mode<synchronous>, transform_indices = @transform_4, window_bounds = array<i64: 2, 128>}, {transform_indices = @transform_5, window_bounds = array<i64: 2048, 128>}]} {
    %get3A = arith.constant 0 : index
    %get3A_0 = arith.constant 0 : index
    %get3A_1 = vector.load %arg1[%get3A, %get3A_0] : memref<2048x1xi32, #tpu.memory_space<vmem>>, vector<2048x1xi32>
    %lt3A = arith.constant 190000 : i32
    %lt3A_2 = vector.broadcast %lt3A : i32 to vector<2048x1xi32>
    %lt3A_3 = arith.cmpi slt, %get3A_1, %lt3A_2 : vector<2048x1xi32>
    %get3A_4 = arith.constant 0 : index
    %get3A_5 = arith.constant 0 : index
    %get3A_6 = vector.load %arg3[%get3A_4, %get3A_5] : memref<2048x1xf32, #tpu.memory_space<vmem>>, vector<2048x1xf32>
    %get3A_7 = arith.constant 0 : index
    %get3A_8 = arith.constant 0 : index
    %get3A_9 = vector.load %arg5[%get3A_7, %get3A_8] : memref<2x128xf32, #tpu.memory_space<vmem>>, vector<1x128xf32>
    %mul3A = vector.broadcast %get3A_6 : vector<2048x1xf32> to vector<2048x128xf32>
    %mul3A_10 = vector.broadcast %get3A_9 : vector<1x128xf32> to vector<2048x128xf32>
    %mul3A_11 = arith.mulf %mul3A, %mul3A_10 : vector<2048x128xf32>
    %get3A_12 = arith.constant 0 : index
    %get3A_13 = arith.constant 0 : index
    %get3A_14 = vector.load %arg4[%get3A_12, %get3A_13] : memref<2048x1xf32, #tpu.memory_space<vmem>>, vector<2048x1xf32>
    %get3A_15 = arith.constant 1 : index
    %get3A_16 = arith.constant 0 : index
    %get3A_17 = vector.load %arg5[%get3A_15, %get3A_16] : memref<2x128xf32, #tpu.memory_space<vmem>>, vector<1x128xf32>
    %mul3A_18 = vector.broadcast %get3A_14 : vector<2048x1xf32> to vector<2048x128xf32>
    %mul3A_19 = vector.broadcast %get3A_17 : vector<1x128xf32> to vector<2048x128xf32>
    %mul3A_20 = arith.mulf %mul3A_18, %mul3A_19 : vector<2048x128xf32>
    %add3A = arith.addf %mul3A_11, %mul3A_20 : vector<2048x128xf32>
    %get3A_21 = arith.constant 0 : index
    %get3A_22 = arith.constant 0 : index
    %get3A_23 = vector.load %arg2[%get3A_21, %get3A_22] : memref<2048x128xf32, #tpu.memory_space<vmem>>, vector<2048x128xf32>
    %broadcast_in_dim3A = vector.shape_cast %lt3A_3 : vector<2048x1xi1> to vector<2048x1xi1>
    %broadcast_in_dim3A_24 = vector.broadcast %broadcast_in_dim3A : vector<2048x1xi1> to vector<2048x128xi1>
    %select_n3A = arith.select %broadcast_in_dim3A_24, %get3A_23, %add3A : vector<2048x128xi1>, vector<2048x128xf32>
    %swap3A = arith.constant 0 : index
    %swap3A_25 = arith.constant 0 : index
    %swap3A_26 = vector.load %arg6[%swap3A, %swap3A_25] : memref<2048x128xf32, #tpu.memory_space<vmem>>, vector<2048x128xf32>
    tpu.vector_store %arg6[%swap3A, %swap3A_25], %select_n3A {strides = array<i32>} : memref<2048x128xf32, #tpu.memory_space<vmem>>, vector<2048x128xf32>,
    return
  }
  func.func @transform_0(%arg0: i32) -> (i32, i32) {
    %c0_i32 = arith.constant 0 : i32
    %c0_i32_0 = arith.constant 0 : i32
    return %arg0, %c0_i32 : i32, i32
  }
  func.func @transform_1(%arg0: i32) -> (i32, i32) {
    %c0_i32 = arith.constant 0 : i32
    %c0_i32_0 = arith.constant 0 : i32
    return %arg0, %c0_i32 : i32, i32
  }
  func.func @transform_2(%arg0: i32) -> (i32, i32) {
    %c0_i32 = arith.constant 0 : i32
    %c0_i32_0 = arith.constant 0 : i32
    return %arg0, %c0_i32 : i32, i32
  }
  func.func @transform_3(%arg0: i32) -> (i32, i32) {
    %c0_i32 = arith.constant 0 : i32
    %c0_i32_0 = arith.constant 0 : i32
    return %arg0, %c0_i32 : i32, i32
  }
  func.func @transform_4(%arg0: i32) -> (i32, i32) {
    %c0_i32 = arith.constant 0 : i32
    %c0_i32_0 = arith.constant 0 : i32
    %c0_i32_1 = arith.constant 0 : i32
    return %c0_i32, %c0_i32_0 : i32, i32
  }
  func.func @transform_5(%arg0: i32) -> (i32, i32) {
    %c0_i32 = arith.constant 0 : i32
    %c0_i32_0 = arith.constant 0 : i32
    return %arg0, %c0_i32 : i32, i32
  }
}

</mosaic_0001>

<sc_bundles>
// kernel: kernel.5.cloned.1.call-start
scs
__scs_entry_jumppad:
0x0: {  	(pc) =	sbr.rel $0x88, $3  }
0x1: {  	(tag) =	ssettag $0x0;
	lr =	simm.s32 $0x1  }
0x2: {  	[smem:$0x3F98] =	sst lr;
	_ =	strace $0xD0000000  }
0x3: {  	_ = 	snop  }
0x4: {  	_ = 	snop  }
0x5: {  	_ = 	snop  }
0x6: {  	_ = 	snop  }
0x7: {  	_ = 	snop  }
__scs_overlays_trampoline_lowered:
0x8: {  	[smem:$0x3FA7] =	sst s0  }
0x9: {  	[smem:$0x3FA8] =	sst s1  }
0xa: {  	[smem:$0x3FA9] =	sst s2  }
0xb: {  	[smem:$0x3FAA] =	sst s3  }
0xc: {  	[smem:$0x3FAB] =	sst s4  }
0xd: {  	[smem:$0x3FAC] =	sst s5  }
0xe: {  	[smem:$0x3FAD] =	sst s6  }
0xf: {  	[smem:$0x3FAE] =	sst s7  }
0x10: {  	[smem:$0x3FAF] =	sst s8  }
0x11: {  	[smem:$0x3FB0] =	sst s9;
	s0 =	simm.s32 @!p0 $0x0  }
0x12: {  	s1 =	sld [smem:$0x3F96];
	s0 =	simm.s32 @p0 $0x1  }
0x13: {  	[smem:$0x3FB1] =	sst s0;
	s0 =	simm.s32 @!p1 $0x0  }
0x14: {  	s2 =	sld [smem:$0x3F95];
	s0 =	simm.s32 @p1 $0x1  }
0x15: {  	[smem:$0x3FB2] =	sst s0;
	s0 =	simm.s32 @!p2 $0x0  }
0x16: {  	s3 =	sld [smem:$0x3FDB];
	s0 =	simm.s32 @p2 $0x1  }
0x17: {  	s4 =	simm.s32 $0x1BF5;
	[smem:$0x3FB4] =	sst s0  }
0x18: {  	s0 =	sld [smem:$0x3F97];
	_ =	swait.ge [sflag:s4], $0x0  }
0x19: {  	s7 =	sld [smem:$0x3F98]  }
0x1a: {  	s8 =	sadd.s32 $0xFFFFE003, lr  }
0x1b: {  	s9 =	sadd.s32 $0xFFFFFEF7, lr;
	s5 =	simm.s32 $0xFFFFFFFF;
	p2 =	slt.u32 s8, $0xFFFFF086  }
0x1c: {  	p1 =	slt.u32 s9, $0xF7A;
	s5 =	simm.s32 @!p2 $0x0  }
0x1d: {  	s5 =	simm.s32 @p1 $0x1;
	p0 =	seq.s32 s7, s2  }
0x1e: {  	s7 =	smul.u32 @!p0 $0xF7A, s2;
	p2 =	seq.s32 @!p0 s5, $0x0  }
0x1f: {  	s9 =	smul.u32 $0xF7A, s1;
	s8 =	simm.s32 @!p0 $0x1BF5;
	p2 =	por !p2, p0  }
0x20: {  	[sflag:s8] =	ssyncset.s32 @!p0 $0xFFFFF086;
	s6 =	sadd.s32 @!p0 s3, s7;
	s7 =	simm.s32 @!p0 $0x108  }
0x21: {  	s3 =	sadd.s32 s3, s9;
	s6 =	sadd.s32 @!p0 $0x88, s6;
	s7 =	simm.s32 @p2 $0x1082  }
0x22: {  	[simem:s7], [sflag:s8] =	dma.local @!p0 [hbm:s6], $0xF7A  }
0x23: {  	s9 =	sor.u32 $0xD0000000, s2;
	s6 =	simm.s32 $0x108;
	_ =	swait.ge @!p0 [sflag:s8], $0x0  }
0x24: {  	s3 =	sadd.s32 $0x88, s3;
	s6 =	simm.s32 @!p1 $0x1082;
	[sflag:s4] =	ssyncset.s32 $0xFFFFF086  }
0x25: {  	[simem:s6], [sflag:s4] =	dma.local [hbm:s3], $0xF7A  }
0x26: {  	[smem:$0x3F98] =	sst s1;
	(tag) =	ssettag s2;
	_ =	strace s9  }
0x27: {  	s1 =	sld [smem:$0x3FA8]  }
0x28: {  	s2 =	sld [smem:$0x3FA9]  }
0x29: {  	s4 =	sld [smem:$0x3FAB]  }
0x2a: {  	p0 =	seq.s32 s5, $0x0;
	s5 =	sld [smem:$0x3FAC]  }
0x2b: {  	s6 =	sld [smem:$0x3FAD]  }
0x2c: {  	s7 =	sld [smem:$0x3FAE]  }
0x2d: {  	s3 =	simm.s32 $0x108;
	s8 =	sld [smem:$0x3FAF]  }
0x2e: {  	s3 =	simm.s32 @!p0 $0x1082;
	s9 =	sld [smem:$0x3FB0]  }
0x2f: {  	lr =	sadd.s32 s0, s3;
	s0 =	sld [smem:$0x3FA7]  }
0x30: {  	s3 =	sld [smem:$0x3FAA]  }
0x31: {  	[smem:$0x3FB3] =	sst s10  }
0x32: {  	s10 =	sld [smem:$0x3FB1];
	_ =	sdelay $0x3  }
0x33: {  	p0 =	seq.s32 s10, $0x1;
	s10 =	sld [smem:$0x3FB3];
	_ =	sdelay $0x3  }
0x34: {  	[smem:$0x3FB3] =	sst s10  }
0x35: {  	s10 =	sld [smem:$0x3FB2];
	_ =	sdelay $0x3  }
0x36: {  	p1 =	seq.s32 s10, $0x1;
	s10 =	sld [smem:$0x3FB3];
	_ =	sdelay $0x3  }
0x37: {  	[smem:$0x3FB3] =	sst s10  }
0x38: {  	s10 =	sld [smem:$0x3FB4]  }
0x39: {  	_ = 	snop;
	(pc) =	sbr.ind lr, $3  }
0x3a: {  	_ = 	snop  }
0x3b: {  	_ = 	snop  }
0x3c: {  	p2 =	seq.s32 s10, $0x1;
	s10 =	sld [smem:$0x3FB3]  }
0x3d: {  	_ =	shalt  }
0x3e: {  	_ =	shalt  }
0x3f: {  	_ =	shalt  }
0x40: {  	_ =	shalt  }
0x41: {  	_ =	shalt  }
0x42: {  	_ =	shalt  }
0x43: {  	_ =	shalt  }
0x44: {  	_ =	shalt  }
0x45: {  	_ =	shalt  }
0x46: {  	_ =	shalt  }
0x47: {  	_ =	shalt  }
0x48: {  	_ =	shalt  }
0x49: {  	_ =	shalt  }
0x4a: {  	_ =	shalt  }
0x4b: {  	_ =	shalt  }
0x4c: {  	_ =	shalt  }
0x4d: {  	_ =	shalt  }
0x4e: {  	_ =	shalt  }
0x4f: {  	_ =	shalt  }
0x50: {  	_ =	shalt  }
0x51: {  	_ =	shalt  }
0x52: {  	_ =	shalt  }
0x53: {  	_ =	shalt  }
0x54: {  	_ =	shalt  }
0x55: {  	_ =	shalt  }
0x56: {  	_ =	shalt  }
0x57: {  	_ =	shalt  }
0x58: {  	_ =	shalt  }
0x59: {  	_ =	shalt  }
0x5a: {  	_ =	shalt  }
0x5b: {  	_ =	shalt  }
0x5c: {  	_ =	shalt  }
0x5d: {  	_ =	shalt  }
0x5e: {  	_ =	shalt  }
0x5f: {  	_ =	shalt  }
0x60: {  	_ =	shalt  }
0x61: {  	_ =	shalt  }
0x62: {  	_ =	shalt  }
0x63: {  	_ =	shalt  }
0x64: {  	_ =	shalt  }
0x65: {  	_ =	shalt  }
0x66: {  	_ =	shalt  }
0x67: {  	_ =	shalt  }
0x68: {  	_ =	shalt  }
0x69: {  	_ =	shalt  }
0x6a: {  	_ =	shalt  }
0x6b: {  	_ =	shalt  }
0x6c: {  	_ =	shalt  }
0x6d: {  	_ =	shalt  }
0x6e: {  	_ =	shalt  }
0x6f: {  	_ =	shalt  }
0x70: {  	_ =	shalt  }
0x71: {  	_ =	shalt  }
0x72: {  	_ =	shalt  }
0x73: {  	_ =	shalt  }
0x74: {  	_ =	shalt  }
0x75: {  	_ =	shalt  }
0x76: {  	_ =	shalt  }
0x77: {  	_ =	shalt  }
0x78: {  	_ =	shalt  }
0x79: {  	_ =	shalt  }
0x7a: {  	_ =	shalt  }
0x7b: {  	_ =	shalt  }
0x7c: {  	_ =	shalt  }
0x7d: {  	_ =	shalt  }
0x7e: {  	_ =	shalt  }
0x7f: {  	_ =	shalt  }
0x80: {  	_ =	shalt  }
0x81: {  	_ =	shalt  }
0x82: {  	_ =	shalt  }
0x83: {  	_ =	shalt  }
0x84: {  	_ =	shalt  }
0x85: {  	_ =	shalt  }
0x86: {  	_ =	shalt  }
0x87: {  	_ =	shalt  }
.Lfunc_end0:
.L_simem_size_0:
called_computation_lowered:
.L_overlay_start_0:
0x88: {  	s2 =	sld [smem:$0x3FD9]  }
0x89: {  	s3 =	sld [smem:$0x3FFE];
	_ =	sdelay $0x1  }
0x8a: {  	s1 =	srdreg.scid  }
0x8b: {  	s0 =	sand.u32 $0x1, s1  }
0x8c: {  	s17 =	sshll.u32 s0, $0xA;
	s2 =	sadd.s32 s3, s2  }
0x8d: {  	s2 =	sadd.s32 s2, s17  }
0x8e: {  	[smem:$0x3FBF] =	sst s2  }
0x8f: {  	_ = 	snop  }
0x90: {  	s2 =	sld [smem:$0x3FD0];
	(tm) =	ssettm $0x1  }
0x91: {  	s18 =	sld [smem:$0x3FFB];
	_ =	sdelay $0x3  }
0x92: {  	_ =	strace s18  }
0x93: {  	s3 =	sld [smem:$0x3FFC];
	_ =	sdelay $0x3  }
0x94: {  	_ =	strace s3  }
0x95: {  	s3 =	sld [smem:$0x3FFD];
	_ =	sdelay $0x3  }
0x96: {  	_ =	strace s3  }
0x97: {  	_ =	strace $0x8FFFFFFF  }
0x98: {  	s19 =	sld [smem:$0x3FDB];
	_ =	sdelay $0x1  }
0x99: {  	s4 =	simm.s32 $_scs_section_size  }
0x9a: {  	s5 =	simm.s32 $_size__tile_overlayer_lowered;
	s6 =	simm.s32 $_tile_overlayer_lowered  }
0x9b: {  	s22 =	simm.s32 $0x1BFF;
	s21 =	sshll.u32 s6, $0x1;
	s3 =	sadd.s32 s4, s19  }
0x9c: {  	s7 =	simm.s32 $0x0;
	s20 =	sshll.u32 s5, $0x1;
	s5 =	sadd.s32 s21, s3  }
0x9d: {  	[timem:s7], [sflag:s22] =	dma.local [hbm:s5], s20  }
0x9e: {  	_ =	swait.ge [sflag:s22], s20  }
0x9f: {  	s4 =	ssub.s32 $0x0, s20;
	[sflag:s22] =	ssyncset.done $0x0  }
0xa0: {  	[sflag:s22] =	ssyncadd.s32 s4;
	_ =	sdelay $0x1  }
0xa1: {  	s23 =	simm.s32 $0x1B8B  }
0xa2: {  	_ =	swait.ge [sflag:s23], $0x1  }
0xa3: {  	[sflag:s23] =	ssyncset.done $0x0  }
0xa4: {  	s25 =	simm.s32 $0x1B8E;
	s24 =	sld [smem:$0x3FFE];
	[sflag:s23] =	ssyncadd.s32 $0xFFFFFFFF  }
0xa5: {  	s26 =	simm.s32 $execute0_lowered;
	[smem:$0x3FD2] =	sst s25  }
0xa6: {  	s5 =	sshll.u32 s26, $0x1;
	_ =	strace $0x80000046;
	[dreg:$0x1] =	wrdreg $0xFFFFFFFF  }
0xa7: {  	s28 =	simm.s32 $_size_execute0_lowered;
	s3 =	sadd.s32 s3, s5;
	[dreg:$0x0] =	wrdreg $0x0  }
0xa8: {  	s5 =	sshll.u32 s28, $0x1;
	[dreg:$0x2] =	wrdreg s3  }
0xa9: {  	[dreg:$0x3] =	wrdreg s5  }
0xaa: {  	[dreg:$0x4] =	wrdreg $0xC0  }
0xab: {  	_ =	task [dreg:s7], $0x5FFFF  }
0xac: {  	[dreg:$0x1] =	wrdreg $0xFFFFFFFF  }
0xad: {  	[dreg:$0x0] =	wrdreg $0x60  }
0xae: {  	[dreg:$0x2] =	wrdreg s24  }
0xaf: {  	[dreg:$0x3] =	wrdreg s2  }
0xb0: {  	[dreg:$0x4] =	wrdreg $0x9  }
0xb1: {  	_ =	task.clear_ibuf [dreg:s7], $0x5FFFF;
	_ =	strace $0x90000046  }
0xb2: {  	s29 =	simm.s32 $0x9;
	_ =	strace $0x80000048  }
0xb3: {  	_ =	swait.ge [sflag:s29], $0x1  }
0xb4: {  	[sflag:s29] =	ssyncadd.s32 $0xFFFFFFFF  }
0xb5: {  	_ =	strace $0x90000048  }
0xb6: {  	_ =	sfence  }
0xb7: {  	s30 =	sld [smem:$0x0];
	_ =	sdelay $0x2  }
0xb8: {  	s31 =	sshll.u32 s1, $0xD;
	s1 =	sshrl.u32 s1, $0x2  }
0xb9: {  	s3 =	sand.u32 $0x4000, s31;
	s1 =	sadd.s32 s1, s30  }
0xba: {  	s0 =	sor.u32 s3, s0;
	s1 =	sshll.u32 s1, $0x11  }
0xbb: {  	s0 =	sor.u32 s1, s0  }
0xbc: {  	s0 =	sadd.s32 $0x8F2B, s0  }
0xbd: {  	[sflag:s0] =	ssyncadd.remote.s32 $0x1  }
0xbe: {  	_ =	sfence.sel $0xFFFF  }
0xbf: {  	[dreg:$0x0] =	wrdreg $0xFFFFFFFF;
	(pc) =	sbr.abs _section_cstart, $3  }
0xc0: {  	[dreg:$0x1] =	wrdreg $0xFFFFFFFF  }
0xc1: {  	_ =	task.clear_ibuf [dreg:s7], $0x2FFFF;
	_ =	strace $0x9FFFFFFF  }
0xc2: {  	(tm) =	ssettm $0x7FFFFFFF  }
0xc3: {  	_ =	shalt  }
tec
execute0_lowered:
.L_overlay_start_1:
0x0: {  	(tag) =	ssettag $0x1  }
0x1: {  	v0 =	vlaneseq.u32  }
0x2: {  	s4 =	rddreg [dreg:$0x0];
	v48 =	vmul.u32 $0x80, v0  }
0x3: {  	s1 =	rddreg [dreg:$0x1];
	s3 =	simm.s32 $0x0  }
0x4: {  	[smem:$0x7FF] =	sst s3;
	v1 =	vor.u32 $0xF040, v48  }
0x5: {  	s0 =	rddreg [dreg:$0x2];
	_ =	strace $0x80000047;
	v4 =	vor.u32 $0x40, v48;
	[tilespmem:$0x1FDF0] =	vst v1  }
0x6: {  	v5 =	vor.u32 $0x8000, v48;
	[tilespmem:$0x1FE20] =	vst v4  }
0x7: {  	v6 =	vor.u32 $0x800, v48;
	[tilespmem:$0x1FE30] =	vst v5  }
0x8: {  	v9 =	vor.u32 $0x840, v48;
	[tilespmem:$0x1FE40] =	vst v6  }
0x9: {  	v11 =	vor.u32 $0x1000, v48;
	[tilespmem:$0x1FE50] =	vst v9  }
0xa: {  	v13 =	vor.u32 $0x1040, v48;
	[tilespmem:$0x1FE60] =	vst v11  }
0xb: {  	v15 =	vor.u32 $0x1800, v48;
	[tilespmem:$0x1FE70] =	vst v13  }
0xc: {  	v17 =	vor.u32 $0x1840, v48;
	[tilespmem:$0x1FE80] =	vst v15  }
0xd: {  	v19 =	vor.u32 $0x2000, v48;
	[tilespmem:$0x1FE90] =	vst v17  }
0xe: {  	v21 =	vor.u32 $0x2040, v48;
	[tilespmem:$0x1FEA0] =	vst v19  }
0xf: {  	v23 =	vor.u32 $0x2800, v48;
	[tilespmem:$0x1FEB0] =	vst v21  }
0x10: {  	v25 =	vor.u32 $0x2840, v48;
	[tilespmem:$0x1FEC0] =	vst v23  }
0x11: {  	v27 =	vor.u32 $0x3000, v48;
	[tilespmem:$0x1FED0] =	vst v25  }
0x12: {  	v29 =	vor.u32 $0x3040, v48;
	[tilespmem:$0x1FEE0] =	vst v27  }
0x13: {  	v31 =	vor.u32 $0x3800, v48;
	[tilespmem:$0x1FEF0] =	vst v29  }
0x14: {  	v0 =	vor.u32 $0x3840, v48;
	[tilespmem:$0x1FF00] =	vst v31  }
0x15: {  	v35 =	vor.u32 $0x4000, v48;
	[tilespmem:$0x1FF10] =	vst v0  }
0x16: {  	v37 =	vor.u32 $0x4040, v48;
	[tilespmem:$0x1FF20] =	vst v35  }
0x17: {  	v39 =	vor.u32 $0x4800, v48;
	v41 =	vor.u32 $0x4840, v48;
	[tilespmem:$0x1FF30] =	vst v37  }
0x18: {  	v43 =	vor.u32 $0x5000, v48;
	v45 =	vor.u32 $0x5040, v48;
	v47 =	vor.u32 $0x5800, v48;
	[tilespmem:$0x1FF40] =	vst v39  }
0x19: {  	s11 =	simm.s32 $0x280;
	s12 =	simm.s32 $0x780;
	v50 =	vor.u32 $0x5840, v48;
	v52 =	vor.u32 $0x6000, v48;
	v54 =	vor.u32 $0x6040, v48;
	[tilespmem:$0x1FF50] =	vst v41  }
0x1a: {  	s13 =	simm.s32 $0x300;
	s14 =	simm.s32 $0x4780;
	v56 =	vor.u32 $0x6800, v48;
	v57 =	vor.u32 $0x6840, v48;
	v59 =	vor.u32 $0x7000, v48;
	[tilespmem:$0x1FF60] =	vst v43  }
0x1b: {  	s5 =	srdreg.scid;
	s15 =	simm.s32 $0x380;
	s16 =	simm.s32 $0x8780;
	v61 =	vor.u32 $0x7040, v48;
	v63 =	vor.u32 $0x7800, v48;
	v34 =	vor.u32 $0x7840, v48;
	[tilespmem:$0x1FF70] =	vst v45  }
0x1c: {  	s2 =	stileid.u32;
	s17 =	simm.s32 $0x400;
	s18 =	simm.s32 $0xC780;
	v7 =	vor.u32 $0x8040, v48;
	v8 =	vor.u32 $0x8800, v48;
	v10 =	vor.u32 $0x8840, v48;
	[tilespmem:$0x1FF80] =	vst v47  }
0x1d: {  	s10 =	simm.s32 $0x80;
	s19 =	simm.s32 $0x480;
	s20 =	simm.s32 $0x10780;
	v12 =	vor.u32 $0x9000, v48;
	v14 =	vor.u32 $0x9040, v48;
	v16 =	vor.u32 $0x9800, v48;
	[tilespmem:$0x1FF90] =	vst v50  }
0x1e: {  	s21 =	simm.s32 $0x1;
	s22 =	simm.s32 $0x14780;
	s6 =	smul.u32 $0x3200, s2;
	v18 =	vor.u32 $0x9840, v48;
	v22 =	vor.u32 $0xA040, v48;
	v24 =	vor.u32 $0xA800, v48;
	[tilespmem:$0x1FFA0] =	vst v52  }
0x1f: {  	s23 =	simm.s32 $0x14A00;
	s5 =	sand.u32 $0x1, s5;
	s8 =	smul.u32 $0x32000, s2;
	v26 =	vor.u32 $0xA840, v48;
	v28 =	vor.u32 $0xB000, v48;
	v30 =	vor.u32 $0xB040, v48;
	[tilespmem:$0x1FFB0] =	vst v54  }
0x20: {  	s24 =	simm.s32 $0x2;
	s7 =	smul.u32 $0x1900, s5;
	s9 =	ssub.s32 $0x2, s5;
	v32 =	vor.u32 $0xB800, v48;
	v33 =	vor.u32 $0xB840, v48;
	v36 =	vor.u32 $0xC000, v48;
	[tilespmem:$0x1FFC0] =	vst v56  }
0x21: {  	s25 =	simm.s32 $0x0;
	s5 =	smul.u32 $0x19000, s5;
	s30 =	sshrl.u32 s9, $0x1;
	v38 =	vor.u32 $0xC040, v48;
	v40 =	vor.u32 $0xC800, v48;
	v42 =	vor.u32 $0xC840, v48;
	[tilespmem:$0x1FFD0] =	vst v57  }
0x22: {  	s8 =	sadd.s32 s8, s4;
	v44 =	vor.u32 $0xD000, v48;
	v46 =	vor.u32 $0xD040, v48;
	v49 =	vor.u32 $0xD800, v48;
	s6 =	sadd.s32 s7, s6;
	s7 =	ssub.s32 s9, s30;
	[tilespmem:$0x1FFE0] =	vst v59  }
0x23: {  	v51 =	vor.u32 $0xD840, v48;
	v53 =	vor.u32 $0xE000, v48;
	s5 =	sadd.s32 s5, s8;
	s9 =	simm.s32 $0x3;
	v1 =	vor.u32 $0xF800, v48;
	[tilespmem:$0x1FFF0] =	vst v61;
	s6 =	sshrl.u32 s6, $0x3  }
0x24: {  	v55 =	vor.u32 $0xE040, v48;
	v58 =	vor.u32 $0xE800, v48;
	s5 =	sadd.s32 $0x1CC00, s5;
	[tilespmem:$0x1FE00] =	vst v1;
	v1 =	vor.u32 $0xF840, v48;
	s31 =	sadd.s32 s6, s4;
	s4 =	smax.u32 s7, $0x1  }
0x25: {  	v20 =	vor.u32 $0xA000, v48;
	v60 =	vor.u32 $0xE840, v48;
	v62 =	vor.u32 $0xF000, v48;
	[tilespmem:$0x1FE10] =	vst v1;
	s6 =	sadd.s32 $0x16800, s31;
	s7 =	sadd.s32 $0x10400, s31;
	s8 =	sadd.s32 $0xA000, s31  }
.LBB2_1:
0x26: {  	s26 =	smov.u32 s5;
	s28 =	simm.s32 $0x0  }
.LBB2_2:
0x27: {  	s29 =	sadd.s32 s28, s8  }
0x28: {  	[tilespmem:s3], [sflag:$0x3] =	stream.linear.gather [hbm4b:s29+s3], $0x280, $0x38;
	[tilespmem:$0x14C80] =	vst v63  }
0x29: {  	_ =	swait.ge [sflag:s9], $0x280  }
0x2a: {  	[sflag:s9] =	ssyncset.done $0x0  }
0x2b: {  	[sflag:s9] =	ssyncadd.s32 $0xFFFFFD80  }
0x2c: {  	v1 =	vld [tilespmem:$0x0]  }
0x2d: {  	v2 =	vld [tilespmem:$0x10]  }
0x2e: {  	v4 =	vld [tilespmem:$0x20]  }
0x2f: {  	v59 =	vmov v60;
	v60 =	vmov v7;
	v7 =	vld [tilespmem:$0x30]  }
0x30: {  	v9 =	vld [tilespmem:$0x40]  }
0x31: {  	v11 =	vld [tilespmem:$0x50]  }
0x32: {  	v15 =	vld [tilespmem:$0x70]  }
0x33: {  	v17 =	vld [tilespmem:$0x80]  }
0x34: {  	v21 =	vld [tilespmem:$0xA0]  }
0x35: {  	v23 =	vld [tilespmem:$0xB0]  }
0x36: {  	v57 =	vmovc v58;
	v58 =	vmov v8;
	v56 =	vmov v12;
	v29 =	vld [tilespmem:$0xE0];
	v3 =	vadd.s32 $0xFFFD19D0, v1  }
0x37: {  	v52 =	vmovc v14;
	v45 =	vmovc v44;
	v5 =	vadd.s32 $0xFFFD19D0, v2;
	vm11 =	vlt.s32 v1, $0x2E630;
	v8 =	vadd.s32 $0xFFFD19D0, v4  }
0x38: {  	v44 =	vmovc v18;
	v43 =	vmovc v42;
	vm12 =	vlt.s32 v2, $0x2E630;
	vm13 =	vlt.s32 v4, $0x2E630;
	v12 =	vadd.s32 $0xFFFD19D0, v9  }
0x39: {  	v42 =	vmovc v20;
	v41 =	vmovc v40;
	vm4 =	vlt.s32 v7, $0x2E630;
	v14 =	vadd.s32 $0xFFFD19D0, v11;
	vm5 =	vlt.s32 v9, $0x2E630  }
0x3a: {  	v40 =	vmovc v24;
	v37 =	vmovc v36;
	vm7 =	vlt.s32 v11, $0x2E630;
	v18 =	vadd.s32 $0xFFFD19D0, v15;
	v20 =	vadd.s32 $0xFFFD19D0, v17  }
0x3b: {  	v36 =	vmovc v26;
	v0 =	vmovc v32;
	v13 =	vld [tilespmem:$0x60];
	v24 =	vadd.s32 $0xFFFD19D0, v21;
	v26 =	vadd.s32 $0xFFFD19D0, v23;
	v32 =	vadd.s32 $0xFFFD19D0, v29  }
0x3c: {  	vm0 =	vgt.s32 v3, $0x0;
	vm10 =	vgt.s32 v5, $0x0;
	vm1 =	vgt.s32 v8, $0x0  }
0x3d: {  	vm15 =	vgt.s32 v12, $0x0;
	vm6 =	vgt.s32 v14, $0x0;
	vm9 =	vgt.s32 v18, $0x0  }
0x3e: {  	v3 =	vnsel vm0, $0x0, v3;
	v5 =	vnsel vm10, $0x0, v5;
	v8 =	vnsel vm1, $0x0, v8  }
0x3f: {  	v12 =	vnsel vm15, $0x0, v12;
	v14 =	vnsel vm6, $0x0, v14;
	v18 =	vnsel vm9, $0x0, v18  }
0x40: {  	vm10 =	vlt.s32 v13, $0x2E630;
	v6 =	vmin.u32 v3, $0xC5C0F;
	v5 =	vmin.u32 v5, $0xC5C0F  }
0x41: {  	v61 =	vmovc v62;
	v62 =	vmovc v34;
	v3 =	vshrl.u32 v6, $0x6;
	v54 =	vshrl.u32 v5, $0x6;
	v34 =	vand.u32 $0x3F, v5  }
0x42: {  	v5 =	vmin.u32 v8, $0xC5C0F;
	v8 =	vadd.s32 $0xFFFD19D0, v7;
	v3 =	vadd.s32 $0x2E630, v3  }
0x43: {  	vm15 =	vgt.s32 v24, $0x0;
	vm14 =	vgt.s32 v8, $0x0;
	v3 =	vsel vm11, v1, v3  }
0x44: {  	v1 =	vadd.s32 $0x2E630, v54;
	v8 =	vnsel vm14, $0x0, v8;
	v54 =	vmovc v10;
	v10 =	vshrl.u32 v5, $0x6  }
0x45: {  	vm6 =	vgt.s32 v26, $0x0;
	v8 =	vmin.u32 v8, $0xC5C0F;
	v10 =	vadd.s32 $0x2E630, v10  }
0x46: {  	v10 =	vsel vm13, v4, v10;
	v4 =	vand.u32 $0x3F, v5;
	v5 =	vshrl.u32 v8, $0x6  }
0x47: {  	v12 =	vmin.u32 v12, $0xC5C0F;
	v18 =	vmin.u32 v18, $0xC5C0F;
	v5 =	vadd.s32 $0x2E630, v5  }
0x48: {  	v24 =	vnsel vm15, $0x0, v24;
	v7 =	vsel vm4, v7, v5;
	v5 =	vshrl.u32 v12, $0x6  }
0x49: {  	v27 =	vld [tilespmem:$0xD0];
	v6 =	vand.u32 $0x3F, v6;
	v24 =	vmin.u32 v24, $0xC5C0F;
	v5 =	vadd.s32 $0x2E630, v5  }
0x4a: {  	vm11 =	vlt.s32 v15, $0x2E630;
	v2 =	vsel vm12, v2, v1;
	v9 =	vsel vm5, v9, v5  }
0x4b: {  	v19 =	vld [tilespmem:$0x90];
	v5 =	vand.u32 $0x3F, v12;
	v12 =	vmin.u32 v14, $0xC5C0F;
	v14 =	vadd.s32 $0xFFFD19D0, v13  }
0x4c: {  	v50 =	vmovc v49;
	vm12 =	vgt.s32 v20, $0x0;
	v8 =	vand.u32 $0x3F, v8;
	vm8 =	vgt.s32 v14, $0x0  }
0x4d: {  	v49 =	vmovc v46;
	v46 =	vmovc v16;
	vm13 =	vlt.s32 v17, $0x2E630;
	v16 =	vshrl.u32 v12, $0x6;
	v14 =	vnsel vm8, $0x0, v14  }
0x4e: {  	v1 =	vmovc v30;
	v30 =	vadd.s32 $0xFFFD19D0, v27;
	v16 =	vadd.s32 $0x2E630, v16;
	v14 =	vmin.u32 v14, $0xC5C0F  }
0x4f: {  	vm9 =	vgt.s32 v30, $0x0;
	v11 =	vsel vm7, v11, v16;
	v16 =	vshrl.u32 v14, $0x6  }
0x50: {  	vm4 =	vlt.s32 v19, $0x2E630;
	v30 =	vnsel vm9, $0x0, v30;
	v16 =	vadd.s32 $0x2E630, v16  }
0x51: {  	v30 =	vmin.u32 v30, $0xC5C0F;
	v13 =	vsel vm10, v13, v16;
	v16 =	vshrl.u32 v18, $0x6  }
0x52: {  	[tilespmem:$0x280] =	vst v3;
	vm5 =	vlt.s32 v21, $0x2E630;
	v3 =	vand.u32 $0x3F, v30;
	v16 =	vadd.s32 $0x2E630, v16  }
0x53: {  	v25 =	vld [tilespmem:$0xC0];
	v15 =	vsel vm11, v15, v16;
	v16 =	vnsel vm12, $0x0, v20;
	v20 =	vadd.s32 $0xFFFD19D0, v19  }
0x54: {  	v12 =	vand.u32 $0x3F, v12;
	v16 =	vmin.u32 v16, $0xC5C0F;
	vm14 =	vgt.s32 v20, $0x0  }
0x55: {  	v39 =	vmovc v38;
	v38 =	vmovc v22;
	vm7 =	vlt.s32 v23, $0x2E630;
	[tilespmem:$0x2D0] =	vst v11;
	v11 =	vld [tilespmem:$0x140];
	v22 =	vshrl.u32 v16, $0x6;
	v20 =	vnsel vm14, $0x0, v20  }
0x56: {  	v14 =	vand.u32 $0x3F, v14;
	v22 =	vadd.s32 $0x2E630, v22;
	v20 =	vmin.u32 v20, $0xC5C0F  }
0x57: {  	v18 =	vand.u32 $0x3F, v18;
	v17 =	vsel vm13, v17, v22;
	v22 =	vshrl.u32 v20, $0x6  }
0x58: {  	vm10 =	vlt.s32 v25, $0x2E630;
	vm11 =	vlt.s32 v27, $0x2E630;
	v22 =	vadd.s32 $0x2E630, v22  }
0x59: {  	[tilespmem:$0x560] =	vst v14;
	v14 =	vld [tilespmem:$0x150];
	vm12 =	vgt.s32 v32, $0x0;
	v19 =	vsel vm4, v19, v22;
	v22 =	vshrl.u32 v24, $0x6  }
0x5a: {  	v31 =	vld [tilespmem:$0xF0];
	[tilespmem:$0x570] =	vst v18;
	v18 =	vadd.s32 $0xFFFD19D0, v11;
	v16 =	vand.u32 $0x3F, v16;
	v22 =	vadd.s32 $0x2E630, v22  }
0x5b: {  	v47 =	vmovc v33;
	v33 =	vld [tilespmem:$0x100];
	v21 =	vsel vm5, v21, v22;
	v22 =	vnsel vm6, $0x0, v26;
	v26 =	vadd.s32 $0xFFFD19D0, v25  }
0x5c: {  	v20 =	vand.u32 $0x3F, v20;
	v22 =	vmin.u32 v22, $0xC5C0F;
	vm8 =	vgt.s32 v26, $0x0  }
0x5d: {  	v35 =	vmovc v28;
	vm13 =	vlt.s32 v29, $0x2E630;
	[tilespmem:$0x310] =	vst v19;
	v19 =	vld [tilespmem:$0x170];
	v28 =	vshrl.u32 v22, $0x6;
	v26 =	vnsel vm8, $0x0, v26  }
0x5e: {  	[tilespmem:$0x300] =	vst v17;
	v17 =	vadd.s32 $0xFFFD19D0, v14;
	v28 =	vadd.s32 $0x2E630, v28;
	v26 =	vmin.u32 v26, $0xC5C0F  }
0x5f: {  	v24 =	vand.u32 $0x3F, v24;
	v23 =	vsel vm7, v23, v28;
	v28 =	vshrl.u32 v26, $0x6  }
0x60: {  	vm4 =	vlt.s32 v31, $0x2E630;
	vm5 =	vlt.s32 v33, $0x2E630;
	v28 =	vadd.s32 $0x2E630, v28  }
0x61: {  	v22 =	vand.u32 $0x3F, v22;
	v25 =	vsel vm10, v25, v28;
	v28 =	vshrl.u32 v30, $0x6  }
0x62: {  	[tilespmem:$0x5B0] =	vst v22;
	v26 =	vand.u32 $0x3F, v26;
	v22 =	vadd.s32 $0xFFFD19D0, v19;
	v28 =	vadd.s32 $0x2E630, v28  }
0x63: {  	v27 =	vsel vm11, v27, v28;
	v28 =	vnsel vm12, $0x0, v32;
	vm12 =	vgt.s32 v18, $0x0  }
0x64: {  	[tilespmem:$0x580] =	vst v16;
	v30 =	vadd.s32 $0xFFFD19D0, v31;
	v28 =	vmin.u32 v28, $0xC5C0F;
	v16 =	vnsel vm12, $0x0, v18  }
0x65: {  	[tilespmem:$0x500] =	vst v6;
	vm14 =	vgt.s32 v30, $0x0;
	v6 =	vshrl.u32 v28, $0x6;
	v16 =	vmin.u32 v16, $0xC5C0F  }
0x66: {  	[tilespmem:$0x290] =	vst v2;
	v32 =	vld [tilespmem:$0x110];
	v2 =	vadd.s32 $0x2E630, v6;
	v6 =	vnsel vm14, $0x0, v30;
	v30 =	vadd.s32 $0xFFFD19D0, v33  }
0x67: {  	[tilespmem:$0x5A0] =	vst v24;
	v24 =	vld [tilespmem:$0x1A0];
	v18 =	vshrl.u32 v16, $0x6;
	vm14 =	vgt.s32 v17, $0x0;
	v16 =	vand.u32 $0x3F, v16  }
0x68: {  	[tilespmem:$0x510] =	vst v34;
	v34 =	vsel vm13, v29, v2;
	v2 =	vmin.u32 v6, $0xC5C0F;
	vm15 =	vgt.s32 v30, $0x0  }
0x69: {  	v6 =	vand.u32 $0x3F, v28;
	vm13 =	vlt.s32 v11, $0x2E630;
	v18 =	vadd.s32 $0x2E630, v18  }
0x6a: {  	[tilespmem:$0x2A0] =	vst v10;
	v17 =	vnsel vm14, $0x0, v17;
	v10 =	vshrl.u32 v2, $0x6;
	v28 =	vnsel vm15, $0x0, v30  }
0x6b: {  	v2 =	vand.u32 $0x3F, v2;
	vm7 =	vlt.s32 v32, $0x2E630;
	v11 =	vsel vm13, v11, v18  }
0x6c: {  	[tilespmem:$0x520] =	vst v4;
	v17 =	vmin.u32 v17, $0xC5C0F;
	vm13 =	vlt.s32 v24, $0x2E630;
	v4 =	vadd.s32 $0x2E630, v10  }
0x6d: {  	v29 =	vld [tilespmem:$0x120];
	v10 =	vmin.u32 v28, $0xC5C0F;
	v28 =	vadd.s32 $0xFFFD19D0, v32;
	v18 =	vshrl.u32 v17, $0x6  }
0x6e: {  	[tilespmem:$0x2B0] =	vst v7;
	v17 =	vand.u32 $0x3F, v17;
	v4 =	vsel vm4, v31, v4;
	v7 =	vshrl.u32 v10, $0x6  }
0x6f: {  	[tilespmem:$0x540] =	vst v5;
	v30 =	vld [tilespmem:$0x130];
	vm6 =	vgt.s32 v28, $0x0;
	v5 =	vand.u32 $0x3F, v10;
	vm4 =	vlt.s32 v14, $0x2E630  }
0x70: {  	[tilespmem:$0x530] =	vst v8;
	v18 =	vadd.s32 $0x2E630, v18;
	v7 =	vadd.s32 $0x2E630, v7;
	v8 =	vnsel vm6, $0x0, v28  }
0x71: {  	v14 =	vsel vm4, v14, v18;
	vm6 =	vgt.s32 v22, $0x0;
	v7 =	vsel vm5, v33, v7  }
0x72: {  	[tilespmem:$0x2C0] =	vst v9;
	v8 =	vmin.u32 v8, $0xC5C0F;
	v9 =	vadd.s32 $0xFFFD19D0, v29;
	vm10 =	vlt.s32 v29, $0x2E630  }
0x73: {  	[tilespmem:$0x5D0] =	vst v3;
	v28 =	vld [tilespmem:$0x160];
	v22 =	vnsel vm6, $0x0, v22;
	v10 =	vshrl.u32 v8, $0x6;
	vm8 =	vgt.s32 v9, $0x0  }
0x74: {  	[tilespmem:$0x550] =	vst v12;
	v12 =	vadd.s32 $0xFFFD19D0, v30;
	v8 =	vand.u32 $0x3F, v8;
	vm11 =	vlt.s32 v30, $0x2E630  }
0x75: {  	[tilespmem:$0x2E0] =	vst v13;
	v10 =	vadd.s32 $0x2E630, v10;
	v9 =	vnsel vm8, $0x0, v9;
	vm9 =	vgt.s32 v12, $0x0  }
0x76: {  	[tilespmem:$0x320] =	vst v21;
	v21 =	vld [tilespmem:$0x180];
	v10 =	vsel vm7, v32, v10;
	v9 =	vmin.u32 v9, $0xC5C0F;
	v12 =	vnsel vm9, $0x0, v12  }
0x77: {  	[tilespmem:$0x330] =	vst v23;
	v23 =	vld [tilespmem:$0x190];
	vm7 =	vlt.s32 v19, $0x2E630;
	v13 =	vshrl.u32 v9, $0x6;
	v12 =	vmin.u32 v12, $0xC5C0F  }
0x78: {  	[tilespmem:$0x590] =	vst v20;
	v9 =	vand.u32 $0x3F, v9;
	v20 =	vadd.s32 $0xFFFD19D0, v28;
	vm5 =	vlt.s32 v28, $0x2E630  }
0x79: {  	[tilespmem:$0x2F0] =	vst v15;
	v13 =	vadd.s32 $0x2E630, v13;
	v15 =	vshrl.u32 v12, $0x6;
	vm15 =	vgt.s32 v20, $0x0  }
0x7a: {  	[tilespmem:$0x5C0] =	vst v26;
	v12 =	vand.u32 $0x3F, v12;
	v13 =	vsel vm10, v29, v13;
	v20 =	vnsel vm15, $0x0, v20  }
0x7b: {  	[tilespmem:$0x340] =	vst v25;
	v15 =	vadd.s32 $0x2E630, v15;
	vm10 =	vlt.s32 v21, $0x2E630;
	v20 =	vmin.u32 v20, $0xC5C0F  }
0x7c: {  	[tilespmem:$0x350] =	vst v27;
	v15 =	vsel vm11, v30, v15;
	vm11 =	vlt.s32 v23, $0x2E630;
	v18 =	vshrl.u32 v20, $0x6  }
0x7d: {  	[tilespmem:$0x360] =	vst v34;
	v3 =	vand.u32 $0x3F, v20;
	v20 =	vmin.u32 v22, $0xC5C0F;
	v22 =	vadd.s32 $0xFFFD19D0, v21  }
0x7e: {  	[tilespmem:$0x3A0] =	vst v13;
	v13 =	vld [tilespmem:$0x1D0];
	v18 =	vadd.s32 $0x2E630, v18;
	v34 =	vshrl.u32 v20, $0x6;
	vm8 =	vgt.s32 v22, $0x0  }
0x7f: {  	[tilespmem:$0x5E0] =	vst v6;
	v30 =	vmovc v1;
	v18 =	vsel vm5, v28, v18;
	v1 =	vadd.s32 $0x2E630, v34;
	v6 =	vnsel vm8, $0x0, v22  }
0x80: {  	[tilespmem:$0x370] =	vst v4;
	v28 =	vmovc v35;
	v22 =	vadd.s32 $0xFFFD19D0, v23;
	v35 =	vand.u32 $0x3F, v20;
	v4 =	vmin.u32 v6, $0xC5C0F  }
0x81: {  	[tilespmem:$0x640] =	vst v16;
	v20 =	vld [tilespmem:$0x1B0];
	v1 =	vsel vm7, v19, v1;
	vm9 =	vgt.s32 v22, $0x0;
	v6 =	vshrl.u32 v4, $0x6  }
0x82: {  	[tilespmem:$0x3C0] =	vst v11;
	v19 =	vnsel vm9, $0x0, v22;
	v4 =	vand.u32 $0x3F, v4;
	v6 =	vadd.s32 $0x2E630, v6  }
0x83: {  	[tilespmem:$0x600] =	vst v5;
	v16 =	vadd.s32 $0xFFFD19D0, v13;
	vm7 =	vlt.s32 v13, $0x2E630;
	v5 =	vsel vm10, v21, v6;
	v21 =	vld [tilespmem:$0x1C0]  }
0x84: {  	[tilespmem:$0x380] =	vst v7;
	v7 =	vmin.u32 v19, $0xC5C0F;
	v19 =	vadd.s32 $0xFFFD19D0, v24;
	vm6 =	vgt.s32 v16, $0x0  }
0x85: {  	[tilespmem:$0x650] =	vst v17;
	v6 =	vshrl.u32 v7, $0x6;
	vm12 =	vgt.s32 v19, $0x0;
	v7 =	vand.u32 $0x3F, v7  }
0x86: {  	[tilespmem:$0x390] =	vst v10;
	v16 =	vnsel vm6, $0x0, v16;
	v6 =	vadd.s32 $0x2E630, v6;
	v10 =	vadd.s32 $0xFFFD19D0, v20  }
0x87: {  	[tilespmem:$0x610] =	vst v8;
	v8 =	vnsel vm12, $0x0, v19;
	vm4 =	vlt.s32 v20, $0x2E630;
	vm14 =	vgt.s32 v10, $0x0  }
0x88: {  	[tilespmem:$0x3B0] =	vst v15;
	v6 =	vsel vm11, v23, v6;
	v10 =	vnsel vm14, $0x0, v10;
	v15 =	vadd.s32 $0xFFFD19D0, v21  }
0x89: {  	v17 =	vld [tilespmem:$0x200];
	[tilespmem:$0x620] =	vst v9;
	v8 =	vmin.u32 v8, $0xC5C0F;
	v10 =	vmin.u32 v10, $0xC5C0F;
	vm15 =	vgt.s32 v15, $0x0  }
0x8a: {  	[tilespmem:$0x630] =	vst v12;
	v9 =	vshrl.u32 v8, $0x6;
	v11 =	vshrl.u32 v10, $0x6;
	v12 =	vnsel vm15, $0x0, v15;
	v15 =	vld [tilespmem:$0x1E0]  }
0x8b: {  	[tilespmem:$0x5F0] =	vst v2;
	v19 =	vld [tilespmem:$0x1F0];
	v8 =	vand.u32 $0x3F, v8;
	v9 =	vadd.s32 $0x2E630, v9;
	v11 =	vadd.s32 $0x2E630, v11  }
0x8c: {  	[tilespmem:$0x3D0] =	vst v14;
	v9 =	vsel vm13, v24, v9;
	v11 =	vsel vm4, v20, v11;
	v12 =	vmin.u32 v12, $0xC5C0F  }
0x8d: {  	[tilespmem:$0x660] =	vst v3;
	v20 =	vmovc v42;
	v42 =	vmovc v43;
	v14 =	vshrl.u32 v12, $0x6;
	v43 =	vand.u32 $0x3F, v12;
	v12 =	vmin.u32 v16, $0xC5C0F  }
0x8e: {  	v33 =	vmovc v47;
	[tilespmem:$0x3E0] =	vst v18;
	vm5 =	vlt.s32 v21, $0x2E630;
	v10 =	vand.u32 $0x3F, v10;
	v47 =	vshrl.u32 v12, $0x6  }
0x8f: {  	[tilespmem:$0x3F0] =	vst v1;
	vm13 =	vlt.s32 v17, $0x2E630;
	v1 =	vadd.s32 $0x2E630, v47;
	v16 =	vadd.s32 $0xFFFD19D0, v15  }
0x90: {  	[tilespmem:$0x670] =	vst v35;
	vm11 =	vlt.s32 v19, $0x2E630;
	v1 =	vsel vm7, v13, v1;
	v13 =	vld [tilespmem:$0x210];
	vm8 =	vgt.s32 v16, $0x0  }
0x91: {  	[tilespmem:$0x430] =	vst v11;
	v11 =	vld [tilespmem:$0x230];
	v14 =	vadd.s32 $0x2E630, v14;
	v34 =	vnsel vm8, $0x0, v16;
	v16 =	vadd.s32 $0xFFFD19D0, v19  }
0x92: {  	[tilespmem:$0x680] =	vst v4;
	v4 =	vand.u32 $0x3F, v12;
	v2 =	vmin.u32 v34, $0xC5C0F;
	vm9 =	vgt.s32 v16, $0x0  }
0x93: {  	[tilespmem:$0x400] =	vst v5;
	v14 =	vsel vm5, v21, v14;
	v5 =	vshrl.u32 v2, $0x6;
	v12 =	vnsel vm9, $0x0, v16  }
0x94: {  	[tilespmem:$0x410] =	vst v6;
	vm10 =	vlt.s32 v15, $0x2E630;
	v5 =	vadd.s32 $0x2E630, v5;
	v6 =	vmin.u32 v12, $0xC5C0F  }
0x95: {  	[tilespmem:$0x420] =	vst v9;
	v12 =	vadd.s32 $0xFFFD19D0, v17;
	v9 =	vadd.s32 $0xFFFD19D0, v13;
	v5 =	vsel vm10, v15, v5;
	v15 =	vld [tilespmem:$0x220]  }
0x96: {  	[tilespmem:$0x690] =	vst v7;
	vm7 =	vlt.s32 v11, $0x2E630;
	vm12 =	vgt.s32 v12, $0x0;
	vm14 =	vgt.s32 v9, $0x0  }
0x97: {  	[tilespmem:$0x6A0] =	vst v8;
	v2 =	vand.u32 $0x3F, v2;
	v8 =	vnsel vm12, $0x0, v12;
	v9 =	vnsel vm14, $0x0, v9  }
0x98: {  	[tilespmem:$0x6B0] =	vst v10;
	vm4 =	vlt.s32 v13, $0x2E630;
	v8 =	vmin.u32 v8, $0xC5C0F;
	v9 =	vmin.u32 v9, $0xC5C0F  }
0x99: {  	v26 =	vmovc v36;
	v36 =	vmovc v37;
	v25 =	vld [tilespmem:$0x1FED0];
	[tilespmem:$0x6C0] =	vst v43;
	v10 =	vshrl.u32 v8, $0x6;
	v37 =	vand.u32 $0x3F, v8;
	v8 =	vshrl.u32 v9, $0x6  }
0x9a: {  	v27 =	vld [tilespmem:$0x1FEE0];
	[tilespmem:$0x6D0] =	vst v4;
	v7 =	vshrl.u32 v6, $0x6;
	v4 =	vadd.s32 $0x2E630, v8;
	v12 =	vadd.s32 $0xFFFD19D0, v15  }
0x9b: {  	[tilespmem:$0x440] =	vst v14;
	v10 =	vadd.s32 $0x2E630, v10;
	v4 =	vsel vm4, v13, v4;
	v13 =	vld [tilespmem:$0x250];
	vm15 =	vgt.s32 v12, $0x0  }
0x9c: {  	[tilespmem:$0x450] =	vst v1;
	v7 =	vadd.s32 $0x2E630, v7;
	v35 =	vsel vm13, v17, v10;
	v10 =	vnsel vm15, $0x0, v12;
	v12 =	vld [tilespmem:$0x240]  }
0x9d: {  	v31 =	vld [tilespmem:$0x1FF00];
	[tilespmem:$0x6E0] =	vst v2;
	v6 =	vand.u32 $0x3F, v6;
	v7 =	vsel vm11, v19, v7;
	v8 =	vmin.u32 v10, $0xC5C0F  }
0x9e: {  	v32 =	vmovc v0;
	v0 =	vld [tilespmem:$0x1FF10];
	[tilespmem:$0x460] =	vst v5;
	vm5 =	vlt.s32 v15, $0x2E630;
	v10 =	vadd.s32 $0xFFFD19D0, v11;
	v5 =	vshrl.u32 v8, $0x6  }
0x9f: {  	v29 =	vld [tilespmem:$0x1FEF0];
	v22 =	vmovc v38;
	v38 =	vmovc v39;
	[tilespmem:$0x6F0] =	vst v6;
	vm6 =	vgt.s32 v10, $0x0;
	v6 =	vand.u32 $0x3F, v8;
	v39 =	vadd.s32 $0x2E630, v5  }
0xa0: {  	[tilespmem:$0x470] =	vst v7;
	v5 =	vand.u32 $0x3F, v9;
	v7 =	vnsel vm6, $0x0, v10;
	v9 =	vld [tilespmem:$0x260];
	vm11 =	vlt.s32 v13, $0x2E630  }
0xa1: {  	v23 =	vld [tilespmem:$0x1FEC0];
	[tilespmem:$0x700] =	vst v37;
	v2 =	vsel vm5, v15, v39;
	v7 =	vmin.u32 v7, $0xC5C0F;
	v8 =	vadd.s32 $0xFFFD19D0, v12  }
0xa2: {  	v24 =	vmovc v40;
	v40 =	vmovc v41;
	v21 =	vld [tilespmem:$0x1FEB0];
	[tilespmem:$0x710] =	vst v5;
	v41 =	vshrl.u32 v7, $0x6;
	v5 =	vand.u32 $0x3F, v7;
	vm8 =	vgt.s32 v8, $0x0  }
0xa3: {  	v18 =	vmovc v44;
	v44 =	vmovc v45;
	[tilespmem:$0x490] =	vst v4;
	v4 =	vld [tilespmem:$0x270];
	v43 =	vadd.s32 $0x2E630, v41;
	v45 =	vnsel vm8, $0x0, v8;
	v8 =	vadd.s32 $0xFFFD19D0, v13  }
0xa4: {  	v19 =	vld [tilespmem:$0x1FEA0];
	[tilespmem:$0x480] =	vst v35;
	vm10 =	vlt.s32 v12, $0x2E630;
	v1 =	vsel vm7, v11, v43;
	vm9 =	vgt.s32 v8, $0x0  }
0xa5: {  	v37 =	vld [tilespmem:$0x1FF30];
	[tilespmem:$0x720] =	vst v6;
	v3 =	vmin.u32 v45, $0xC5C0F;
	vm14 =	vlt.s32 v9, $0x2E630;
	v7 =	vnsel vm9, $0x0, v8  }
0xa6: {  	v14 =	vmovc v52;
	v17 =	vld [tilespmem:$0x1FE90];
	[tilespmem:$0x4A0] =	vst v2;
	v8 =	vshrl.u32 v3, $0x6;
	v52 =	vand.u32 $0x3F, v3;
	v7 =	vmin.u32 v7, $0xC5C0F  }
0xa7: {  	v16 =	vmovc v46;
	v35 =	vld [tilespmem:$0x1FF20];
	[tilespmem:$0x730] =	vst v5;
	v47 =	vadd.s32 $0x2E630, v8;
	v8 =	vadd.s32 $0xFFFD19D0, v9;
	v6 =	vshrl.u32 v7, $0x6  }
0xa8: {  	v46 =	vmovc v49;
	v49 =	vmovc v50;
	v39 =	vld [tilespmem:$0x1FF40];
	[tilespmem:$0x4B0] =	vst v1;
	vm12 =	vgt.s32 v8, $0x0;
	v50 =	vadd.s32 $0x2E630, v6;
	v6 =	vadd.s32 $0xFFFD19D0, v4  }
0xa9: {  	v15 =	vld [tilespmem:$0x1FE80];
	[tilespmem:$0x740] =	vst v52;
	v2 =	vsel vm10, v12, v47;
	v5 =	vnsel vm12, $0x0, v8;
	vm13 =	vgt.s32 v6, $0x0  }
0xaa: {  	v10 =	vmovc v54;
	v41 =	vld [tilespmem:$0x1FF50];
	v12 =	vmovc v56;
	v56 =	vand.u32 $0x3F, v7;
	[tilespmem:$0x4C0] =	vst v2;
	v54 =	vmin.u32 v5, $0xC5C0F;
	v5 =	vnsel vm13, $0x0, v6  }
0xab: {  	v43 =	vld [tilespmem:$0x1FF60];
	[tilespmem:$0x750] =	vst v56;
	v1 =	vsel vm11, v13, v50;
	v8 =	vmovc v58;
	v58 =	vmovc v57;
	v6 =	vshrl.u32 v54, $0x6;
	v5 =	vmin.u32 v5, $0xC5C0F  }
0xac: {  	v11 =	vld [tilespmem:$0x1FE60];
	v7 =	vmovc v60;
	v60 =	vmovc v59;
	[tilespmem:$0x4D0] =	vst v1;
	v34 =	vand.u32 $0x3F, v54;
	v57 =	vadd.s32 $0x2E630, v6;
	v59 =	vshrl.u32 v5, $0x6  }
0xad: {  	vm15 =	vlt.s32 v4, $0x2E630;
	v45 =	vld [tilespmem:$0x1FF70];
	[tilespmem:$0x760] =	vst v34;
	v1 =	vsel vm14, v9, v57;
	v2 =	vadd.s32 $0x2E630, v59  }
0xae: {  	v52 =	vld [tilespmem:$0x1FFA0];
	[tilespmem:$0x4E0] =	vst v1;
	v1 =	vsel vm15, v4, v2  }
0xaf: {  	v47 =	vld [tilespmem:$0x1FF80];
	[tilespmem:$0x4F0] =	vst v1;
	v1 =	vand.u32 $0x3F, v5  }
0xb0: {  	v56 =	vld [tilespmem:$0x1FFC0];
	[tilespmem:$0x770] =	vst v1  }
0xb1: {  	v50 =	vld [tilespmem:$0x1FF90];
	[tilespmem:s12], [sflag:$0x1] =	stream.indirect.gather [hbm4b:s1+s10], $0x80, s11, s10, $0xb8  }
0xb2: {  	v13 =	vld [tilespmem:$0x1FE70]  }
0xb3: {  	v54 =	vld [tilespmem:$0x1FFB0];
	[tilespmem:s14], [sflag:$0x1] =	stream.indirect.gather [hbm4b:s1+s10], $0x80, s13, s10, $0xb8  }
0xb4: {  	v6 =	vld [tilespmem:$0x1FE40]  }
0xb5: {  	v57 =	vld [tilespmem:$0x1FFD0];
	[tilespmem:s16], [sflag:$0x1] =	stream.indirect.gather [hbm4b:s1+s10], $0x80, s15, s10, $0xb8  }
0xb6: {  	v9 =	vld [tilespmem:$0x1FE50]  }
0xb7: {  	v34 =	vmov v62;
	v62 =	vmov v61;
	v61 =	vld [tilespmem:$0x1FFF0];
	[tilespmem:s18], [sflag:$0x1] =	stream.indirect.gather [hbm4b:s1+s10], $0x80, s17, s10, $0xb8  }
0xb8: {  	v59 =	vld [tilespmem:$0x1FFE0]  }
0xb9: {  	v4 =	vld [tilespmem:$0x1FE20];
	[tilespmem:s20], [sflag:$0x1] =	stream.indirect.gather [hbm4b:s1+s10], $0x80, s19, s10, $0xb8  }
0xba: {  	v5 =	vld [tilespmem:$0x1FE30];
	_ =	swait.ge [sflag:s21], $0x4000  }
0xbb: {  	[sflag:s21] =	ssyncset.done $0x0  }
0xbc: {  	[sflag:s21] =	ssyncadd.s32 $0xFFFFC000  }
0xbd: {  	_ =	swait.ge [sflag:s21], $0x4000  }
0xbe: {  	[sflag:s21] =	ssyncset.done $0x0  }
0xbf: {  	[sflag:s21] =	ssyncadd.s32 $0xFFFFC000  }
0xc0: {  	_ =	swait.ge [sflag:s21], $0x4000  }
0xc1: {  	[sflag:s21] =	ssyncset.done $0x0  }
0xc2: {  	[sflag:s21] =	ssyncadd.s32 $0xFFFFC000  }
0xc3: {  	_ =	swait.ge [sflag:s21], $0x4000  }
0xc4: {  	[sflag:s21] =	ssyncset.done $0x0  }
0xc5: {  	[sflag:s21] =	ssyncadd.s32 $0xFFFFC000  }
0xc6: {  	_ =	swait.ge [sflag:s21], $0x4000  }
0xc7: {  	[sflag:s21] =	ssyncset.done $0x0  }
0xc8: {  	[sflag:s21] =	ssyncadd.s32 $0xFFFFC000  }
0xc9: {  	[hbm4b:s26+s3] =	stream.linear.scatter [tilespmem:s12], [sflag:$0x2], $0x14000, $0x38;
	[tilespmem:$0x14C80] =	vst v63  }
0xca: {  	v1 =	vld [tilespmem:$0x500];
	_ =	sdelay $0x4  }
0xcb: {  	v2 =	vadd.s32 v48, v1;
	_ =	sdelay $0x4  }
0xcc: {  	v2 =	vld.idx.msk [tilespmem:v2+s12+$0x0], $0xffff  }
0xcd: {  	v1 =	vadd.s32 v4, v1  }
0xce: {  	v3 =	vld [tilespmem:$0x510];
	_ =	sdelay $0x2  }
0xcf: {  	[tilespmem:$0x14780] =	vst v2  }
0xd0: {  	v1 =	vld.idx.msk [tilespmem:v1+s12+$0x0], $0xffff  }
0xd1: {  	v2 =	vadd.s32 v6, v3;
	_ =	sdelay $0x3  }
0xd2: {  	[tilespmem:$0x14A00] =	vst v1  }
0xd3: {  	v1 =	vld.idx.msk [tilespmem:v2+s12+$0x0], $0xffff  }
0xd4: {  	v2 =	vadd.s32 v9, v3  }
0xd5: {  	v3 =	vld [tilespmem:$0x520];
	_ =	sdelay $0x2  }
0xd6: {  	[tilespmem:$0x14790] =	vst v1  }
0xd7: {  	v1 =	vld.idx.msk [tilespmem:v2+s12+$0x0], $0xffff  }
0xd8: {  	v2 =	vadd.s32 v11, v3;
	_ =	sdelay $0x3  }
0xd9: {  	[tilespmem:$0x14A10] =	vst v1  }
0xda: {  	v1 =	vld.idx.msk [tilespmem:v2+s12+$0x0], $0xffff  }
0xdb: {  	v2 =	vadd.s32 v13, v3  }
0xdc: {  	v3 =	vld [tilespmem:$0x530];
	_ =	sdelay $0x2  }
0xdd: {  	[tilespmem:$0x147A0] =	vst v1  }
0xde: {  	v1 =	vld.idx.msk [tilespmem:v2+s12+$0x0], $0xffff  }
0xdf: {  	v2 =	vadd.s32 v15, v3;
	_ =	sdelay $0x3  }
0xe0: {  	[tilespmem:$0x14A20] =	vst v1  }
0xe1: {  	v1 =	vld.idx.msk [tilespmem:v2+s12+$0x0], $0xffff  }
0xe2: {  	v2 =	vadd.s32 v17, v3  }
0xe3: {  	v3 =	vld [tilespmem:$0x540];
	_ =	sdelay $0x2  }
0xe4: {  	[tilespmem:$0x147B0] =	vst v1  }
0xe5: {  	v1 =	vld.idx.msk [tilespmem:v2+s12+$0x0], $0xffff  }
0xe6: {  	v2 =	vadd.s32 v19, v3;
	_ =	sdelay $0x3  }
0xe7: {  	[tilespmem:$0x14A30] =	vst v1  }
0xe8: {  	v1 =	vld.idx.msk [tilespmem:v2+s12+$0x0], $0xffff  }
0xe9: {  	v2 =	vadd.s32 v21, v3  }
0xea: {  	v3 =	vld [tilespmem:$0x550];
	_ =	sdelay $0x2  }
0xeb: {  	[tilespmem:$0x147C0] =	vst v1  }
0xec: {  	v1 =	vld.idx.msk [tilespmem:v2+s12+$0x0], $0xffff  }
0xed: {  	v2 =	vadd.s32 v23, v3;
	_ =	sdelay $0x3  }
0xee: {  	[tilespmem:$0x14A40] =	vst v1  }
0xef: {  	v1 =	vld.idx.msk [tilespmem:v2+s12+$0x0], $0xffff  }
0xf0: {  	v2 =	vadd.s32 v25, v3  }
0xf1: {  	v3 =	vld [tilespmem:$0x560];
	_ =	sdelay $0x2  }
0xf2: {  	[tilespmem:$0x147D0] =	vst v1  }
0xf3: {  	v1 =	vld.idx.msk [tilespmem:v2+s12+$0x0], $0xffff  }
0xf4: {  	v2 =	vadd.s32 v27, v3;
	_ =	sdelay $0x3  }
0xf5: {  	[tilespmem:$0x14A50] =	vst v1  }
0xf6: {  	v1 =	vld.idx.msk [tilespmem:v2+s12+$0x0], $0xffff  }
0xf7: {  	v2 =	vadd.s32 v29, v3  }
0xf8: {  	v3 =	vld [tilespmem:$0x570];
	_ =	sdelay $0x2  }
0xf9: {  	[tilespmem:$0x147E0] =	vst v1  }
0xfa: {  	v1 =	vld.idx.msk [tilespmem:v2+s12+$0x0], $0xffff  }
0xfb: {  	v2 =	vadd.s32 v31, v3;
	_ =	sdelay $0x3  }
0xfc: {  	[tilespmem:$0x14A60] =	vst v1  }
0xfd: {  	v1 =	vld.idx.msk [tilespmem:v2+s12+$0x0], $0xffff  }
0xfe: {  	v2 =	vadd.s32 v0, v3  }
0xff: {  	v3 =	vld [tilespmem:$0x580];
	_ =	sdelay $0x2  }
0x100: {  	[tilespmem:$0x147F0] =	vst v1  }
0x101: {  	v1 =	vld.idx.msk [tilespmem:v2+s12+$0x0], $0xffff  }
0x102: {  	v35 =	vadd.s32 v35, v3;
	_ =	sdelay $0x3  }
0x103: {  	[tilespmem:$0x14A70] =	vst v1  }
0x104: {  	v1 =	vld.idx.msk [tilespmem:v35+s12+$0x0], $0xffff  }
0x105: {  	v35 =	vadd.s32 v37, v3  }
0x106: {  	v37 =	vld [tilespmem:$0x590];
	_ =	sdelay $0x2  }
0x107: {  	[tilespmem:$0x14800] =	vst v1  }
0x108: {  	v1 =	vld.idx.msk [tilespmem:v35+s12+$0x0], $0xffff  }
0x109: {  	v35 =	vadd.s32 v39, v37;
	_ =	sdelay $0x3  }
0x10a: {  	[tilespmem:$0x14A80] =	vst v1  }
0x10b: {  	v1 =	vld.idx.msk [tilespmem:v35+s12+$0x0], $0xffff  }
0x10c: {  	v37 =	vadd.s32 v41, v37  }
0x10d: {  	v39 =	vld [tilespmem:$0x5A0];
	_ =	sdelay $0x2  }
0x10e: {  	[tilespmem:$0x14810] =	vst v1  }
0x10f: {  	v1 =	vld.idx.msk [tilespmem:v37+s12+$0x0], $0xffff  }
0x110: {  	v41 =	vadd.s32 v43, v39;
	_ =	sdelay $0x3  }
0x111: {  	[tilespmem:$0x14A90] =	vst v1  }
0x112: {  	v1 =	vld.idx.msk [tilespmem:v41+s12+$0x0], $0xffff  }
0x113: {  	v43 =	vadd.s32 v45, v39  }
0x114: {  	v45 =	vld [tilespmem:$0x5B0];
	_ =	sdelay $0x2  }
0x115: {  	[tilespmem:$0x14820] =	vst v1  }
0x116: {  	v1 =	vld.idx.msk [tilespmem:v43+s12+$0x0], $0xffff  }
0x117: {  	v47 =	vadd.s32 v47, v45;
	_ =	sdelay $0x3  }
0x118: {  	[tilespmem:$0x14AA0] =	vst v1  }
0x119: {  	v1 =	vld.idx.msk [tilespmem:v47+s12+$0x0], $0xffff  }
0x11a: {  	v50 =	vadd.s32 v50, v45  }
0x11b: {  	v35 =	vld [tilespmem:$0x5C0];
	_ =	sdelay $0x2  }
0x11c: {  	[tilespmem:$0x14830] =	vst v1  }
0x11d: {  	v1 =	vld.idx.msk [tilespmem:v50+s12+$0x0], $0xffff  }
0x11e: {  	v37 =	vadd.s32 v52, v35;
	_ =	sdelay $0x3  }
0x11f: {  	[tilespmem:$0x14AB0] =	vst v1  }
0x120: {  	v1 =	vld.idx.msk [tilespmem:v37+s12+$0x0], $0xffff  }
0x121: {  	v39 =	vadd.s32 v54, v35  }
0x122: {  	v41 =	vld [tilespmem:$0x5D0];
	_ =	sdelay $0x2  }
0x123: {  	[tilespmem:$0x14840] =	vst v1  }
0x124: {  	v1 =	vld.idx.msk [tilespmem:v39+s12+$0x0], $0xffff  }
0x125: {  	v43 =	vadd.s32 v56, v41;
	_ =	sdelay $0x3  }
0x126: {  	[tilespmem:$0x14AC0] =	vst v1  }
0x127: {  	v1 =	vld.idx.msk [tilespmem:v43+s12+$0x0], $0xffff  }
0x128: {  	v45 =	vadd.s32 v57, v41  }
0x129: {  	v47 =	vld [tilespmem:$0x5E0];
	_ =	sdelay $0x2  }
0x12a: {  	[tilespmem:$0x14850] =	vst v1  }
0x12b: {  	v1 =	vld.idx.msk [tilespmem:v45+s12+$0x0], $0xffff  }
0x12c: {  	v50 =	vadd.s32 v59, v47;
	_ =	sdelay $0x3  }
0x12d: {  	[tilespmem:$0x14AD0] =	vst v1  }
0x12e: {  	v1 =	vld.idx.msk [tilespmem:v50+s12+$0x0], $0xffff  }
0x12f: {  	v52 =	vadd.s32 v61, v47  }
0x130: {  	v54 =	vld [tilespmem:$0x5F0];
	_ =	sdelay $0x2  }
0x131: {  	[tilespmem:$0x14860] =	vst v1  }
0x132: {  	v1 =	vld.idx.msk [tilespmem:v52+s12+$0x0], $0xffff  }
0x133: {  	v56 =	vadd.s32 v63, v54;
	_ =	sdelay $0x3  }
0x134: {  	[tilespmem:$0x14AE0] =	vst v1  }
0x135: {  	v1 =	vld.idx.msk [tilespmem:v56+s12+$0x0], $0xffff  }
0x136: {  	v57 =	vadd.s32 v34, v54  }
0x137: {  	v59 =	vld [tilespmem:$0x600];
	_ =	sdelay $0x2  }
0x138: {  	[tilespmem:$0x14870] =	vst v1  }
0x139: {  	v1 =	vld.idx.msk [tilespmem:v57+s12+$0x0], $0xffff  }
0x13a: {  	v61 =	vadd.s32 v5, v59;
	_ =	sdelay $0x3  }
0x13b: {  	[tilespmem:$0x14AF0] =	vst v1  }
0x13c: {  	v1 =	vld.idx.msk [tilespmem:v61+s12+$0x0], $0xffff  }
0x13d: {  	v35 =	vadd.s32 v7, v59  }
0x13e: {  	v37 =	vld [tilespmem:$0x610];
	_ =	sdelay $0x2  }
0x13f: {  	[tilespmem:$0x14880] =	vst v1  }
0x140: {  	v1 =	vld.idx.msk [tilespmem:v35+s12+$0x0], $0xffff  }
0x141: {  	v39 =	vadd.s32 v8, v37;
	_ =	sdelay $0x3  }
0x142: {  	[tilespmem:$0x14B00] =	vst v1  }
0x143: {  	v1 =	vld.idx.msk [tilespmem:v39+s12+$0x0], $0xffff  }
0x144: {  	v41 =	vadd.s32 v10, v37  }
0x145: {  	v43 =	vld [tilespmem:$0x620];
	_ =	sdelay $0x2  }
0x146: {  	[tilespmem:$0x14890] =	vst v1  }
0x147: {  	v1 =	vld.idx.msk [tilespmem:v41+s12+$0x0], $0xffff  }
0x148: {  	v45 =	vadd.s32 v12, v43;
	_ =	sdelay $0x3  }
0x149: {  	[tilespmem:$0x14B10] =	vst v1  }
0x14a: {  	v1 =	vld.idx.msk [tilespmem:v45+s12+$0x0], $0xffff  }
0x14b: {  	v47 =	vadd.s32 v14, v43  }
0x14c: {  	v50 =	vld [tilespmem:$0x630];
	_ =	sdelay $0x2  }
0x14d: {  	[tilespmem:$0x148A0] =	vst v1  }
0x14e: {  	v1 =	vld.idx.msk [tilespmem:v47+s12+$0x0], $0xffff  }
0x14f: {  	v52 =	vadd.s32 v16, v50;
	_ =	sdelay $0x3  }
0x150: {  	[tilespmem:$0x14B20] =	vst v1  }
0x151: {  	v1 =	vld.idx.msk [tilespmem:v52+s12+$0x0], $0xffff  }
0x152: {  	v54 =	vadd.s32 v18, v50  }
0x153: {  	v56 =	vld [tilespmem:$0x640];
	_ =	sdelay $0x2  }
0x154: {  	[tilespmem:$0x148B0] =	vst v1  }
0x155: {  	v1 =	vld.idx.msk [tilespmem:v54+s12+$0x0], $0xffff  }
0x156: {  	v57 =	vadd.s32 v20, v56;
	_ =	sdelay $0x3  }
0x157: {  	[tilespmem:$0x14B30] =	vst v1  }
0x158: {  	v1 =	vld.idx.msk [tilespmem:v57+s12+$0x0], $0xffff  }
0x159: {  	v59 =	vadd.s32 v22, v56  }
0x15a: {  	v61 =	vld [tilespmem:$0x650];
	_ =	sdelay $0x2  }
0x15b: {  	[tilespmem:$0x148C0] =	vst v1  }
0x15c: {  	v1 =	vld.idx.msk [tilespmem:v59+s12+$0x0], $0xffff  }
0x15d: {  	v35 =	vadd.s32 v24, v61;
	_ =	sdelay $0x3  }
0x15e: {  	[tilespmem:$0x14B40] =	vst v1  }
0x15f: {  	v1 =	vld.idx.msk [tilespmem:v35+s12+$0x0], $0xffff  }
0x160: {  	v37 =	vadd.s32 v26, v61  }
0x161: {  	v39 =	vld [tilespmem:$0x660];
	_ =	sdelay $0x2  }
0x162: {  	[tilespmem:$0x148D0] =	vst v1  }
0x163: {  	v1 =	vld.idx.msk [tilespmem:v37+s12+$0x0], $0xffff  }
0x164: {  	v41 =	vadd.s32 v28, v39;
	_ =	sdelay $0x3  }
0x165: {  	[tilespmem:$0x14B50] =	vst v1  }
0x166: {  	v1 =	vld.idx.msk [tilespmem:v41+s12+$0x0], $0xffff  }
0x167: {  	v43 =	vadd.s32 v30, v39  }
0x168: {  	v45 =	vld [tilespmem:$0x670];
	_ =	sdelay $0x2  }
0x169: {  	[tilespmem:$0x148E0] =	vst v1  }
0x16a: {  	v1 =	vld.idx.msk [tilespmem:v43+s12+$0x0], $0xffff  }
0x16b: {  	v47 =	vadd.s32 v32, v45;
	_ =	sdelay $0x3  }
0x16c: {  	[tilespmem:$0x14B60] =	vst v1  }
0x16d: {  	v1 =	vld.idx.msk [tilespmem:v47+s12+$0x0], $0xffff  }
0x16e: {  	v50 =	vadd.s32 v33, v45  }
0x16f: {  	v52 =	vld [tilespmem:$0x680];
	_ =	sdelay $0x2  }
0x170: {  	[tilespmem:$0x148F0] =	vst v1  }
0x171: {  	v1 =	vld.idx.msk [tilespmem:v50+s12+$0x0], $0xffff  }
0x172: {  	v54 =	vadd.s32 v36, v52;
	_ =	sdelay $0x3  }
0x173: {  	[tilespmem:$0x14B70] =	vst v1  }
0x174: {  	v1 =	vld.idx.msk [tilespmem:v54+s12+$0x0], $0xffff  }
0x175: {  	v56 =	vadd.s32 v38, v52  }
0x176: {  	v57 =	vld [tilespmem:$0x690];
	_ =	sdelay $0x2  }
0x177: {  	[tilespmem:$0x14900] =	vst v1  }
0x178: {  	v1 =	vld.idx.msk [tilespmem:v56+s12+$0x0], $0xffff  }
0x179: {  	v59 =	vadd.s32 v40, v57;
	_ =	sdelay $0x3  }
0x17a: {  	[tilespmem:$0x14B80] =	vst v1  }
0x17b: {  	v1 =	vld.idx.msk [tilespmem:v59+s12+$0x0], $0xffff  }
0x17c: {  	v61 =	vadd.s32 v42, v57  }
0x17d: {  	v35 =	vld [tilespmem:$0x6A0];
	_ =	sdelay $0x2  }
0x17e: {  	[tilespmem:$0x14910] =	vst v1  }
0x17f: {  	v1 =	vld.idx.msk [tilespmem:v61+s12+$0x0], $0xffff  }
0x180: {  	v37 =	vadd.s32 v44, v35;
	_ =	sdelay $0x3  }
0x181: {  	[tilespmem:$0x14B90] =	vst v1  }
0x182: {  	v1 =	vld.idx.msk [tilespmem:v37+s12+$0x0], $0xffff  }
0x183: {  	v39 =	vadd.s32 v46, v35  }
0x184: {  	v41 =	vld [tilespmem:$0x6B0];
	_ =	sdelay $0x2  }
0x185: {  	[tilespmem:$0x14920] =	vst v1  }
0x186: {  	v1 =	vld.idx.msk [tilespmem:v39+s12+$0x0], $0xffff  }
0x187: {  	v43 =	vadd.s32 v49, v41;
	_ =	sdelay $0x3  }
0x188: {  	[tilespmem:$0x14BA0] =	vst v1  }
0x189: {  	v1 =	vld.idx.msk [tilespmem:v43+s12+$0x0], $0xffff  }
0x18a: {  	v45 =	vadd.s32 v51, v41  }
0x18b: {  	v47 =	vld [tilespmem:$0x6C0];
	_ =	sdelay $0x2  }
0x18c: {  	[tilespmem:$0x14930] =	vst v1  }
0x18d: {  	v1 =	vld.idx.msk [tilespmem:v45+s12+$0x0], $0xffff  }
0x18e: {  	v50 =	vadd.s32 v53, v47;
	_ =	sdelay $0x3  }
0x18f: {  	[tilespmem:$0x14BB0] =	vst v1  }
0x190: {  	v1 =	vld.idx.msk [tilespmem:v50+s12+$0x0], $0xffff  }
0x191: {  	v52 =	vadd.s32 v55, v47  }
0x192: {  	v54 =	vld [tilespmem:$0x6D0];
	_ =	sdelay $0x2  }
0x193: {  	[tilespmem:$0x14940] =	vst v1  }
0x194: {  	v1 =	vld.idx.msk [tilespmem:v52+s12+$0x0], $0xffff  }
0x195: {  	v56 =	vadd.s32 v58, v54;
	_ =	sdelay $0x3  }
0x196: {  	[tilespmem:$0x14BC0] =	vst v1  }
0x197: {  	v1 =	vld.idx.msk [tilespmem:v56+s12+$0x0], $0xffff  }
0x198: {  	v57 =	vadd.s32 v60, v54  }
0x199: {  	v59 =	vld [tilespmem:$0x6E0];
	_ =	sdelay $0x2  }
0x19a: {  	[tilespmem:$0x14950] =	vst v1  }
0x19b: {  	v1 =	vld.idx.msk [tilespmem:v57+s12+$0x0], $0xffff  }
0x19c: {  	v61 =	vadd.s32 v62, v59  }
0x19d: {  	v35 =	vld [tilespmem:$0x1FDF0];
	_ =	sdelay $0x2  }
0x19e: {  	[tilespmem:$0x14BD0] =	vst v1  }
0x19f: {  	v1 =	vld.idx.msk [tilespmem:v61+s12+$0x0], $0xffff  }
0x1a0: {  	v2 =	vadd.s32 v35, v59;
	v37 =	vld [tilespmem:$0x6F0]  }
0x1a1: {  	v39 =	vld [tilespmem:$0x1FE00];
	_ =	sdelay $0x2  }
0x1a2: {  	[tilespmem:$0x14960] =	vst v1  }
0x1a3: {  	v1 =	vld.idx.msk [tilespmem:v2+s12+$0x0], $0xffff  }
0x1a4: {  	v2 =	vadd.s32 v39, v37  }
0x1a5: {  	v41 =	vld [tilespmem:$0x1FE10];
	_ =	sdelay $0x2  }
0x1a6: {  	[tilespmem:$0x14BE0] =	vst v1  }
0x1a7: {  	v1 =	vld.idx.msk [tilespmem:v2+s12+$0x0], $0xffff  }
0x1a8: {  	v2 =	vadd.s32 v41, v37  }
0x1a9: {  	v43 =	vld [tilespmem:$0x700];
	_ =	sdelay $0x2  }
0x1aa: {  	[tilespmem:$0x14970] =	vst v1  }
0x1ab: {  	v45 =	vor.u32 $0x10000, v48;
	v1 =	vld.idx.msk [tilespmem:v2+s12+$0x0], $0xffff  }
0x1ac: {  	v2 =	vadd.s32 v45, v43;
	_ =	sdelay $0x3  }
0x1ad: {  	[tilespmem:$0x14BF0] =	vst v1  }
0x1ae: {  	v47 =	vor.u32 $0x10040, v48;
	v1 =	vld.idx.msk [tilespmem:v2+s12+$0x0], $0xffff  }
0x1af: {  	v2 =	vadd.s32 v47, v43  }
0x1b0: {  	v50 =	vld [tilespmem:$0x710];
	_ =	sdelay $0x2  }
0x1b1: {  	[tilespmem:$0x14980] =	vst v1  }
0x1b2: {  	v52 =	vor.u32 $0x10800, v48;
	v1 =	vld.idx.msk [tilespmem:v2+s12+$0x0], $0xffff  }
0x1b3: {  	v2 =	vadd.s32 v52, v50;
	_ =	sdelay $0x3  }
0x1b4: {  	[tilespmem:$0x14C00] =	vst v1  }
0x1b5: {  	v54 =	vor.u32 $0x10840, v48;
	v1 =	vld.idx.msk [tilespmem:v2+s12+$0x0], $0xffff  }
0x1b6: {  	v2 =	vadd.s32 v54, v50  }
0x1b7: {  	v56 =	vld [tilespmem:$0x720];
	_ =	sdelay $0x2  }
0x1b8: {  	[tilespmem:$0x14990] =	vst v1  }
0x1b9: {  	v57 =	vor.u32 $0x11000, v48;
	v1 =	vld.idx.msk [tilespmem:v2+s12+$0x0], $0xffff  }
0x1ba: {  	v2 =	vadd.s32 v57, v56;
	_ =	sdelay $0x3  }
0x1bb: {  	[tilespmem:$0x14C10] =	vst v1  }
0x1bc: {  	v59 =	vor.u32 $0x11040, v48;
	v1 =	vld.idx.msk [tilespmem:v2+s12+$0x0], $0xffff  }
0x1bd: {  	v2 =	vadd.s32 v59, v56  }
0x1be: {  	v61 =	vld [tilespmem:$0x730];
	_ =	sdelay $0x2  }
0x1bf: {  	[tilespmem:$0x149A0] =	vst v1  }
0x1c0: {  	v35 =	vor.u32 $0x11800, v48;
	v1 =	vld.idx.msk [tilespmem:v2+s12+$0x0], $0xffff  }
0x1c1: {  	v2 =	vadd.s32 v35, v61;
	_ =	sdelay $0x3  }
0x1c2: {  	[tilespmem:$0x14C20] =	vst v1  }
0x1c3: {  	v37 =	vor.u32 $0x11840, v48;
	v1 =	vld.idx.msk [tilespmem:v2+s12+$0x0], $0xffff  }
0x1c4: {  	v2 =	vadd.s32 v37, v61  }
0x1c5: {  	v39 =	vld [tilespmem:$0x740];
	_ =	sdelay $0x2  }
0x1c6: {  	[tilespmem:$0x149B0] =	vst v1  }
0x1c7: {  	v41 =	vor.u32 $0x12000, v48;
	v1 =	vld.idx.msk [tilespmem:v2+s12+$0x0], $0xffff  }
0x1c8: {  	v2 =	vadd.s32 v41, v39;
	_ =	sdelay $0x3  }
0x1c9: {  	[tilespmem:$0x14C30] =	vst v1  }
0x1ca: {  	v43 =	vor.u32 $0x12040, v48;
	v1 =	vld.idx.msk [tilespmem:v2+s12+$0x0], $0xffff  }
0x1cb: {  	v2 =	vadd.s32 v43, v39  }
0x1cc: {  	v45 =	vld [tilespmem:$0x750];
	_ =	sdelay $0x2  }
0x1cd: {  	[tilespmem:$0x149C0] =	vst v1  }
0x1ce: {  	v47 =	vor.u32 $0x12800, v48;
	v1 =	vld.idx.msk [tilespmem:v2+s12+$0x0], $0xffff  }
0x1cf: {  	v2 =	vadd.s32 v47, v45;
	_ =	sdelay $0x3  }
0x1d0: {  	[tilespmem:$0x14C40] =	vst v1  }
0x1d1: {  	v50 =	vor.u32 $0x12840, v48;
	v1 =	vld.idx.msk [tilespmem:v2+s12+$0x0], $0xffff  }
0x1d2: {  	v2 =	vadd.s32 v50, v45  }
0x1d3: {  	v52 =	vld [tilespmem:$0x760];
	_ =	sdelay $0x2  }
0x1d4: {  	[tilespmem:$0x149D0] =	vst v1  }
0x1d5: {  	v54 =	vor.u32 $0x13000, v48;
	v1 =	vld.idx.msk [tilespmem:v2+s12+$0x0], $0xffff  }
0x1d6: {  	v2 =	vadd.s32 v54, v52;
	_ =	sdelay $0x3  }
0x1d7: {  	[tilespmem:$0x14C50] =	vst v1  }
0x1d8: {  	v56 =	vor.u32 $0x13040, v48;
	v1 =	vld.idx.msk [tilespmem:v2+s12+$0x0], $0xffff  }
0x1d9: {  	v2 =	vadd.s32 v56, v52  }
0x1da: {  	v57 =	vld [tilespmem:$0x770];
	_ =	sdelay $0x2  }
0x1db: {  	[tilespmem:$0x149E0] =	vst v1  }
0x1dc: {  	v59 =	vor.u32 $0x13800, v48;
	v1 =	vld.idx.msk [tilespmem:v2+s12+$0x0], $0xffff  }
0x1dd: {  	v2 =	vadd.s32 v59, v57;
	_ =	sdelay $0x3  }
0x1de: {  	[tilespmem:$0x14C60] =	vst v1  }
0x1df: {  	v61 =	vor.u32 $0x13840, v48;
	v1 =	vld.idx.msk [tilespmem:v2+s12+$0x0], $0xffff  }
0x1e0: {  	v2 =	vadd.s32 v61, v57;
	_ =	sdelay $0x3  }
0x1e1: {  	[tilespmem:$0x149F0] =	vst v1  }
0x1e2: {  	v1 =	vld.idx.msk [tilespmem:v2+s12+$0x0], $0xffff;
	_ =	sdelay $0x4  }
0x1e3: {  	s30 =	sadd.s32 s28, s7;
	[tilespmem:$0x14C70] =	vst v1  }
0x1e4: {  	[hbm4b:s30+s3] =	stream.linear.scatter [tilespmem:s22], [sflag:$0x3], $0x280, $0x38;
	[tilespmem:$0x14C80] =	vst v63  }
0x1e5: {  	_ =	swait.ge [sflag:s9], $0x280  }
0x1e6: {  	[sflag:s9] =	ssyncset.done $0x0  }
0x1e7: {  	s31 =	sadd.s32 s28, s6;
	[sflag:s9] =	ssyncadd.s32 $0xFFFFFD80  }
0x1e8: {  	[hbm4b:s31+s3] =	stream.linear.scatter [tilespmem:s23], [sflag:$0x3], $0x280, $0x38;
	[tilespmem:$0x14C80] =	vst v63  }
0x1e9: {  	p0 =	sne.s32 s28, $0x2D0;
	_ =	swait.ge [sflag:s9], $0x280  }
.Ltmp0:
0x1ea: {  	[sflag:s9] =	ssyncset.done $0x0;
	(pc) =	sbr.rel @p0 .LBB2_2-.Ltmp0, $4  }
0x1eb: {  	[sflag:s9] =	ssyncadd.s32 $0xFFFFFD80  }
0x1ec: {  	_ =	swait.ge [sflag:s24], $0x14000  }
0x1ed: {  	[sflag:s24] =	ssyncset.done $0x0  }
0x1ee: {  	s28 =	sadd.s32 $0x50, s28;
	s26 =	sadd.s32 $0x2800, s26;
	[sflag:s24] =	ssyncadd.s32 $0xFFFEC000  }
0x1ef: {  	s25 =	sadd.s32 $0x1, s25  }
0x1f0: {  	p0 =	sne.s32 s25, s4  }
.Ltmp1:
0x1f1: {  	_ = 	snop;
	(pc) =	sbr.rel @p0 .LBB2_1-.Ltmp1, $1  }
0x1f2: {  	_ =	sdelay $0x3  }
0x1f3: {  	_ =	sfence.sel $0x180000  }
0x1f4: {  	[bflag:$0x0] =	sbarrier.arrive $0xFFFF  }
0x1f5: {  	p0 =	sne.s32 s2, $0x0;
	_ =	strace $0x90000047  }
0x1f6: {  	s0 =	sadd.s32 @!p0 $0x100000, s0;
	[bflag:$0x2] =	sbarrier.arrive $0xFFFF  }
0x1f7: {  	[sflag:s0] =	ssyncadd.tile.s32 @!p0 $0x1;
	_ =	shalt  }
.Lfunc_end2:
_tile_overlayer_lowered:
.L_overlay_start_2:
0x1f8: {  	(tag) =	ssettag $0x2  }
0x1f9: {  	s0 =	rddreg [dreg:$0x0];
	s2 =	stileid.u32  }
0x1fa: {  	s1 =	rddreg [dreg:$0x1];
	p0 =	sne.s32 s2, $0x0  }
0x1fb: {  	s3 =	rddreg [dreg:$0x2];
	[bflag:$0x3] =	sbarrier.arrive $0xFFFF;
	s2 =	simm.s32 @!p0 $0x1C03  }
0x1fc: {  	[timem:s3], [sflag:s2] =	dma.local @!p0 [hbm:s0], s1  }
0x1fd: {  	s0 =	simm.s32 @!p0 $0x3  }
0x1fe: {  	_ =	swait.ge @!p0 [sflag:s0], s1  }
0x1ff: {  	s1 =	ssub.s32 @!p0 $0x0, s1;
	[sflag:s0] =	ssyncset.done @!p0 $0x0  }
0x200: {  	[sflag:s0] =	ssyncadd.s32 @!p0 s1  }
0x201: {  	[bflag:$0x3] =	sbarrier.arrive $0xFFFF  }
0x202: {  	_ =	shalt  }

</sc_bundles>
